<compile_context>
chip_gen: v7x
topology: tpu7x:2x2x1
jax: 0.10.2.dev20260603
libtpu: 0.0.44.dev20260713+nightly
codegen_flags: <defaults>
</compile_context>

<pallas_src>
import functools

import jax
import jax.numpy as jnp
from jax import lax
from jax.experimental import pallas as pl
from jax.experimental.pallas import tpu as pltpu
from jax.experimental.pallas import tpu_sc as plsc

NXK = 256
ROWS = NXK * NXK
NC, NS = 2, 16
NW = NC * NS
RPW = ROWS // NW
CH = 128
NCHUNK = RPW // CH
NBUF = 3

_MESH = plsc.VectorSubcoreMesh(core_axis_name="c", subcore_axis_name="s")


@functools.partial(
    pl.kernel,
    out_type=jax.ShapeDtypeStruct((ROWS, NXK), jnp.float32),
    mesh=_MESH,
    scratch_types=[
        pltpu.VMEM((NBUF, CH, NXK), jnp.float32),
        pltpu.SemaphoreType.DMA((NBUF,)),
        pltpu.SemaphoreType.DMA((NBUF,)),
    ],
    compiler_params=pltpu.CompilerParams(
        use_tc_tiling_on_sc=False, needs_layout_passes=False
    ),
)
def _sc_copy_zero(x_hbm, o_hbm, buf, in_sems, out_sems):
    wid = lax.axis_index("s") * NC + lax.axis_index("c")
    base = wid * RPW

    def in_copy(i):
        return pltpu.make_async_copy(
            x_hbm.at[pl.ds(base + i * CH, CH), :],
            buf.at[i % NBUF],
            in_sems.at[i % NBUF],
        )

    def out_copy(i):
        return pltpu.make_async_copy(
            buf.at[i % NBUF],
            o_hbm.at[pl.ds(base + i * CH, CH), :],
            out_sems.at[i % NBUF],
        )

    lane = lax.iota(jnp.int32, 16)
    col = jnp.full((16,), NXK - 1, jnp.int32)
    zeros = jnp.zeros((16,), jnp.float32)

    for i in range(min(NBUF - 1, NCHUNK)):
        in_copy(i).start()
    for i in range(NCHUNK):
        in_copy(i).wait()
        s = jnp.full((16,), i % NBUF, jnp.int32)
        for j in range(CH // 16):
            plsc.store_scatter(buf, [s, lane + 16 * j, col], zeros)
        out_copy(i).start()
        if i + NBUF - 1 < NCHUNK:
            if i >= 1:
                out_copy(i - 1).wait()
            in_copy(i + NBUF - 1).start()
    for i in range(max(0, NCHUNK - NBUF), NCHUNK):
        out_copy(i).wait()


def kernel(r):
    flat = r.reshape(ROWS, NXK)
    return _sc_copy_zero(flat).reshape(r.shape)

# --- scband reference (transcript-rebuilt; emitter-appended) ---
"""Pipeline reference for scband-make-tensor-zero-in-the-middle-32177894982286 (READ-ONLY COPY).

The authoritative reference and input builder live on the scoring server;
editing this copy changes nothing except your own understanding.
"""

import jax, jax.numpy as jnp
import numpy as np

NX = 256

def setup_inputs(seed: int = 0) -> dict:
    key = jax.random.key(seed)
    r = jax.random.normal(key, (1, NX, NX, NX, 1), dtype=jnp.float32)
    return {"r": r}

def reference(r):
    # Faithful translation of the TF layer:
    #   tempr.assign(r)  -> functional copy
    #   tempr[0, :, :, nx-1, 0].assign(zeros) -> scatter-overwrite of one (nx, nx) plane
    nx = NX
    out = r.at[0, :, :, nx - 1, 0].set(jnp.zeros((nx, nx), dtype=r.dtype))
    return out

if __name__ == "__main__":
    import jax
    _d = setup_inputs()
    print(jax.jit(kernel)(*tuple(_d.values())))

</pallas_src>

<mosaic_0001>
#map = affine_map<(d0, d1) -> (0, 0)>
module attributes {stable_mosaic.version = 14 : i64} {
  func.func @_sc_copy_zero(%arg0: i32, %arg1: i32, %arg2: memref<65536x256xf32, #tpu.memory_space<hbm>>, %arg3: memref<65536x256xf32, #tpu.memory_space<hbm>>, %arg4: memref<3x128x256xf32, #tpu.memory_space<vmem>>, %arg5: memref<3x!tpu.dma_semaphore, #tpu.memory_space<semaphore_mem>>, %arg6: memref<3x!tpu.dma_semaphore, #tpu.memory_space<semaphore_mem>>) attributes {dimension_semantics = [#tpu.dimension_semantics<core_parallel>, #tpu.dimension_semantics<subcore_parallel>], iteration_bounds = array<i64: 2, 16>, scalar_prefetch = 0 : i64, scratch_operands = 3 : i64, tpu.core_type = #tpu.core_type<sc_vector_subcore>, window_params = [{transform_indices = #map}, {transform_indices = #map}]} {
    %mul3A = arith.constant 2 : i32
    %mul3A_0 = arith.muli %arg1, %mul3A : i32
    %add3A = arith.addi %mul3A_0, %arg0 : i32
    %mul3A_1 = arith.constant 2048 : i32
    %mul3A_2 = arith.muli %add3A, %mul3A_1 : i32
    %iota3A = tpu.iota {dimensions = array<i32: 0>} : vector<16xi32>
    %broadcast_in_dim3A = arith.constant 255 : i32
    %broadcast_in_dim3A_3 = vector.broadcast %broadcast_in_dim3A : i32 to vector<16xi32>
    %broadcast_in_dim3A_4 = arith.constant 0.000000e+00 : f32
    %broadcast_in_dim3A_5 = vector.broadcast %broadcast_in_dim3A_4 : f32 to vector<16xf32>
    %add3A_6 = arith.constant 0 : i32
    %add3A_7 = arith.addi %mul3A_2, %add3A_6 : i32
    %dma_start3A = arith.constant 0 : i32
    %dma_start3A_8 = arith.constant 0 : i32
    %dma_start3A_9 = arith.constant 0 : i32
    %dma_start3A_10 = arith.constant 0 : i32
    %dma_start3A_11 = tpu.memref_slice %arg4[%dma_start3A, %dma_start3A_9, %dma_start3A_10] : memref<3x128x256xf32, #tpu.memory_space<vmem>> -> memref<1x128x256xf32, #tpu.memory_space<vmem>>
    %dma_start3A_12 = tpu.memref_squeeze %dma_start3A_11 : memref<1x128x256xf32, #tpu.memory_space<vmem>> -> memref<128x256xf32, #tpu.memory_space<vmem>>
    %dma_start3A_13 = arith.constant 0 : i32
    %dma_start3A_14 = tpu.memref_slice %arg2[%add3A_7, %dma_start3A_13] : memref<65536x256xf32, #tpu.memory_space<hbm>> -> memref<128x256xf32, #tpu.memory_space<hbm>>
    %dma_start3A_15 = tpu.memref_slice %arg5[%dma_start3A_8] : memref<3x!tpu.dma_semaphore, #tpu.memory_space<semaphore_mem>> -> memref<1x!tpu.dma_semaphore, #tpu.memory_space<semaphore_mem>>
    %dma_start3A_16 = tpu.memref_squeeze %dma_start3A_15 : memref<1x!tpu.dma_semaphore, #tpu.memory_space<semaphore_mem>> -> memref<!tpu.dma_semaphore, #tpu.memory_space<semaphore_mem>>
    %dma_start3A_17 = arith.constant 0 : i32
    %dma_start3A_18 = arith.constant 0 : i32
    %dma_start3A_19 = tpu.memref_slice %arg4[%dma_start3A, %dma_start3A_17, %dma_start3A_18] : memref<3x128x256xf32, #tpu.memory_space<vmem>> -> memref<1x128x256xf32, #tpu.memory_space<vmem>>
    %dma_start3A_20 = tpu.memref_squeeze %dma_start3A_19 : memref<1x128x256xf32, #tpu.memory_space<vmem>> -> memref<128x256xf32, #tpu.memory_space<vmem>>
    %dma_start3A_21 = arith.constant 0 : i32
    %dma_start3A_22 = tpu.memref_slice %arg2[%add3A_7, %dma_start3A_21] : memref<65536x256xf32, #tpu.memory_space<hbm>> -> memref<128x256xf32, #tpu.memory_space<hbm>>
    tpu.enqueue_dma source(%dma_start3A_22 : memref<128x256xf32, #tpu.memory_space<hbm>>) target(%dma_start3A_20 : memref<128x256xf32, #tpu.memory_space<vmem>>) target_semaphore(%dma_start3A_16 : memref<!tpu.dma_semaphore, #tpu.memory_space<semaphore_mem>>)
    %add3A_23 = arith.constant 128 : i32
    %add3A_24 = arith.addi %mul3A_2, %add3A_23 : i32
    %dma_start3A_25 = arith.constant 1 : i32
    %dma_start3A_26 = arith.constant 1 : i32
    %dma_start3A_27 = arith.constant 0 : i32
    %dma_start3A_28 = arith.constant 0 : i32
    %dma_start3A_29 = tpu.memref_slice %arg4[%dma_start3A_25, %dma_start3A_27, %dma_start3A_28] : memref<3x128x256xf32, #tpu.memory_space<vmem>> -> memref<1x128x256xf32, #tpu.memory_space<vmem>>
    %dma_start3A_30 = tpu.memref_squeeze %dma_start3A_29 : memref<1x128x256xf32, #tpu.memory_space<vmem>> -> memref<128x256xf32, #tpu.memory_space<vmem>>
    %dma_start3A_31 = arith.constant 0 : i32
    %dma_start3A_32 = tpu.memref_slice %arg2[%add3A_24, %dma_start3A_31] : memref<65536x256xf32, #tpu.memory_space<hbm>> -> memref<128x256xf32, #tpu.memory_space<hbm>>
    %dma_start3A_33 = tpu.memref_slice %arg5[%dma_start3A_26] : memref<3x!tpu.dma_semaphore, #tpu.memory_space<semaphore_mem>> -> memref<1x!tpu.dma_semaphore, #tpu.memory_space<semaphore_mem>>
    %dma_start3A_34 = tpu.memref_squeeze %dma_start3A_33 : memref<1x!tpu.dma_semaphore, #tpu.memory_space<semaphore_mem>> -> memref<!tpu.dma_semaphore, #tpu.memory_space<semaphore_mem>>
    %dma_start3A_35 = arith.constant 0 : i32
    %dma_start3A_36 = arith.constant 0 : i32
    %dma_start3A_37 = tpu.memref_slice %arg4[%dma_start3A_25, %dma_start3A_35, %dma_start3A_36] : memref<3x128x256xf32, #tpu.memory_space<vmem>> -> memref<1x128x256xf32, #tpu.memory_space<vmem>>
    %dma_start3A_38 = tpu.memref_squeeze %dma_start3A_37 : memref<1x128x256xf32, #tpu.memory_space<vmem>> -> memref<128x256xf32, #tpu.memory_space<vmem>>
    %dma_start3A_39 = arith.constant 0 : i32
    %dma_start3A_40 = tpu.memref_slice %arg2[%add3A_24, %dma_start3A_39] : memref<65536x256xf32, #tpu.memory_space<hbm>> -> memref<128x256xf32, #tpu.memory_space<hbm>>
    tpu.enqueue_dma source(%dma_start3A_40 : memref<128x256xf32, #tpu.memory_space<hbm>>) target(%dma_start3A_38 : memref<128x256xf32, #tpu.memory_space<vmem>>) target_semaphore(%dma_start3A_34 : memref<!tpu.dma_semaphore, #tpu.memory_space<semaphore_mem>>)
    %add3A_41 = arith.constant 0 : i32
    %add3A_42 = arith.addi %mul3A_2, %add3A_41 : i32
    %dma_wait3A = arith.constant 0 : i32
    %dma_wait3A_43 = arith.constant 0 : i32
    %dma_wait3A_44 = arith.constant 0 : i32
    %dma_wait3A_45 = arith.constant 0 : i32
    %dma_wait3A_46 = tpu.memref_slice %arg4[%dma_wait3A, %dma_wait3A_44, %dma_wait3A_45] : memref<3x128x256xf32, #tpu.memory_space<vmem>> -> memref<1x128x256xf32, #tpu.memory_space<vmem>>
    %dma_wait3A_47 = tpu.memref_squeeze %dma_wait3A_46 : memref<1x128x256xf32, #tpu.memory_space<vmem>> -> memref<128x256xf32, #tpu.memory_space<vmem>>
    %dma_wait3A_48 = arith.constant 0 : i32
    %dma_wait3A_49 = tpu.memref_slice %arg2[%add3A_42, %dma_wait3A_48] : memref<65536x256xf32, #tpu.memory_space<hbm>> -> memref<128x256xf32, #tpu.memory_space<hbm>>
    %dma_wait3A_50 = tpu.memref_slice %arg5[%dma_wait3A_43] : memref<3x!tpu.dma_semaphore, #tpu.memory_space<semaphore_mem>> -> memref<1x!tpu.dma_semaphore, #tpu.memory_space<semaphore_mem>>
    %dma_wait3A_51 = tpu.memref_squeeze %dma_wait3A_50 : memref<1x!tpu.dma_semaphore, #tpu.memory_space<semaphore_mem>> -> memref<!tpu.dma_semaphore, #tpu.memory_space<semaphore_mem>>
    %dma_wait3A_52 = arith.constant 0 : i32
    %dma_wait3A_53 = arith.constant 0 : i32
    %dma_wait3A_54 = tpu.memref_slice %arg4[%dma_wait3A, %dma_wait3A_52, %dma_wait3A_53] : memref<3x128x256xf32, #tpu.memory_space<vmem>> -> memref<1x128x256xf32, #tpu.memory_space<vmem>>
    %dma_wait3A_55 = tpu.memref_squeeze %dma_wait3A_54 : memref<1x128x256xf32, #tpu.memory_space<vmem>> -> memref<128x256xf32, #tpu.memory_space<vmem>>
    %dma_wait3A_56 = arith.constant 0 : i32
    %dma_wait3A_57 = tpu.memref_slice %arg2[%add3A_42, %dma_wait3A_56] : memref<65536x256xf32, #tpu.memory_space<hbm>> -> memref<128x256xf32, #tpu.memory_space<hbm>>
    tpu.wait_dma2 semaphore(%dma_wait3A_51 : memref<!tpu.dma_semaphore, #tpu.memory_space<semaphore_mem>>) src(%dma_wait3A_57 : memref<128x256xf32, #tpu.memory_space<hbm>>) dst(%dma_wait3A_55 : memref<128x256xf32, #tpu.memory_space<vmem>>)
    %broadcast_in_dim3A_58 = arith.constant 0 : i32
    %broadcast_in_dim3A_59 = vector.broadcast %broadcast_in_dim3A_58 : i32 to vector<16xi32>
    %add3A_60 = arith.constant 0 : i32
    %add3A_61 = vector.broadcast %add3A_60 : i32 to vector<16xi32>
    %add3A_62 = arith.addi %iota3A, %add3A_61 : vector<16xi32>
    tpu.vector_store_idx %arg4[%broadcast_in_dim3A_59, %add3A_62, %broadcast_in_dim3A_3], %broadcast_in_dim3A_5 : memref<3x128x256xf32, #tpu.memory_space<vmem>>[vector<16xi32>, vector<16xi32>, vector<16xi32>], vector<16xf32>,
    %add3A_63 = arith.constant 16 : i32
    %add3A_64 = vector.broadcast %add3A_63 : i32 to vector<16xi32>
    %add3A_65 = arith.addi %iota3A, %add3A_64 : vector<16xi32>
    tpu.vector_store_idx %arg4[%broadcast_in_dim3A_59, %add3A_65, %broadcast_in_dim3A_3], %broadcast_in_dim3A_5 : memref<3x128x256xf32, #tpu.memory_space<vmem>>[vector<16xi32>, vector<16xi32>, vector<16xi32>], vector<16xf32>,
    %add3A_66 = arith.constant 32 : i32
    %add3A_67 = vector.broadcast %add3A_66 : i32 to vector<16xi32>
    %add3A_68 = arith.addi %iota3A, %add3A_67 : vector<16xi32>
    tpu.vector_store_idx %arg4[%broadcast_in_dim3A_59, %add3A_68, %broadcast_in_dim3A_3], %broadcast_in_dim3A_5 : memref<3x128x256xf32, #tpu.memory_space<vmem>>[vector<16xi32>, vector<16xi32>, vector<16xi32>], vector<16xf32>,
    %add3A_69 = arith.constant 48 : i32
    %add3A_70 = vector.broadcast %add3A_69 : i32 to vector<16xi32>
    %add3A_71 = arith.addi %iota3A, %add3A_70 : vector<16xi32>
    tpu.vector_store_idx %arg4[%broadcast_in_dim3A_59, %add3A_71, %broadcast_in_dim3A_3], %broadcast_in_dim3A_5 : memref<3x128x256xf32, #tpu.memory_space<vmem>>[vector<16xi32>, vector<16xi32>, vector<16xi32>], vector<16xf32>,
    %add3A_72 = arith.constant 64 : i32
    %add3A_73 = vector.broadcast %add3A_72 : i32 to vector<16xi32>
    %add3A_74 = arith.addi %iota3A, %add3A_73 : vector<16xi32>
    tpu.vector_store_idx %arg4[%broadcast_in_dim3A_59, %add3A_74, %broadcast_in_dim3A_3], %broadcast_in_dim3A_5 : memref<3x128x256xf32, #tpu.memory_space<vmem>>[vector<16xi32>, vector<16xi32>, vector<16xi32>], vector<16xf32>,
    %add3A_75 = arith.constant 80 : i32
    %add3A_76 = vector.broadcast %add3A_75 : i32 to vector<16xi32>
    %add3A_77 = arith.addi %iota3A, %add3A_76 : vector<16xi32>
    tpu.vector_store_idx %arg4[%broadcast_in_dim3A_59, %add3A_77, %broadcast_in_dim3A_3], %broadcast_in_dim3A_5 : memref<3x128x256xf32, #tpu.memory_space<vmem>>[vector<16xi32>, vector<16xi32>, vector<16xi32>], vector<16xf32>,
    %add3A_78 = arith.constant 96 : i32
    %add3A_79 = vector.broadcast %add3A_78 : i32 to vector<16xi32>
    %add3A_80 = arith.addi %iota3A, %add3A_79 : vector<16xi32>
    tpu.vector_store_idx %arg4[%broadcast_in_dim3A_59, %add3A_80, %broadcast_in_dim3A_3], %broadcast_in_dim3A_5 : memref<3x128x256xf32, #tpu.memory_space<vmem>>[vector<16xi32>, vector<16xi32>, vector<16xi32>], vector<16xf32>,
    %add3A_81 = arith.constant 112 : i32
    %add3A_82 = vector.broadcast %add3A_81 : i32 to vector<16xi32>
    %add3A_83 = arith.addi %iota3A, %add3A_82 : vector<16xi32>
    tpu.vector_store_idx %arg4[%broadcast_in_dim3A_59, %add3A_83, %broadcast_in_dim3A_3], %broadcast_in_dim3A_5 : memref<3x128x256xf32, #tpu.memory_space<vmem>>[vector<16xi32>, vector<16xi32>, vector<16xi32>], vector<16xf32>,
    %add3A_84 = arith.constant 0 : i32
    %add3A_85 = arith.addi %mul3A_2, %add3A_84 : i32
    %dma_start3A_86 = arith.constant 0 : i32
    %dma_start3A_87 = arith.constant 0 : i32
    %dma_start3A_88 = arith.constant 0 : i32
    %dma_start3A_89 = arith.constant 0 : i32
    %dma_start3A_90 = tpu.memref_slice %arg4[%dma_start3A_86, %dma_start3A_88, %dma_start3A_89] : memref<3x128x256xf32, #tpu.memory_space<vmem>> -> memref<1x128x256xf32, #tpu.memory_space<vmem>>
    %dma_start3A_91 = tpu.memref_squeeze %dma_start3A_90 : memref<1x128x256xf32, #tpu.memory_space<vmem>> -> memref<128x256xf32, #tpu.memory_space<vmem>>
    %dma_start3A_92 = arith.constant 0 : i32
    %dma_start3A_93 = tpu.memref_slice %arg3[%add3A_85, %dma_start3A_92] : memref<65536x256xf32, #tpu.memory_space<hbm>> -> memref<128x256xf32, #tpu.memory_space<hbm>>
    %dma_start3A_94 = tpu.memref_slice %arg6[%dma_start3A_87] : memref<3x!tpu.dma_semaphore, #tpu.memory_space<semaphore_mem>> -> memref<1x!tpu.dma_semaphore, #tpu.memory_space<semaphore_mem>>
    %dma_start3A_95 = tpu.memref_squeeze %dma_start3A_94 : memref<1x!tpu.dma_semaphore, #tpu.memory_space<semaphore_mem>> -> memref<!tpu.dma_semaphore, #tpu.memory_space<semaphore_mem>>
    %dma_start3A_96 = arith.constant 0 : i32
    %dma_start3A_97 = tpu.memref_slice %arg3[%add3A_85, %dma_start3A_96] : memref<65536x256xf32, #tpu.memory_space<hbm>> -> memref<128x256xf32, #tpu.memory_space<hbm>>
    %dma_start3A_98 = arith.constant 0 : i32
    %dma_start3A_99 = arith.constant 0 : i32
    %dma_start3A_100 = tpu.memref_slice %arg4[%dma_start3A_86, %dma_start3A_98, %dma_start3A_99] : memref<3x128x256xf32, #tpu.memory_space<vmem>> -> memref<1x128x256xf32, #tpu.memory_space<vmem>>
    %dma_start3A_101 = tpu.memref_squeeze %dma_start3A_100 : memref<1x128x256xf32, #tpu.memory_space<vmem>> -> memref<128x256xf32, #tpu.memory_space<vmem>>
    tpu.enqueue_dma source(%dma_start3A_101 : memref<128x256xf32, #tpu.memory_space<vmem>>) target(%dma_start3A_97 : memref<128x256xf32, #tpu.memory_space<hbm>>) target_semaphore(%dma_start3A_95 : memref<!tpu.dma_semaphore, #tpu.memory_space<semaphore_mem>>)
    %add3A_102 = arith.constant 256 : i32
    %add3A_103 = arith.addi %mul3A_2, %add3A_102 : i32
    %dma_start3A_104 = arith.constant 2 : i32
    %dma_start3A_105 = arith.constant 2 : i32
    %dma_start3A_106 = arith.constant 0 : i32
    %dma_start3A_107 = arith.constant 0 : i32
    %dma_start3A_108 = tpu.memref_slice %arg4[%dma_start3A_104, %dma_start3A_106, %dma_start3A_107] : memref<3x128x256xf32, #tpu.memory_space<vmem>> -> memref<1x128x256xf32, #tpu.memory_space<vmem>>
    %dma_start3A_109 = tpu.memref_squeeze %dma_start3A_108 : memref<1x128x256xf32, #tpu.memory_space<vmem>> -> memref<128x256xf32, #tpu.memory_space<vmem>>
    %dma_start3A_110 = arith.constant 0 : i32
    %dma_start3A_111 = tpu.memref_slice %arg2[%add3A_103, %dma_start3A_110] : memref<65536x256xf32, #tpu.memory_space<hbm>> -> memref<128x256xf32, #tpu.memory_space<hbm>>
    %dma_start3A_112 = tpu.memref_slice %arg5[%dma_start3A_105] : memref<3x!tpu.dma_semaphore, #tpu.memory_space<semaphore_mem>> -> memref<1x!tpu.dma_semaphore, #tpu.memory_space<semaphore_mem>>
    %dma_start3A_113 = tpu.memref_squeeze %dma_start3A_112 : memref<1x!tpu.dma_semaphore, #tpu.memory_space<semaphore_mem>> -> memref<!tpu.dma_semaphore, #tpu.memory_space<semaphore_mem>>
    %dma_start3A_114 = arith.constant 0 : i32
    %dma_start3A_115 = arith.constant 0 : i32
    %dma_start3A_116 = tpu.memref_slice %arg4[%dma_start3A_104, %dma_start3A_114, %dma_start3A_115] : memref<3x128x256xf32, #tpu.memory_space<vmem>> -> memref<1x128x256xf32, #tpu.memory_space<vmem>>
    %dma_start3A_117 = tpu.memref_squeeze %dma_start3A_116 : memref<1x128x256xf32, #tpu.memory_space<vmem>> -> memref<128x256xf32, #tpu.memory_space<vmem>>
    %dma_start3A_118 = arith.constant 0 : i32
    %dma_start3A_119 = tpu.memref_slice %arg2[%add3A_103, %dma_start3A_118] : memref<65536x256xf32, #tpu.memory_space<hbm>> -> memref<128x256xf32, #tpu.memory_space<hbm>>
    tpu.enqueue_dma source(%dma_start3A_119 : memref<128x256xf32, #tpu.memory_space<hbm>>) target(%dma_start3A_117 : memref<128x256xf32, #tpu.memory_space<vmem>>) target_semaphore(%dma_start3A_113 : memref<!tpu.dma_semaphore, #tpu.memory_space<semaphore_mem>>)
    %add3A_120 = arith.constant 128 : i32
    %add3A_121 = arith.addi %mul3A_2, %add3A_120 : i32
    %dma_wait3A_122 = arith.constant 1 : i32
    %dma_wait3A_123 = arith.constant 1 : i32
    %dma_wait3A_124 = arith.constant 0 : i32
    %dma_wait3A_125 = arith.constant 0 : i32
    %dma_wait3A_126 = tpu.memref_slice %arg4[%dma_wait3A_122, %dma_wait3A_124, %dma_wait3A_125] : memref<3x128x256xf32, #tpu.memory_space<vmem>> -> memref<1x128x256xf32, #tpu.memory_space<vmem>>
    %dma_wait3A_127 = tpu.memref_squeeze %dma_wait3A_126 : memref<1x128x256xf32, #tpu.memory_space<vmem>> -> memref<128x256xf32, #tpu.memory_space<vmem>>
    %dma_wait3A_128 = arith.constant 0 : i32
    %dma_wait3A_129 = tpu.memref_slice %arg2[%add3A_121, %dma_wait3A_128] : memref<65536x256xf32, #tpu.memory_space<hbm>> -> memref<128x256xf32, #tpu.memory_space<hbm>>
    %dma_wait3A_130 = tpu.memref_slice %arg5[%dma_wait3A_123] : memref<3x!tpu.dma_semaphore, #tpu.memory_space<semaphore_mem>> -> memref<1x!tpu.dma_semaphore, #tpu.memory_space<semaphore_mem>>
    %dma_wait3A_131 = tpu.memref_squeeze %dma_wait3A_130 : memref<1x!tpu.dma_semaphore, #tpu.memory_space<semaphore_mem>> -> memref<!tpu.dma_semaphore, #tpu.memory_space<semaphore_mem>>
    %dma_wait3A_132 = arith.constant 0 : i32
    %dma_wait3A_133 = arith.constant 0 : i32
    %dma_wait3A_134 = tpu.memref_slice %arg4[%dma_wait3A_122, %dma_wait3A_132, %dma_wait3A_133] : memref<3x128x256xf32, #tpu.memory_space<vmem>> -> memref<1x128x256xf32, #tpu.memory_space<vmem>>
    %dma_wait3A_135 = tpu.memref_squeeze %dma_wait3A_134 : memref<1x128x256xf32, #tpu.memory_space<vmem>> -> memref<128x256xf32, #tpu.memory_space<vmem>>
    %dma_wait3A_136 = arith.constant 0 : i32
    %dma_wait3A_137 = tpu.memref_slice %arg2[%add3A_121, %dma_wait3A_136] : memref<65536x256xf32, #tpu.memory_space<hbm>> -> memref<128x256xf32, #tpu.memory_space<hbm>>
    tpu.wait_dma2 semaphore(%dma_wait3A_131 : memref<!tpu.dma_semaphore, #tpu.memory_space<semaphore_mem>>) src(%dma_wait3A_137 : memref<128x256xf32, #tpu.memory_space<hbm>>) dst(%dma_wait3A_135 : memref<128x256xf32, #tpu.memory_space<vmem>>)
    %broadcast_in_dim3A_138 = arith.constant 1 : i32
    %broadcast_in_dim3A_139 = vector.broadcast %broadcast_in_dim3A_138 : i32 to vector<16xi32>
    %add3A_140 = arith.constant 0 : i32
    %add3A_141 = vector.broadcast %add3A_140 : i32 to vector<16xi32>
    %add3A_142 = arith.addi %iota3A, %add3A_141 : vector<16xi32>
    tpu.vector_store_idx %arg4[%broadcast_in_dim3A_139, %add3A_142, %broadcast_in_dim3A_3], %broadcast_in_dim3A_5 : memref<3x128x256xf32, #tpu.memory_space<vmem>>[vector<16xi32>, vector<16xi32>, vector<16xi32>], vector<16xf32>,
    %add3A_143 = arith.constant 16 : i32
    %add3A_144 = vector.broadcast %add3A_143 : i32 to vector<16xi32>
    %add3A_145 = arith.addi %iota3A, %add3A_144 : vector<16xi32>
    tpu.vector_store_idx %arg4[%broadcast_in_dim3A_139, %add3A_145, %broadcast_in_dim3A_3], %broadcast_in_dim3A_5 : memref<3x128x256xf32, #tpu.memory_space<vmem>>[vector<16xi32>, vector<16xi32>, vector<16xi32>], vector<16xf32>,
    %add3A_146 = arith.constant 32 : i32
    %add3A_147 = vector.broadcast %add3A_146 : i32 to vector<16xi32>
    %add3A_148 = arith.addi %iota3A, %add3A_147 : vector<16xi32>
    tpu.vector_store_idx %arg4[%broadcast_in_dim3A_139, %add3A_148, %broadcast_in_dim3A_3], %broadcast_in_dim3A_5 : memref<3x128x256xf32, #tpu.memory_space<vmem>>[vector<16xi32>, vector<16xi32>, vector<16xi32>], vector<16xf32>,
    %add3A_149 = arith.constant 48 : i32
    %add3A_150 = vector.broadcast %add3A_149 : i32 to vector<16xi32>
    %add3A_151 = arith.addi %iota3A, %add3A_150 : vector<16xi32>
    tpu.vector_store_idx %arg4[%broadcast_in_dim3A_139, %add3A_151, %broadcast_in_dim3A_3], %broadcast_in_dim3A_5 : memref<3x128x256xf32, #tpu.memory_space<vmem>>[vector<16xi32>, vector<16xi32>, vector<16xi32>], vector<16xf32>,
    %add3A_152 = arith.constant 64 : i32
    %add3A_153 = vector.broadcast %add3A_152 : i32 to vector<16xi32>
    %add3A_154 = arith.addi %iota3A, %add3A_153 : vector<16xi32>
    tpu.vector_store_idx %arg4[%broadcast_in_dim3A_139, %add3A_154, %broadcast_in_dim3A_3], %broadcast_in_dim3A_5 : memref<3x128x256xf32, #tpu.memory_space<vmem>>[vector<16xi32>, vector<16xi32>, vector<16xi32>], vector<16xf32>,
    %add3A_155 = arith.constant 80 : i32
    %add3A_156 = vector.broadcast %add3A_155 : i32 to vector<16xi32>
    %add3A_157 = arith.addi %iota3A, %add3A_156 : vector<16xi32>
    tpu.vector_store_idx %arg4[%broadcast_in_dim3A_139, %add3A_157, %broadcast_in_dim3A_3], %broadcast_in_dim3A_5 : memref<3x128x256xf32, #tpu.memory_space<vmem>>[vector<16xi32>, vector<16xi32>, vector<16xi32>], vector<16xf32>,
    %add3A_158 = arith.constant 96 : i32
    %add3A_159 = vector.broadcast %add3A_158 : i32 to vector<16xi32>
    %add3A_160 = arith.addi %iota3A, %add3A_159 : vector<16xi32>
    tpu.vector_store_idx %arg4[%broadcast_in_dim3A_139, %add3A_160, %broadcast_in_dim3A_3], %broadcast_in_dim3A_5 : memref<3x128x256xf32, #tpu.memory_space<vmem>>[vector<16xi32>, vector<16xi32>, vector<16xi32>], vector<16xf32>,
    %add3A_161 = arith.constant 112 : i32
    %add3A_162 = vector.broadcast %add3A_161 : i32 to vector<16xi32>
    %add3A_163 = arith.addi %iota3A, %add3A_162 : vector<16xi32>
    tpu.vector_store_idx %arg4[%broadcast_in_dim3A_139, %add3A_163, %broadcast_in_dim3A_3], %broadcast_in_dim3A_5 : memref<3x128x256xf32, #tpu.memory_space<vmem>>[vector<16xi32>, vector<16xi32>, vector<16xi32>], vector<16xf32>,
    %add3A_164 = arith.constant 128 : i32
    %add3A_165 = arith.addi %mul3A_2, %add3A_164 : i32
    %dma_start3A_166 = arith.constant 1 : i32
    %dma_start3A_167 = arith.constant 1 : i32
    %dma_start3A_168 = arith.constant 0 : i32
    %dma_start3A_169 = arith.constant 0 : i32
    %dma_start3A_170 = tpu.memref_slice %arg4[%dma_start3A_166, %dma_start3A_168, %dma_start3A_169] : memref<3x128x256xf32, #tpu.memory_space<vmem>> -> memref<1x128x256xf32, #tpu.memory_space<vmem>>
    %dma_start3A_171 = tpu.memref_squeeze %dma_start3A_170 : memref<1x128x256xf32, #tpu.memory_space<vmem>> -> memref<128x256xf32, #tpu.memory_space<vmem>>
    %dma_start3A_172 = arith.constant 0 : i32
    %dma_start3A_173 = tpu.memref_slice %arg3[%add3A_165, %dma_start3A_172] : memref<65536x256xf32, #tpu.memory_space<hbm>> -> memref<128x256xf32, #tpu.memory_space<hbm>>
    %dma_start3A_174 = tpu.memref_slice %arg6[%dma_start3A_167] : memref<3x!tpu.dma_semaphore, #tpu.memory_space<semaphore_mem>> -> memref<1x!tpu.dma_semaphore, #tpu.memory_space<semaphore_mem>>
    %dma_start3A_175 = tpu.memref_squeeze %dma_start3A_174 : memref<1x!tpu.dma_semaphore, #tpu.memory_space<semaphore_mem>> -> memref<!tpu.dma_semaphore, #tpu.memory_space<semaphore_mem>>
    %dma_start3A_176 = arith.constant 0 : i32
    %dma_start3A_177 = tpu.memref_slice %arg3[%add3A_165, %dma_start3A_176] : memref<65536x256xf32, #tpu.memory_space<hbm>> -> memref<128x256xf32, #tpu.memory_space<hbm>>
    %dma_start3A_178 = arith.constant 0 : i32
    %dma_start3A_179 = arith.constant 0 : i32
    %dma_start3A_180 = tpu.memref_slice %arg4[%dma_start3A_166, %dma_start3A_178, %dma_start3A_179] : memref<3x128x256xf32, #tpu.memory_space<vmem>> -> memref<1x128x256xf32, #tpu.memory_space<vmem>>
    %dma_start3A_181 = tpu.memref_squeeze %dma_start3A_180 : memref<1x128x256xf32, #tpu.memory_space<vmem>> -> memref<128x256xf32, #tpu.memory_space<vmem>>
    tpu.enqueue_dma source(%dma_start3A_181 : memref<128x256xf32, #tpu.memory_space<vmem>>) target(%dma_start3A_177 : memref<128x256xf32, #tpu.memory_space<hbm>>) target_semaphore(%dma_start3A_175 : memref<!tpu.dma_semaphore, #tpu.memory_space<semaphore_mem>>)
    %add3A_182 = arith.constant 0 : i32
    %add3A_183 = arith.addi %mul3A_2, %add3A_182 : i32
    %dma_wait3A_184 = arith.constant 0 : i32
    %dma_wait3A_185 = arith.constant 0 : i32
    %dma_wait3A_186 = arith.constant 0 : i32
    %dma_wait3A_187 = arith.constant 0 : i32
    %dma_wait3A_188 = tpu.memref_slice %arg4[%dma_wait3A_184, %dma_wait3A_186, %dma_wait3A_187] : memref<3x128x256xf32, #tpu.memory_space<vmem>> -> memref<1x128x256xf32, #tpu.memory_space<vmem>>
    %dma_wait3A_189 = tpu.memref_squeeze %dma_wait3A_188 : memref<1x128x256xf32, #tpu.memory_space<vmem>> -> memref<128x256xf32, #tpu.memory_space<vmem>>
    %dma_wait3A_190 = arith.constant 0 : i32
    %dma_wait3A_191 = tpu.memref_slice %arg3[%add3A_183, %dma_wait3A_190] : memref<65536x256xf32, #tpu.memory_space<hbm>> -> memref<128x256xf32, #tpu.memory_space<hbm>>
    %dma_wait3A_192 = tpu.memref_slice %arg6[%dma_wait3A_185] : memref<3x!tpu.dma_semaphore, #tpu.memory_space<semaphore_mem>> -> memref<1x!tpu.dma_semaphore, #tpu.memory_space<semaphore_mem>>
    %dma_wait3A_193 = tpu.memref_squeeze %dma_wait3A_192 : memref<1x!tpu.dma_semaphore, #tpu.memory_space<semaphore_mem>> -> memref<!tpu.dma_semaphore, #tpu.memory_space<semaphore_mem>>
    %dma_wait3A_194 = arith.constant 0 : i32
    %dma_wait3A_195 = tpu.memref_slice %arg3[%add3A_183, %dma_wait3A_194] : memref<65536x256xf32, #tpu.memory_space<hbm>> -> memref<128x256xf32, #tpu.memory_space<hbm>>
    %dma_wait3A_196 = arith.constant 0 : i32
    %dma_wait3A_197 = arith.constant 0 : i32
    %dma_wait3A_198 = tpu.memref_slice %arg4[%dma_wait3A_184, %dma_wait3A_196, %dma_wait3A_197] : memref<3x128x256xf32, #tpu.memory_space<vmem>> -> memref<1x128x256xf32, #tpu.memory_space<vmem>>
    %dma_wait3A_199 = tpu.memref_squeeze %dma_wait3A_198 : memref<1x128x256xf32, #tpu.memory_space<vmem>> -> memref<128x256xf32, #tpu.memory_space<vmem>>
    tpu.wait_dma2 semaphore(%dma_wait3A_193 : memref<!tpu.dma_semaphore, #tpu.memory_space<semaphore_mem>>) src(%dma_wait3A_199 : memref<128x256xf32, #tpu.memory_space<vmem>>) dst(%dma_wait3A_195 : memref<128x256xf32, #tpu.memory_space<hbm>>)
    %add3A_200 = arith.constant 384 : i32
    %add3A_201 = arith.addi %mul3A_2, %add3A_200 : i32
    %dma_start3A_202 = arith.constant 0 : i32
    %dma_start3A_203 = arith.constant 0 : i32
    %dma_start3A_204 = arith.constant 0 : i32
    %dma_start3A_205 = arith.constant 0 : i32
    %dma_start3A_206 = tpu.memref_slice %arg4[%dma_start3A_202, %dma_start3A_204, %dma_start3A_205] : memref<3x128x256xf32, #tpu.memory_space<vmem>> -> memref<1x128x256xf32, #tpu.memory_space<vmem>>
    %dma_start3A_207 = tpu.memref_squeeze %dma_start3A_206 : memref<1x128x256xf32, #tpu.memory_space<vmem>> -> memref<128x256xf32, #tpu.memory_space<vmem>>
    %dma_start3A_208 = arith.constant 0 : i32
    %dma_start3A_209 = tpu.memref_slice %arg2[%add3A_201, %dma_start3A_208] : memref<65536x256xf32, #tpu.memory_space<hbm>> -> memref<128x256xf32, #tpu.memory_space<hbm>>
    %dma_start3A_210 = tpu.memref_slice %arg5[%dma_start3A_203] : memref<3x!tpu.dma_semaphore, #tpu.memory_space<semaphore_mem>> -> memref<1x!tpu.dma_semaphore, #tpu.memory_space<semaphore_mem>>
    %dma_start3A_211 = tpu.memref_squeeze %dma_start3A_210 : memref<1x!tpu.dma_semaphore, #tpu.memory_space<semaphore_mem>> -> memref<!tpu.dma_semaphore, #tpu.memory_space<semaphore_mem>>
    %dma_start3A_212 = arith.constant 0 : i32
    %dma_start3A_213 = arith.constant 0 : i32
    %dma_start3A_214 = tpu.memref_slice %arg4[%dma_start3A_202, %dma_start3A_212, %dma_start3A_213] : memref<3x128x256xf32, #tpu.memory_space<vmem>> -> memref<1x128x256xf32, #tpu.memory_space<vmem>>
    %dma_start3A_215 = tpu.memref_squeeze %dma_start3A_214 : memref<1x128x256xf32, #tpu.memory_space<vmem>> -> memref<128x256xf32, #tpu.memory_space<vmem>>
    %dma_start3A_216 = arith.constant 0 : i32
    %dma_start3A_217 = tpu.memref_slice %arg2[%add3A_201, %dma_start3A_216] : memref<65536x256xf32, #tpu.memory_space<hbm>> -> memref<128x256xf32, #tpu.memory_space<hbm>>
    tpu.enqueue_dma source(%dma_start3A_217 : memref<128x256xf32, #tpu.memory_space<hbm>>) target(%dma_start3A_215 : memref<128x256xf32, #tpu.memory_space<vmem>>) target_semaphore(%dma_start3A_211 : memref<!tpu.dma_semaphore, #tpu.memory_space<semaphore_mem>>)
    %add3A_218 = arith.constant 256 : i32
    %add3A_219 = arith.addi %mul3A_2, %add3A_218 : i32
    %dma_wait3A_220 = arith.constant 2 : i32
    %dma_wait3A_221 = arith.constant 2 : i32
    %dma_wait3A_222 = arith.constant 0 : i32
    %dma_wait3A_223 = arith.constant 0 : i32
    %dma_wait3A_224 = tpu.memref_slice %arg4[%dma_wait3A_220, %dma_wait3A_222, %dma_wait3A_223] : memref<3x128x256xf32, #tpu.memory_space<vmem>> -> memref<1x128x256xf32, #tpu.memory_space<vmem>>
    %dma_wait3A_225 = tpu.memref_squeeze %dma_wait3A_224 : memref<1x128x256xf32, #tpu.memory_space<vmem>> -> memref<128x256xf32, #tpu.memory_space<vmem>>
    %dma_wait3A_226 = arith.constant 0 : i32
    %dma_wait3A_227 = tpu.memref_slice %arg2[%add3A_219, %dma_wait3A_226] : memref<65536x256xf32, #tpu.memory_space<hbm>> -> memref<128x256xf32, #tpu.memory_space<hbm>>
    %dma_wait3A_228 = tpu.memref_slice %arg5[%dma_wait3A_221] : memref<3x!tpu.dma_semaphore, #tpu.memory_space<semaphore_mem>> -> memref<1x!tpu.dma_semaphore, #tpu.memory_space<semaphore_mem>>
    %dma_wait3A_229 = tpu.memref_squeeze %dma_wait3A_228 : memref<1x!tpu.dma_semaphore, #tpu.memory_space<semaphore_mem>> -> memref<!tpu.dma_semaphore, #tpu.memory_space<semaphore_mem>>
    %dma_wait3A_230 = arith.constant 0 : i32
    %dma_wait3A_231 = arith.constant 0 : i32
    %dma_wait3A_232 = tpu.memref_slice %arg4[%dma_wait3A_220, %dma_wait3A_230, %dma_wait3A_231] : memref<3x128x256xf32, #tpu.memory_space<vmem>> -> memref<1x128x256xf32, #tpu.memory_space<vmem>>
    %dma_wait3A_233 = tpu.memref_squeeze %dma_wait3A_232 : memref<1x128x256xf32, #tpu.memory_space<vmem>> -> memref<128x256xf32, #tpu.memory_space<vmem>>
    %dma_wait3A_234 = arith.constant 0 : i32
    %dma_wait3A_235 = tpu.memref_slice %arg2[%add3A_219, %dma_wait3A_234] : memref<65536x256xf32, #tpu.memory_space<hbm>> -> memref<128x256xf32, #tpu.memory_space<hbm>>
    tpu.wait_dma2 semaphore(%dma_wait3A_229 : memref<!tpu.dma_semaphore, #tpu.memory_space<semaphore_mem>>) src(%dma_wait3A_235 : memref<128x256xf32, #tpu.memory_space<hbm>>) dst(%dma_wait3A_233 : memref<128x256xf32, #tpu.memory_space<vmem>>)
    %broadcast_in_dim3A_236 = arith.constant 2 : i32
    %broadcast_in_dim3A_237 = vector.broadcast %broadcast_in_dim3A_236 : i32 to vector<16xi32>
    %add3A_238 = arith.constant 0 : i32
    %add3A_239 = vector.broadcast %add3A_238 : i32 to vector<16xi32>
    %add3A_240 = arith.addi %iota3A, %add3A_239 : vector<16xi32>
    tpu.vector_store_idx %arg4[%broadcast_in_dim3A_237, %add3A_240, %broadcast_in_dim3A_3], %broadcast_in_dim3A_5 : memref<3x128x256xf32, #tpu.memory_space<vmem>>[vector<16xi32>, vector<16xi32>, vector<16xi32>], vector<16xf32>,
    %add3A_241 = arith.constant 16 : i32
    %add3A_242 = vector.broadcast %add3A_241 : i32 to vector<16xi32>
    %add3A_243 = arith.addi %iota3A, %add3A_242 : vector<16xi32>
    tpu.vector_store_idx %arg4[%broadcast_in_dim3A_237, %add3A_243, %broadcast_in_dim3A_3], %broadcast_in_dim3A_5 : memref<3x128x256xf32, #tpu.memory_space<vmem>>[vector<16xi32>, vector<16xi32>, vector<16xi32>], vector<16xf32>,
    %add3A_244 = arith.constant 32 : i32
    %add3A_245 = vector.broadcast %add3A_244 : i32 to vector<16xi32>
    %add3A_246 = arith.addi %iota3A, %add3A_245 : vector<16xi32>
    tpu.vector_store_idx %arg4[%broadcast_in_dim3A_237, %add3A_246, %broadcast_in_dim3A_3], %broadcast_in_dim3A_5 : memref<3x128x256xf32, #tpu.memory_space<vmem>>[vector<16xi32>, vector<16xi32>, vector<16xi32>], vector<16xf32>,
    %add3A_247 = arith.constant 48 : i32
    %add3A_248 = vector.broadcast %add3A_247 : i32 to vector<16xi32>
    %add3A_249 = arith.addi %iota3A, %add3A_248 : vector<16xi32>
    tpu.vector_store_idx %arg4[%broadcast_in_dim3A_237, %add3A_249, %broadcast_in_dim3A_3], %broadcast_in_dim3A_5 : memref<3x128x256xf32, #tpu.memory_space<vmem>>[vector<16xi32>, vector<16xi32>, vector<16xi32>], vector<16xf32>,
    %add3A_250 = arith.constant 64 : i32
    %add3A_251 = vector.broadcast %add3A_250 : i32 to vector<16xi32>
    %add3A_252 = arith.addi %iota3A, %add3A_251 : vector<16xi32>
    tpu.vector_store_idx %arg4[%broadcast_in_dim3A_237, %add3A_252, %broadcast_in_dim3A_3], %broadcast_in_dim3A_5 : memref<3x128x256xf32, #tpu.memory_space<vmem>>[vector<16xi32>, vector<16xi32>, vector<16xi32>], vector<16xf32>,
    %add3A_253 = arith.constant 80 : i32
    %add3A_254 = vector.broadcast %add3A_253 : i32 to vector<16xi32>
    %add3A_255 = arith.addi %iota3A, %add3A_254 : vector<16xi32>
    tpu.vector_store_idx %arg4[%broadcast_in_dim3A_237, %add3A_255, %broadcast_in_dim3A_3], %broadcast_in_dim3A_5 : memref<3x128x256xf32, #tpu.memory_space<vmem>>[vector<16xi32>, vector<16xi32>, vector<16xi32>], vector<16xf32>,
    %add3A_256 = arith.constant 96 : i32
    %add3A_257 = vector.broadcast %add3A_256 : i32 to vector<16xi32>
    %add3A_258 = arith.addi %iota3A, %add3A_257 : vector<16xi32>
    tpu.vector_store_idx %arg4[%broadcast_in_dim3A_237, %add3A_258, %broadcast_in_dim3A_3], %broadcast_in_dim3A_5 : memref<3x128x256xf32, #tpu.memory_space<vmem>>[vector<16xi32>, vector<16xi32>, vector<16xi32>], vector<16xf32>,
    %add3A_259 = arith.constant 112 : i32
    %add3A_260 = vector.broadcast %add3A_259 : i32 to vector<16xi32>
    %add3A_261 = arith.addi %iota3A, %add3A_260 : vector<16xi32>
    tpu.vector_store_idx %arg4[%broadcast_in_dim3A_237, %add3A_261, %broadcast_in_dim3A_3], %broadcast_in_dim3A_5 : memref<3x128x256xf32, #tpu.memory_space<vmem>>[vector<16xi32>, vector<16xi32>, vector<16xi32>], vector<16xf32>,
    %add3A_262 = arith.constant 256 : i32
    %add3A_263 = arith.addi %mul3A_2, %add3A_262 : i32
    %dma_start3A_264 = arith.constant 2 : i32
    %dma_start3A_265 = arith.constant 2 : i32
    %dma_start3A_266 = arith.constant 0 : i32
    %dma_start3A_267 = arith.constant 0 : i32
    %dma_start3A_268 = tpu.memref_slice %arg4[%dma_start3A_264, %dma_start3A_266, %dma_start3A_267] : memref<3x128x256xf32, #tpu.memory_space<vmem>> -> memref<1x128x256xf32, #tpu.memory_space<vmem>>
    %dma_start3A_269 = tpu.memref_squeeze %dma_start3A_268 : memref<1x128x256xf32, #tpu.memory_space<vmem>> -> memref<128x256xf32, #tpu.memory_space<vmem>>
    %dma_start3A_270 = arith.constant 0 : i32
    %dma_start3A_271 = tpu.memref_slice %arg3[%add3A_263, %dma_start3A_270] : memref<65536x256xf32, #tpu.memory_space<hbm>> -> memref<128x256xf32, #tpu.memory_space<hbm>>
    %dma_start3A_272 = tpu.memref_slice %arg6[%dma_start3A_265] : memref<3x!tpu.dma_semaphore, #tpu.memory_space<semaphore_mem>> -> memref<1x!tpu.dma_semaphore, #tpu.memory_space<semaphore_mem>>
    %dma_start3A_273 = tpu.memref_squeeze %dma_start3A_272 : memref<1x!tpu.dma_semaphore, #tpu.memory_space<semaphore_mem>> -> memref<!tpu.dma_semaphore, #tpu.memory_space<semaphore_mem>>
    %dma_start3A_274 = arith.constant 0 : i32
    %dma_start3A_275 = tpu.memref_slice %arg3[%add3A_263, %dma_start3A_274] : memref<65536x256xf32, #tpu.memory_space<hbm>> -> memref<128x256xf32, #tpu.memory_space<hbm>>
    %dma_start3A_276 = arith.constant 0 : i32
    %dma_start3A_277 = arith.constant 0 : i32
    %dma_start3A_278 = tpu.memref_slice %arg4[%dma_start3A_264, %dma_start3A_276, %dma_start3A_277] : memref<3x128x256xf32, #tpu.memory_space<vmem>> -> memref<1x128x256xf32, #tpu.memory_space<vmem>>
    %dma_start3A_279 = tpu.memref_squeeze %dma_start3A_278 : memref<1x128x256xf32, #tpu.memory_space<vmem>> -> memref<128x256xf32, #tpu.memory_space<vmem>>
    tpu.enqueue_dma source(%dma_start3A_279 : memref<128x256xf32, #tpu.memory_space<vmem>>) target(%dma_start3A_275 : memref<128x256xf32, #tpu.memory_space<hbm>>) target_semaphore(%dma_start3A_273 : memref<!tpu.dma_semaphore, #tpu.memory_space<semaphore_mem>>)
    %add3A_280 = arith.constant 128 : i32
    %add3A_281 = arith.addi %mul3A_2, %add3A_280 : i32
    %dma_wait3A_282 = arith.constant 1 : i32
    %dma_wait3A_283 = arith.constant 1 : i32
    %dma_wait3A_284 = arith.constant 0 : i32
    %dma_wait3A_285 = arith.constant 0 : i32
    %dma_wait3A_286 = tpu.memref_slice %arg4[%dma_wait3A_282, %dma_wait3A_284, %dma_wait3A_285] : memref<3x128x256xf32, #tpu.memory_space<vmem>> -> memref<1x128x256xf32, #tpu.memory_space<vmem>>
    %dma_wait3A_287 = tpu.memref_squeeze %dma_wait3A_286 : memref<1x128x256xf32, #tpu.memory_space<vmem>> -> memref<128x256xf32, #tpu.memory_space<vmem>>
    %dma_wait3A_288 = arith.constant 0 : i32
    %dma_wait3A_289 = tpu.memref_slice %arg3[%add3A_281, %dma_wait3A_288] : memref<65536x256xf32, #tpu.memory_space<hbm>> -> memref<128x256xf32, #tpu.memory_space<hbm>>
    %dma_wait3A_290 = tpu.memref_slice %arg6[%dma_wait3A_283] : memref<3x!tpu.dma_semaphore, #tpu.memory_space<semaphore_mem>> -> memref<1x!tpu.dma_semaphore, #tpu.memory_space<semaphore_mem>>
    %dma_wait3A_291 = tpu.memref_squeeze %dma_wait3A_290 : memref<1x!tpu.dma_semaphore, #tpu.memory_space<semaphore_mem>> -> memref<!tpu.dma_semaphore, #tpu.memory_space<semaphore_mem>>
    %dma_wait3A_292 = arith.constant 0 : i32
    %dma_wait3A_293 = tpu.memref_slice %arg3[%add3A_281, %dma_wait3A_292] : memref<65536x256xf32, #tpu.memory_space<hbm>> -> memref<128x256xf32, #tpu.memory_space<hbm>>
    %dma_wait3A_294 = arith.constant 0 : i32
    %dma_wait3A_295 = arith.constant 0 : i32
    %dma_wait3A_296 = tpu.memref_slice %arg4[%dma_wait3A_282, %dma_wait3A_294, %dma_wait3A_295] : memref<3x128x256xf32, #tpu.memory_space<vmem>> -> memref<1x128x256xf32, #tpu.memory_space<vmem>>
    %dma_wait3A_297 = tpu.memref_squeeze %dma_wait3A_296 : memref<1x128x256xf32, #tpu.memory_space<vmem>> -> memref<128x256xf32, #tpu.memory_space<vmem>>
    tpu.wait_dma2 semaphore(%dma_wait3A_291 : memref<!tpu.dma_semaphore, #tpu.memory_space<semaphore_mem>>) src(%dma_wait3A_297 : memref<128x256xf32, #tpu.memory_space<vmem>>) dst(%dma_wait3A_293 : memref<128x256xf32, #tpu.memory_space<hbm>>)
    %add3A_298 = arith.constant 512 : i32
    %add3A_299 = arith.addi %mul3A_2, %add3A_298 : i32
    %dma_start3A_300 = arith.constant 1 : i32
    %dma_start3A_301 = arith.constant 1 : i32
    %dma_start3A_302 = arith.constant 0 : i32
    %dma_start3A_303 = arith.constant 0 : i32
    %dma_start3A_304 = tpu.memref_slice %arg4[%dma_start3A_300, %dma_start3A_302, %dma_start3A_303] : memref<3x128x256xf32, #tpu.memory_space<vmem>> -> memref<1x128x256xf32, #tpu.memory_space<vmem>>
    %dma_start3A_305 = tpu.memref_squeeze %dma_start3A_304 : memref<1x128x256xf32, #tpu.memory_space<vmem>> -> memref<128x256xf32, #tpu.memory_space<vmem>>
    %dma_start3A_306 = arith.constant 0 : i32
    %dma_start3A_307 = tpu.memref_slice %arg2[%add3A_299, %dma_start3A_306] : memref<65536x256xf32, #tpu.memory_space<hbm>> -> memref<128x256xf32, #tpu.memory_space<hbm>>
    %dma_start3A_308 = tpu.memref_slice %arg5[%dma_start3A_301] : memref<3x!tpu.dma_semaphore, #tpu.memory_space<semaphore_mem>> -> memref<1x!tpu.dma_semaphore, #tpu.memory_space<semaphore_mem>>
    %dma_start3A_309 = tpu.memref_squeeze %dma_start3A_308 : memref<1x!tpu.dma_semaphore, #tpu.memory_space<semaphore_mem>> -> memref<!tpu.dma_semaphore, #tpu.memory_space<semaphore_mem>>
    %dma_start3A_310 = arith.constant 0 : i32
    %dma_start3A_311 = arith.constant 0 : i32
    %dma_start3A_312 = tpu.memref_slice %arg4[%dma_start3A_300, %dma_start3A_310, %dma_start3A_311] : memref<3x128x256xf32, #tpu.memory_space<vmem>> -> memref<1x128x256xf32, #tpu.memory_space<vmem>>
    %dma_start3A_313 = tpu.memref_squeeze %dma_start3A_312 : memref<1x128x256xf32, #tpu.memory_space<vmem>> -> memref<128x256xf32, #tpu.memory_space<vmem>>
    %dma_start3A_314 = arith.constant 0 : i32
    %dma_start3A_315 = tpu.memref_slice %arg2[%add3A_299, %dma_start3A_314] : memref<65536x256xf32, #tpu.memory_space<hbm>> -> memref<128x256xf32, #tpu.memory_space<hbm>>
    tpu.enqueue_dma source(%dma_start3A_315 : memref<128x256xf32, #tpu.memory_space<hbm>>) target(%dma_start3A_313 : memref<128x256xf32, #tpu.memory_space<vmem>>) target_semaphore(%dma_start3A_309 : memref<!tpu.dma_semaphore, #tpu.memory_space<semaphore_mem>>)
    %add3A_316 = arith.constant 384 : i32
    %add3A_317 = arith.addi %mul3A_2, %add3A_316 : i32
    %dma_wait3A_318 = arith.constant 0 : i32
    %dma_wait3A_319 = arith.constant 0 : i32
    %dma_wait3A_320 = arith.constant 0 : i32
    %dma_wait3A_321 = arith.constant 0 : i32
    %dma_wait3A_322 = tpu.memref_slice %arg4[%dma_wait3A_318, %dma_wait3A_320, %dma_wait3A_321] : memref<3x128x256xf32, #tpu.memory_space<vmem>> -> memref<1x128x256xf32, #tpu.memory_space<vmem>>
    %dma_wait3A_323 = tpu.memref_squeeze %dma_wait3A_322 : memref<1x128x256xf32, #tpu.memory_space<vmem>> -> memref<128x256xf32, #tpu.memory_space<vmem>>
    %dma_wait3A_324 = arith.constant 0 : i32
    %dma_wait3A_325 = tpu.memref_slice %arg2[%add3A_317, %dma_wait3A_324] : memref<65536x256xf32, #tpu.memory_space<hbm>> -> memref<128x256xf32, #tpu.memory_space<hbm>>
    %dma_wait3A_326 = tpu.memref_slice %arg5[%dma_wait3A_319] : memref<3x!tpu.dma_semaphore, #tpu.memory_space<semaphore_mem>> -> memref<1x!tpu.dma_semaphore, #tpu.memory_space<semaphore_mem>>
    %dma_wait3A_327 = tpu.memref_squeeze %dma_wait3A_326 : memref<1x!tpu.dma_semaphore, #tpu.memory_space<semaphore_mem>> -> memref<!tpu.dma_semaphore, #tpu.memory_space<semaphore_mem>>
    %dma_wait3A_328 = arith.constant 0 : i32
    %dma_wait3A_329 = arith.constant 0 : i32
    %dma_wait3A_330 = tpu.memref_slice %arg4[%dma_wait3A_318, %dma_wait3A_328, %dma_wait3A_329] : memref<3x128x256xf32, #tpu.memory_space<vmem>> -> memref<1x128x256xf32, #tpu.memory_space<vmem>>
    %dma_wait3A_331 = tpu.memref_squeeze %dma_wait3A_330 : memref<1x128x256xf32, #tpu.memory_space<vmem>> -> memref<128x256xf32, #tpu.memory_space<vmem>>
    %dma_wait3A_332 = arith.constant 0 : i32
    %dma_wait3A_333 = tpu.memref_slice %arg2[%add3A_317, %dma_wait3A_332] : memref<65536x256xf32, #tpu.memory_space<hbm>> -> memref<128x256xf32, #tpu.memory_space<hbm>>
    tpu.wait_dma2 semaphore(%dma_wait3A_327 : memref<!tpu.dma_semaphore, #tpu.memory_space<semaphore_mem>>) src(%dma_wait3A_333 : memref<128x256xf32, #tpu.memory_space<hbm>>) dst(%dma_wait3A_331 : memref<128x256xf32, #tpu.memory_space<vmem>>)
    %broadcast_in_dim3A_334 = arith.constant 0 : i32
    %broadcast_in_dim3A_335 = vector.broadcast %broadcast_in_dim3A_334 : i32 to vector<16xi32>
    %add3A_336 = arith.constant 0 : i32
    %add3A_337 = vector.broadcast %add3A_336 : i32 to vector<16xi32>
    %add3A_338 = arith.addi %iota3A, %add3A_337 : vector<16xi32>
    tpu.vector_store_idx %arg4[%broadcast_in_dim3A_335, %add3A_338, %broadcast_in_dim3A_3], %broadcast_in_dim3A_5 : memref<3x128x256xf32, #tpu.memory_space<vmem>>[vector<16xi32>, vector<16xi32>, vector<16xi32>], vector<16xf32>,
    %add3A_339 = arith.constant 16 : i32
    %add3A_340 = vector.broadcast %add3A_339 : i32 to vector<16xi32>
    %add3A_341 = arith.addi %iota3A, %add3A_340 : vector<16xi32>
    tpu.vector_store_idx %arg4[%broadcast_in_dim3A_335, %add3A_341, %broadcast_in_dim3A_3], %broadcast_in_dim3A_5 : memref<3x128x256xf32, #tpu.memory_space<vmem>>[vector<16xi32>, vector<16xi32>, vector<16xi32>], vector<16xf32>,
    %add3A_342 = arith.constant 32 : i32
    %add3A_343 = vector.broadcast %add3A_342 : i32 to vector<16xi32>
    %add3A_344 = arith.addi %iota3A, %add3A_343 : vector<16xi32>
    tpu.vector_store_idx %arg4[%broadcast_in_dim3A_335, %add3A_344, %broadcast_in_dim3A_3], %broadcast_in_dim3A_5 : memref<3x128x256xf32, #tpu.memory_space<vmem>>[vector<16xi32>, vector<16xi32>, vector<16xi32>], vector<16xf32>,
    %add3A_345 = arith.constant 48 : i32
    %add3A_346 = vector.broadcast %add3A_345 : i32 to vector<16xi32>
    %add3A_347 = arith.addi %iota3A, %add3A_346 : vector<16xi32>
    tpu.vector_store_idx %arg4[%broadcast_in_dim3A_335, %add3A_347, %broadcast_in_dim3A_3], %broadcast_in_dim3A_5 : memref<3x128x256xf32, #tpu.memory_space<vmem>>[vector<16xi32>, vector<16xi32>, vector<16xi32>], vector<16xf32>,
    %add3A_348 = arith.constant 64 : i32
    %add3A_349 = vector.broadcast %add3A_348 : i32 to vector<16xi32>
    %add3A_350 = arith.addi %iota3A, %add3A_349 : vector<16xi32>
    tpu.vector_store_idx %arg4[%broadcast_in_dim3A_335, %add3A_350, %broadcast_in_dim3A_3], %broadcast_in_dim3A_5 : memref<3x128x256xf32, #tpu.memory_space<vmem>>[vector<16xi32>, vector<16xi32>, vector<16xi32>], vector<16xf32>,
    %add3A_351 = arith.constant 80 : i32
    %add3A_352 = vector.broadcast %add3A_351 : i32 to vector<16xi32>
    %add3A_353 = arith.addi %iota3A, %add3A_352 : vector<16xi32>
    tpu.vector_store_idx %arg4[%broadcast_in_dim3A_335, %add3A_353, %broadcast_in_dim3A_3], %broadcast_in_dim3A_5 : memref<3x128x256xf32, #tpu.memory_space<vmem>>[vector<16xi32>, vector<16xi32>, vector<16xi32>], vector<16xf32>,
    %add3A_354 = arith.constant 96 : i32
    %add3A_355 = vector.broadcast %add3A_354 : i32 to vector<16xi32>
    %add3A_356 = arith.addi %iota3A, %add3A_355 : vector<16xi32>
    tpu.vector_store_idx %arg4[%broadcast_in_dim3A_335, %add3A_356, %broadcast_in_dim3A_3], %broadcast_in_dim3A_5 : memref<3x128x256xf32, #tpu.memory_space<vmem>>[vector<16xi32>, vector<16xi32>, vector<16xi32>], vector<16xf32>,
    %add3A_357 = arith.constant 112 : i32
    %add3A_358 = vector.broadcast %add3A_357 : i32 to vector<16xi32>
    %add3A_359 = arith.addi %iota3A, %add3A_358 : vector<16xi32>
    tpu.vector_store_idx %arg4[%broadcast_in_dim3A_335, %add3A_359, %broadcast_in_dim3A_3], %broadcast_in_dim3A_5 : memref<3x128x256xf32, #tpu.memory_space<vmem>>[vector<16xi32>, vector<16xi32>, vector<16xi32>], vector<16xf32>,
    %add3A_360 = arith.constant 384 : i32
    %add3A_361 = arith.addi %mul3A_2, %add3A_360 : i32
    %dma_start3A_362 = arith.constant 0 : i32
    %dma_start3A_363 = arith.constant 0 : i32
    %dma_start3A_364 = arith.constant 0 : i32
    %dma_start3A_365 = arith.constant 0 : i32
    %dma_start3A_366 = tpu.memref_slice %arg4[%dma_start3A_362, %dma_start3A_364, %dma_start3A_365] : memref<3x128x256xf32, #tpu.memory_space<vmem>> -> memref<1x128x256xf32, #tpu.memory_space<vmem>>
    %dma_start3A_367 = tpu.memref_squeeze %dma_start3A_366 : memref<1x128x256xf32, #tpu.memory_space<vmem>> -> memref<128x256xf32, #tpu.memory_space<vmem>>
    %dma_start3A_368 = arith.constant 0 : i32
    %dma_start3A_369 = tpu.memref_slice %arg3[%add3A_361, %dma_start3A_368] : memref<65536x256xf32, #tpu.memory_space<hbm>> -> memref<128x256xf32, #tpu.memory_space<hbm>>
    %dma_start3A_370 = tpu.memref_slice %arg6[%dma_start3A_363] : memref<3x!tpu.dma_semaphore, #tpu.memory_space<semaphore_mem>> -> memref<1x!tpu.dma_semaphore, #tpu.memory_space<semaphore_mem>>
    %dma_start3A_371 = tpu.memref_squeeze %dma_start3A_370 : memref<1x!tpu.dma_semaphore, #tpu.memory_space<semaphore_mem>> -> memref<!tpu.dma_semaphore, #tpu.memory_space<semaphore_mem>>
    %dma_start3A_372 = arith.constant 0 : i32
    %dma_start3A_373 = tpu.memref_slice %arg3[%add3A_361, %dma_start3A_372] : memref<65536x256xf32, #tpu.memory_space<hbm>> -> memref<128x256xf32, #tpu.memory_space<hbm>>
    %dma_start3A_374 = arith.constant 0 : i32
    %dma_start3A_375 = arith.constant 0 : i32
    %dma_start3A_376 = tpu.memref_slice %arg4[%dma_start3A_362, %dma_start3A_374, %dma_start3A_375] : memref<3x128x256xf32, #tpu.memory_space<vmem>> -> memref<1x128x256xf32, #tpu.memory_space<vmem>>
    %dma_start3A_377 = tpu.memref_squeeze %dma_start3A_376 : memref<1x128x256xf32, #tpu.memory_space<vmem>> -> memref<128x256xf32, #tpu.memory_space<vmem>>
    tpu.enqueue_dma source(%dma_start3A_377 : memref<128x256xf32, #tpu.memory_space<vmem>>) target(%dma_start3A_373 : memref<128x256xf32, #tpu.memory_space<hbm>>) target_semaphore(%dma_start3A_371 : memref<!tpu.dma_semaphore, #tpu.memory_space<semaphore_mem>>)
    %add3A_378 = arith.constant 256 : i32
    %add3A_379 = arith.addi %mul3A_2, %add3A_378 : i32
    %dma_wait3A_380 = arith.constant 2 : i32
    %dma_wait3A_381 = arith.constant 2 : i32
    %dma_wait3A_382 = arith.constant 0 : i32
    %dma_wait3A_383 = arith.constant 0 : i32
    %dma_wait3A_384 = tpu.memref_slice %arg4[%dma_wait3A_380, %dma_wait3A_382, %dma_wait3A_383] : memref<3x128x256xf32, #tpu.memory_space<vmem>> -> memref<1x128x256xf32, #tpu.memory_space<vmem>>
    %dma_wait3A_385 = tpu.memref_squeeze %dma_wait3A_384 : memref<1x128x256xf32, #tpu.memory_space<vmem>> -> memref<128x256xf32, #tpu.memory_space<vmem>>
    %dma_wait3A_386 = arith.constant 0 : i32
    %dma_wait3A_387 = tpu.memref_slice %arg3[%add3A_379, %dma_wait3A_386] : memref<65536x256xf32, #tpu.memory_space<hbm>> -> memref<128x256xf32, #tpu.memory_space<hbm>>
    %dma_wait3A_388 = tpu.memref_slice %arg6[%dma_wait3A_381] : memref<3x!tpu.dma_semaphore, #tpu.memory_space<semaphore_mem>> -> memref<1x!tpu.dma_semaphore, #tpu.memory_space<semaphore_mem>>
    %dma_wait3A_389 = tpu.memref_squeeze %dma_wait3A_388 : memref<1x!tpu.dma_semaphore, #tpu.memory_space<semaphore_mem>> -> memref<!tpu.dma_semaphore, #tpu.memory_space<semaphore_mem>>
    %dma_wait3A_390 = arith.constant 0 : i32
    %dma_wait3A_391 = tpu.memref_slice %arg3[%add3A_379, %dma_wait3A_390] : memref<65536x256xf32, #tpu.memory_space<hbm>> -> memref<128x256xf32, #tpu.memory_space<hbm>>
    %dma_wait3A_392 = arith.constant 0 : i32
    %dma_wait3A_393 = arith.constant 0 : i32
    %dma_wait3A_394 = tpu.memref_slice %arg4[%dma_wait3A_380, %dma_wait3A_392, %dma_wait3A_393] : memref<3x128x256xf32, #tpu.memory_space<vmem>> -> memref<1x128x256xf32, #tpu.memory_space<vmem>>
    %dma_wait3A_395 = tpu.memref_squeeze %dma_wait3A_394 : memref<1x128x256xf32, #tpu.memory_space<vmem>> -> memref<128x256xf32, #tpu.memory_space<vmem>>
    tpu.wait_dma2 semaphore(%dma_wait3A_389 : memref<!tpu.dma_semaphore, #tpu.memory_space<semaphore_mem>>) src(%dma_wait3A_395 : memref<128x256xf32, #tpu.memory_space<vmem>>) dst(%dma_wait3A_391 : memref<128x256xf32, #tpu.memory_space<hbm>>)
    %add3A_396 = arith.constant 640 : i32
    %add3A_397 = arith.addi %mul3A_2, %add3A_396 : i32
    %dma_start3A_398 = arith.constant 2 : i32
    %dma_start3A_399 = arith.constant 2 : i32
    %dma_start3A_400 = arith.constant 0 : i32
    %dma_start3A_401 = arith.constant 0 : i32
    %dma_start3A_402 = tpu.memref_slice %arg4[%dma_start3A_398, %dma_start3A_400, %dma_start3A_401] : memref<3x128x256xf32, #tpu.memory_space<vmem>> -> memref<1x128x256xf32, #tpu.memory_space<vmem>>
    %dma_start3A_403 = tpu.memref_squeeze %dma_start3A_402 : memref<1x128x256xf32, #tpu.memory_space<vmem>> -> memref<128x256xf32, #tpu.memory_space<vmem>>
    %dma_start3A_404 = arith.constant 0 : i32
    %dma_start3A_405 = tpu.memref_slice %arg2[%add3A_397, %dma_start3A_404] : memref<65536x256xf32, #tpu.memory_space<hbm>> -> memref<128x256xf32, #tpu.memory_space<hbm>>
    %dma_start3A_406 = tpu.memref_slice %arg5[%dma_start3A_399] : memref<3x!tpu.dma_semaphore, #tpu.memory_space<semaphore_mem>> -> memref<1x!tpu.dma_semaphore, #tpu.memory_space<semaphore_mem>>
    %dma_start3A_407 = tpu.memref_squeeze %dma_start3A_406 : memref<1x!tpu.dma_semaphore, #tpu.memory_space<semaphore_mem>> -> memref<!tpu.dma_semaphore, #tpu.memory_space<semaphore_mem>>
    %dma_start3A_408 = arith.constant 0 : i32
    %dma_start3A_409 = arith.constant 0 : i32
    %dma_start3A_410 = tpu.memref_slice %arg4[%dma_start3A_398, %dma_start3A_408, %dma_start3A_409] : memref<3x128x256xf32, #tpu.memory_space<vmem>> -> memref<1x128x256xf32, #tpu.memory_space<vmem>>
    %dma_start3A_411 = tpu.memref_squeeze %dma_start3A_410 : memref<1x128x256xf32, #tpu.memory_space<vmem>> -> memref<128x256xf32, #tpu.memory_space<vmem>>
    %dma_start3A_412 = arith.constant 0 : i32
    %dma_start3A_413 = tpu.memref_slice %arg2[%add3A_397, %dma_start3A_412] : memref<65536x256xf32, #tpu.memory_space<hbm>> -> memref<128x256xf32, #tpu.memory_space<hbm>>
    tpu.enqueue_dma source(%dma_start3A_413 : memref<128x256xf32, #tpu.memory_space<hbm>>) target(%dma_start3A_411 : memref<128x256xf32, #tpu.memory_space<vmem>>) target_semaphore(%dma_start3A_407 : memref<!tpu.dma_semaphore, #tpu.memory_space<semaphore_mem>>)
    %add3A_414 = arith.constant 512 : i32
    %add3A_415 = arith.addi %mul3A_2, %add3A_414 : i32
    %dma_wait3A_416 = arith.constant 1 : i32
    %dma_wait3A_417 = arith.constant 1 : i32
    %dma_wait3A_418 = arith.constant 0 : i32
    %dma_wait3A_419 = arith.constant 0 : i32
    %dma_wait3A_420 = tpu.memref_slice %arg4[%dma_wait3A_416, %dma_wait3A_418, %dma_wait3A_419] : memref<3x128x256xf32, #tpu.memory_space<vmem>> -> memref<1x128x256xf32, #tpu.memory_space<vmem>>
    %dma_wait3A_421 = tpu.memref_squeeze %dma_wait3A_420 : memref<1x128x256xf32, #tpu.memory_space<vmem>> -> memref<128x256xf32, #tpu.memory_space<vmem>>
    %dma_wait3A_422 = arith.constant 0 : i32
    %dma_wait3A_423 = tpu.memref_slice %arg2[%add3A_415, %dma_wait3A_422] : memref<65536x256xf32, #tpu.memory_space<hbm>> -> memref<128x256xf32, #tpu.memory_space<hbm>>
    %dma_wait3A_424 = tpu.memref_slice %arg5[%dma_wait3A_417] : memref<3x!tpu.dma_semaphore, #tpu.memory_space<semaphore_mem>> -> memref<1x!tpu.dma_semaphore, #tpu.memory_space<semaphore_mem>>
    %dma_wait3A_425 = tpu.memref_squeeze %dma_wait3A_424 : memref<1x!tpu.dma_semaphore, #tpu.memory_space<semaphore_mem>> -> memref<!tpu.dma_semaphore, #tpu.memory_space<semaphore_mem>>
    %dma_wait3A_426 = arith.constant 0 : i32
    %dma_wait3A_427 = arith.constant 0 : i32
    %dma_wait3A_428 = tpu.memref_slice %arg4[%dma_wait3A_416, %dma_wait3A_426, %dma_wait3A_427] : memref<3x128x256xf32, #tpu.memory_space<vmem>> -> memref<1x128x256xf32, #tpu.memory_space<vmem>>
    %dma_wait3A_429 = tpu.memref_squeeze %dma_wait3A_428 : memref<1x128x256xf32, #tpu.memory_space<vmem>> -> memref<128x256xf32, #tpu.memory_space<vmem>>
    %dma_wait3A_430 = arith.constant 0 : i32
    %dma_wait3A_431 = tpu.memref_slice %arg2[%add3A_415, %dma_wait3A_430] : memref<65536x256xf32, #tpu.memory_space<hbm>> -> memref<128x256xf32, #tpu.memory_space<hbm>>
    tpu.wait_dma2 semaphore(%dma_wait3A_425 : memref<!tpu.dma_semaphore, #tpu.memory_space<semaphore_mem>>) src(%dma_wait3A_431 : memref<128x256xf32, #tpu.memory_space<hbm>>) dst(%dma_wait3A_429 : memref<128x256xf32, #tpu.memory_space<vmem>>)
    %broadcast_in_dim3A_432 = arith.constant 1 : i32
    %broadcast_in_dim3A_433 = vector.broadcast %broadcast_in_dim3A_432 : i32 to vector<16xi32>
    %add3A_434 = arith.constant 0 : i32
    %add3A_435 = vector.broadcast %add3A_434 : i32 to vector<16xi32>
    %add3A_436 = arith.addi %iota3A, %add3A_435 : vector<16xi32>
    tpu.vector_store_idx %arg4[%broadcast_in_dim3A_433, %add3A_436, %broadcast_in_dim3A_3], %broadcast_in_dim3A_5 : memref<3x128x256xf32, #tpu.memory_space<vmem>>[vector<16xi32>, vector<16xi32>, vector<16xi32>], vector<16xf32>,
    %add3A_437 = arith.constant 16 : i32
    %add3A_438 = vector.broadcast %add3A_437 : i32 to vector<16xi32>
    %add3A_439 = arith.addi %iota3A, %add3A_438 : vector<16xi32>
    tpu.vector_store_idx %arg4[%broadcast_in_dim3A_433, %add3A_439, %broadcast_in_dim3A_3], %broadcast_in_dim3A_5 : memref<3x128x256xf32, #tpu.memory_space<vmem>>[vector<16xi32>, vector<16xi32>, vector<16xi32>], vector<16xf32>,
    %add3A_440 = arith.constant 32 : i32
    %add3A_441 = vector.broadcast %add3A_440 : i32 to vector<16xi32>
    %add3A_442 = arith.addi %iota3A, %add3A_441 : vector<16xi32>
    tpu.vector_store_idx %arg4[%broadcast_in_dim3A_433, %add3A_442, %broadcast_in_dim3A_3], %broadcast_in_dim3A_5 : memref<3x128x256xf32, #tpu.memory_space<vmem>>[vector<16xi32>, vector<16xi32>, vector<16xi32>], vector<16xf32>,
    %add3A_443 = arith.constant 48 : i32
    %add3A_444 = vector.broadcast %add3A_443 : i32 to vector<16xi32>
    %add3A_445 = arith.addi %iota3A, %add3A_444 : vector<16xi32>
    tpu.vector_store_idx %arg4[%broadcast_in_dim3A_433, %add3A_445, %broadcast_in_dim3A_3], %broadcast_in_dim3A_5 : memref<3x128x256xf32, #tpu.memory_space<vmem>>[vector<16xi32>, vector<16xi32>, vector<16xi32>], vector<16xf32>,
    %add3A_446 = arith.constant 64 : i32
    %add3A_447 = vector.broadcast %add3A_446 : i32 to vector<16xi32>
    %add3A_448 = arith.addi %iota3A, %add3A_447 : vector<16xi32>
    tpu.vector_store_idx %arg4[%broadcast_in_dim3A_433, %add3A_448, %broadcast_in_dim3A_3], %broadcast_in_dim3A_5 : memref<3x128x256xf32, #tpu.memory_space<vmem>>[vector<16xi32>, vector<16xi32>, vector<16xi32>], vector<16xf32>,
    %add3A_449 = arith.constant 80 : i32
    %add3A_450 = vector.broadcast %add3A_449 : i32 to vector<16xi32>
    %add3A_451 = arith.addi %iota3A, %add3A_450 : vector<16xi32>
    tpu.vector_store_idx %arg4[%broadcast_in_dim3A_433, %add3A_451, %broadcast_in_dim3A_3], %broadcast_in_dim3A_5 : memref<3x128x256xf32, #tpu.memory_space<vmem>>[vector<16xi32>, vector<16xi32>, vector<16xi32>], vector<16xf32>,
    %add3A_452 = arith.constant 96 : i32
    %add3A_453 = vector.broadcast %add3A_452 : i32 to vector<16xi32>
    %add3A_454 = arith.addi %iota3A, %add3A_453 : vector<16xi32>
    tpu.vector_store_idx %arg4[%broadcast_in_dim3A_433, %add3A_454, %broadcast_in_dim3A_3], %broadcast_in_dim3A_5 : memref<3x128x256xf32, #tpu.memory_space<vmem>>[vector<16xi32>, vector<16xi32>, vector<16xi32>], vector<16xf32>,
    %add3A_455 = arith.constant 112 : i32
    %add3A_456 = vector.broadcast %add3A_455 : i32 to vector<16xi32>
    %add3A_457 = arith.addi %iota3A, %add3A_456 : vector<16xi32>
    tpu.vector_store_idx %arg4[%broadcast_in_dim3A_433, %add3A_457, %broadcast_in_dim3A_3], %broadcast_in_dim3A_5 : memref<3x128x256xf32, #tpu.memory_space<vmem>>[vector<16xi32>, vector<16xi32>, vector<16xi32>], vector<16xf32>,
    %add3A_458 = arith.constant 512 : i32
    %add3A_459 = arith.addi %mul3A_2, %add3A_458 : i32
    %dma_start3A_460 = arith.constant 1 : i32
    %dma_start3A_461 = arith.constant 1 : i32
    %dma_start3A_462 = arith.constant 0 : i32
    %dma_start3A_463 = arith.constant 0 : i32
    %dma_start3A_464 = tpu.memref_slice %arg4[%dma_start3A_460, %dma_start3A_462, %dma_start3A_463] : memref<3x128x256xf32, #tpu.memory_space<vmem>> -> memref<1x128x256xf32, #tpu.memory_space<vmem>>
    %dma_start3A_465 = tpu.memref_squeeze %dma_start3A_464 : memref<1x128x256xf32, #tpu.memory_space<vmem>> -> memref<128x256xf32, #tpu.memory_space<vmem>>
    %dma_start3A_466 = arith.constant 0 : i32
    %dma_start3A_467 = tpu.memref_slice %arg3[%add3A_459, %dma_start3A_466] : memref<65536x256xf32, #tpu.memory_space<hbm>> -> memref<128x256xf32, #tpu.memory_space<hbm>>
    %dma_start3A_468 = tpu.memref_slice %arg6[%dma_start3A_461] : memref<3x!tpu.dma_semaphore, #tpu.memory_space<semaphore_mem>> -> memref<1x!tpu.dma_semaphore, #tpu.memory_space<semaphore_mem>>
    %dma_start3A_469 = tpu.memref_squeeze %dma_start3A_468 : memref<1x!tpu.dma_semaphore, #tpu.memory_space<semaphore_mem>> -> memref<!tpu.dma_semaphore, #tpu.memory_space<semaphore_mem>>
    %dma_start3A_470 = arith.constant 0 : i32
    %dma_start3A_471 = tpu.memref_slice %arg3[%add3A_459, %dma_start3A_470] : memref<65536x256xf32, #tpu.memory_space<hbm>> -> memref<128x256xf32, #tpu.memory_space<hbm>>
    %dma_start3A_472 = arith.constant 0 : i32
    %dma_start3A_473 = arith.constant 0 : i32
    %dma_start3A_474 = tpu.memref_slice %arg4[%dma_start3A_460, %dma_start3A_472, %dma_start3A_473] : memref<3x128x256xf32, #tpu.memory_space<vmem>> -> memref<1x128x256xf32, #tpu.memory_space<vmem>>
    %dma_start3A_475 = tpu.memref_squeeze %dma_start3A_474 : memref<1x128x256xf32, #tpu.memory_space<vmem>> -> memref<128x256xf32, #tpu.memory_space<vmem>>
    tpu.enqueue_dma source(%dma_start3A_475 : memref<128x256xf32, #tpu.memory_space<vmem>>) target(%dma_start3A_471 : memref<128x256xf32, #tpu.memory_space<hbm>>) target_semaphore(%dma_start3A_469 : memref<!tpu.dma_semaphore, #tpu.memory_space<semaphore_mem>>)
    %add3A_476 = arith.constant 384 : i32
    %add3A_477 = arith.addi %mul3A_2, %add3A_476 : i32
    %dma_wait3A_478 = arith.constant 0 : i32
    %dma_wait3A_479 = arith.constant 0 : i32
    %dma_wait3A_480 = arith.constant 0 : i32
    %dma_wait3A_481 = arith.constant 0 : i32
    %dma_wait3A_482 = tpu.memref_slice %arg4[%dma_wait3A_478, %dma_wait3A_480, %dma_wait3A_481] : memref<3x128x256xf32, #tpu.memory_space<vmem>> -> memref<1x128x256xf32, #tpu.memory_space<vmem>>
    %dma_wait3A_483 = tpu.memref_squeeze %dma_wait3A_482 : memref<1x128x256xf32, #tpu.memory_space<vmem>> -> memref<128x256xf32, #tpu.memory_space<vmem>>
    %dma_wait3A_484 = arith.constant 0 : i32
    %dma_wait3A_485 = tpu.memref_slice %arg3[%add3A_477, %dma_wait3A_484] : memref<65536x256xf32, #tpu.memory_space<hbm>> -> memref<128x256xf32, #tpu.memory_space<hbm>>
    %dma_wait3A_486 = tpu.memref_slice %arg6[%dma_wait3A_479] : memref<3x!tpu.dma_semaphore, #tpu.memory_space<semaphore_mem>> -> memref<1x!tpu.dma_semaphore, #tpu.memory_space<semaphore_mem>>
    %dma_wait3A_487 = tpu.memref_squeeze %dma_wait3A_486 : memref<1x!tpu.dma_semaphore, #tpu.memory_space<semaphore_mem>> -> memref<!tpu.dma_semaphore, #tpu.memory_space<semaphore_mem>>
    %dma_wait3A_488 = arith.constant 0 : i32
    %dma_wait3A_489 = tpu.memref_slice %arg3[%add3A_477, %dma_wait3A_488] : memref<65536x256xf32, #tpu.memory_space<hbm>> -> memref<128x256xf32, #tpu.memory_space<hbm>>
    %dma_wait3A_490 = arith.constant 0 : i32
    %dma_wait3A_491 = arith.constant 0 : i32
    %dma_wait3A_492 = tpu.memref_slice %arg4[%dma_wait3A_478, %dma_wait3A_490, %dma_wait3A_491] : memref<3x128x256xf32, #tpu.memory_space<vmem>> -> memref<1x128x256xf32, #tpu.memory_space<vmem>>
    %dma_wait3A_493 = tpu.memref_squeeze %dma_wait3A_492 : memref<1x128x256xf32, #tpu.memory_space<vmem>> -> memref<128x256xf32, #tpu.memory_space<vmem>>
    tpu.wait_dma2 semaphore(%dma_wait3A_487 : memref<!tpu.dma_semaphore, #tpu.memory_space<semaphore_mem>>) src(%dma_wait3A_493 : memref<128x256xf32, #tpu.memory_space<vmem>>) dst(%dma_wait3A_489 : memref<128x256xf32, #tpu.memory_space<hbm>>)
    %add3A_494 = arith.constant 768 : i32
    %add3A_495 = arith.addi %mul3A_2, %add3A_494 : i32
    %dma_start3A_496 = arith.constant 0 : i32
    %dma_start3A_497 = arith.constant 0 : i32
    %dma_start3A_498 = arith.constant 0 : i32
    %dma_start3A_499 = arith.constant 0 : i32
    %dma_start3A_500 = tpu.memref_slice %arg4[%dma_start3A_496, %dma_start3A_498, %dma_start3A_499] : memref<3x128x256xf32, #tpu.memory_space<vmem>> -> memref<1x128x256xf32, #tpu.memory_space<vmem>>
    %dma_start3A_501 = tpu.memref_squeeze %dma_start3A_500 : memref<1x128x256xf32, #tpu.memory_space<vmem>> -> memref<128x256xf32, #tpu.memory_space<vmem>>
    %dma_start3A_502 = arith.constant 0 : i32
    %dma_start3A_503 = tpu.memref_slice %arg2[%add3A_495, %dma_start3A_502] : memref<65536x256xf32, #tpu.memory_space<hbm>> -> memref<128x256xf32, #tpu.memory_space<hbm>>
    %dma_start3A_504 = tpu.memref_slice %arg5[%dma_start3A_497] : memref<3x!tpu.dma_semaphore, #tpu.memory_space<semaphore_mem>> -> memref<1x!tpu.dma_semaphore, #tpu.memory_space<semaphore_mem>>
    %dma_start3A_505 = tpu.memref_squeeze %dma_start3A_504 : memref<1x!tpu.dma_semaphore, #tpu.memory_space<semaphore_mem>> -> memref<!tpu.dma_semaphore, #tpu.memory_space<semaphore_mem>>
    %dma_start3A_506 = arith.constant 0 : i32
    %dma_start3A_507 = arith.constant 0 : i32
    %dma_start3A_508 = tpu.memref_slice %arg4[%dma_start3A_496, %dma_start3A_506, %dma_start3A_507] : memref<3x128x256xf32, #tpu.memory_space<vmem>> -> memref<1x128x256xf32, #tpu.memory_space<vmem>>
    %dma_start3A_509 = tpu.memref_squeeze %dma_start3A_508 : memref<1x128x256xf32, #tpu.memory_space<vmem>> -> memref<128x256xf32, #tpu.memory_space<vmem>>
    %dma_start3A_510 = arith.constant 0 : i32
    %dma_start3A_511 = tpu.memref_slice %arg2[%add3A_495, %dma_start3A_510] : memref<65536x256xf32, #tpu.memory_space<hbm>> -> memref<128x256xf32, #tpu.memory_space<hbm>>
    tpu.enqueue_dma source(%dma_start3A_511 : memref<128x256xf32, #tpu.memory_space<hbm>>) target(%dma_start3A_509 : memref<128x256xf32, #tpu.memory_space<vmem>>) target_semaphore(%dma_start3A_505 : memref<!tpu.dma_semaphore, #tpu.memory_space<semaphore_mem>>)
    %add3A_512 = arith.constant 640 : i32
    %add3A_513 = arith.addi %mul3A_2, %add3A_512 : i32
    %dma_wait3A_514 = arith.constant 2 : i32
    %dma_wait3A_515 = arith.constant 2 : i32
    %dma_wait3A_516 = arith.constant 0 : i32
    %dma_wait3A_517 = arith.constant 0 : i32
    %dma_wait3A_518 = tpu.memref_slice %arg4[%dma_wait3A_514, %dma_wait3A_516, %dma_wait3A_517] : memref<3x128x256xf32, #tpu.memory_space<vmem>> -> memref<1x128x256xf32, #tpu.memory_space<vmem>>
    %dma_wait3A_519 = tpu.memref_squeeze %dma_wait3A_518 : memref<1x128x256xf32, #tpu.memory_space<vmem>> -> memref<128x256xf32, #tpu.memory_space<vmem>>
    %dma_wait3A_520 = arith.constant 0 : i32
    %dma_wait3A_521 = tpu.memref_slice %arg2[%add3A_513, %dma_wait3A_520] : memref<65536x256xf32, #tpu.memory_space<hbm>> -> memref<128x256xf32, #tpu.memory_space<hbm>>
    %dma_wait3A_522 = tpu.memref_slice %arg5[%dma_wait3A_515] : memref<3x!tpu.dma_semaphore, #tpu.memory_space<semaphore_mem>> -> memref<1x!tpu.dma_semaphore, #tpu.memory_space<semaphore_mem>>
    %dma_wait3A_523 = tpu.memref_squeeze %dma_wait3A_522 : memref<1x!tpu.dma_semaphore, #tpu.memory_space<semaphore_mem>> -> memref<!tpu.dma_semaphore, #tpu.memory_space<semaphore_mem>>
    %dma_wait3A_524 = arith.constant 0 : i32
    %dma_wait3A_525 = arith.constant 0 : i32
    %dma_wait3A_526 = tpu.memref_slice %arg4[%dma_wait3A_514, %dma_wait3A_524, %dma_wait3A_525] : memref<3x128x256xf32, #tpu.memory_space<vmem>> -> memref<1x128x256xf32, #tpu.memory_space<vmem>>
    %dma_wait3A_527 = tpu.memref_squeeze %dma_wait3A_526 : memref<1x128x256xf32, #tpu.memory_space<vmem>> -> memref<128x256xf32, #tpu.memory_space<vmem>>
    %dma_wait3A_528 = arith.constant 0 : i32
    %dma_wait3A_529 = tpu.memref_slice %arg2[%add3A_513, %dma_wait3A_528] : memref<65536x256xf32, #tpu.memory_space<hbm>> -> memref<128x256xf32, #tpu.memory_space<hbm>>
    tpu.wait_dma2 semaphore(%dma_wait3A_523 : memref<!tpu.dma_semaphore, #tpu.memory_space<semaphore_mem>>) src(%dma_wait3A_529 : memref<128x256xf32, #tpu.memory_space<hbm>>) dst(%dma_wait3A_527 : memref<128x256xf32, #tpu.memory_space<vmem>>)
    %broadcast_in_dim3A_530 = arith.constant 2 : i32
    %broadcast_in_dim3A_531 = vector.broadcast %broadcast_in_dim3A_530 : i32 to vector<16xi32>
    %add3A_532 = arith.constant 0 : i32
    %add3A_533 = vector.broadcast %add3A_532 : i32 to vector<16xi32>
    %add3A_534 = arith.addi %iota3A, %add3A_533 : vector<16xi32>
    tpu.vector_store_idx %arg4[%broadcast_in_dim3A_531, %add3A_534, %broadcast_in_dim3A_3], %broadcast_in_dim3A_5 : memref<3x128x256xf32, #tpu.memory_space<vmem>>[vector<16xi32>, vector<16xi32>, vector<16xi32>], vector<16xf32>,
    %add3A_535 = arith.constant 16 : i32
    %add3A_536 = vector.broadcast %add3A_535 : i32 to vector<16xi32>
    %add3A_537 = arith.addi %iota3A, %add3A_536 : vector<16xi32>
    tpu.vector_store_idx %arg4[%broadcast_in_dim3A_531, %add3A_537, %broadcast_in_dim3A_3], %broadcast_in_dim3A_5 : memref<3x128x256xf32, #tpu.memory_space<vmem>>[vector<16xi32>, vector<16xi32>, vector<16xi32>], vector<16xf32>,
    %add3A_538 = arith.constant 32 : i32
    %add3A_539 = vector.broadcast %add3A_538 : i32 to vector<16xi32>
    %add3A_540 = arith.addi %iota3A, %add3A_539 : vector<16xi32>
    tpu.vector_store_idx %arg4[%broadcast_in_dim3A_531, %add3A_540, %broadcast_in_dim3A_3], %broadcast_in_dim3A_5 : memref<3x128x256xf32, #tpu.memory_space<vmem>>[vector<16xi32>, vector<16xi32>, vector<16xi32>], vector<16xf32>,
    %add3A_541 = arith.constant 48 : i32
    %add3A_542 = vector.broadcast %add3A_541 : i32 to vector<16xi32>
    %add3A_543 = arith.addi %iota3A, %add3A_542 : vector<16xi32>
    tpu.vector_store_idx %arg4[%broadcast_in_dim3A_531, %add3A_543, %broadcast_in_dim3A_3], %broadcast_in_dim3A_5 : memref<3x128x256xf32, #tpu.memory_space<vmem>>[vector<16xi32>, vector<16xi32>, vector<16xi32>], vector<16xf32>,
    %add3A_544 = arith.constant 64 : i32
    %add3A_545 = vector.broadcast %add3A_544 : i32 to vector<16xi32>
    %add3A_546 = arith.addi %iota3A, %add3A_545 : vector<16xi32>
    tpu.vector_store_idx %arg4[%broadcast_in_dim3A_531, %add3A_546, %broadcast_in_dim3A_3], %broadcast_in_dim3A_5 : memref<3x128x256xf32, #tpu.memory_space<vmem>>[vector<16xi32>, vector<16xi32>, vector<16xi32>], vector<16xf32>,
    %add3A_547 = arith.constant 80 : i32
    %add3A_548 = vector.broadcast %add3A_547 : i32 to vector<16xi32>
    %add3A_549 = arith.addi %iota3A, %add3A_548 : vector<16xi32>
    tpu.vector_store_idx %arg4[%broadcast_in_dim3A_531, %add3A_549, %broadcast_in_dim3A_3], %broadcast_in_dim3A_5 : memref<3x128x256xf32, #tpu.memory_space<vmem>>[vector<16xi32>, vector<16xi32>, vector<16xi32>], vector<16xf32>,
    %add3A_550 = arith.constant 96 : i32
    %add3A_551 = vector.broadcast %add3A_550 : i32 to vector<16xi32>
    %add3A_552 = arith.addi %iota3A, %add3A_551 : vector<16xi32>
    tpu.vector_store_idx %arg4[%broadcast_in_dim3A_531, %add3A_552, %broadcast_in_dim3A_3], %broadcast_in_dim3A_5 : memref<3x128x256xf32, #tpu.memory_space<vmem>>[vector<16xi32>, vector<16xi32>, vector<16xi32>], vector<16xf32>,
    %add3A_553 = arith.constant 112 : i32
    %add3A_554 = vector.broadcast %add3A_553 : i32 to vector<16xi32>
    %add3A_555 = arith.addi %iota3A, %add3A_554 : vector<16xi32>
    tpu.vector_store_idx %arg4[%broadcast_in_dim3A_531, %add3A_555, %broadcast_in_dim3A_3], %broadcast_in_dim3A_5 : memref<3x128x256xf32, #tpu.memory_space<vmem>>[vector<16xi32>, vector<16xi32>, vector<16xi32>], vector<16xf32>,
    %add3A_556 = arith.constant 640 : i32
    %add3A_557 = arith.addi %mul3A_2, %add3A_556 : i32
    %dma_start3A_558 = arith.constant 2 : i32
    %dma_start3A_559 = arith.constant 2 : i32
    %dma_start3A_560 = arith.constant 0 : i32
    %dma_start3A_561 = arith.constant 0 : i32
    %dma_start3A_562 = tpu.memref_slice %arg4[%dma_start3A_558, %dma_start3A_560, %dma_start3A_561] : memref<3x128x256xf32, #tpu.memory_space<vmem>> -> memref<1x128x256xf32, #tpu.memory_space<vmem>>
    %dma_start3A_563 = tpu.memref_squeeze %dma_start3A_562 : memref<1x128x256xf32, #tpu.memory_space<vmem>> -> memref<128x256xf32, #tpu.memory_space<vmem>>
    %dma_start3A_564 = arith.constant 0 : i32
    %dma_start3A_565 = tpu.memref_slice %arg3[%add3A_557, %dma_start3A_564] : memref<65536x256xf32, #tpu.memory_space<hbm>> -> memref<128x256xf32, #tpu.memory_space<hbm>>
    %dma_start3A_566 = tpu.memref_slice %arg6[%dma_start3A_559] : memref<3x!tpu.dma_semaphore, #tpu.memory_space<semaphore_mem>> -> memref<1x!tpu.dma_semaphore, #tpu.memory_space<semaphore_mem>>
    %dma_start3A_567 = tpu.memref_squeeze %dma_start3A_566 : memref<1x!tpu.dma_semaphore, #tpu.memory_space<semaphore_mem>> -> memref<!tpu.dma_semaphore, #tpu.memory_space<semaphore_mem>>
    %dma_start3A_568 = arith.constant 0 : i32
    %dma_start3A_569 = tpu.memref_slice %arg3[%add3A_557, %dma_start3A_568] : memref<65536x256xf32, #tpu.memory_space<hbm>> -> memref<128x256xf32, #tpu.memory_space<hbm>>
    %dma_start3A_570 = arith.constant 0 : i32
    %dma_start3A_571 = arith.constant 0 : i32
    %dma_start3A_572 = tpu.memref_slice %arg4[%dma_start3A_558, %dma_start3A_570, %dma_start3A_571] : memref<3x128x256xf32, #tpu.memory_space<vmem>> -> memref<1x128x256xf32, #tpu.memory_space<vmem>>
    %dma_start3A_573 = tpu.memref_squeeze %dma_start3A_572 : memref<1x128x256xf32, #tpu.memory_space<vmem>> -> memref<128x256xf32, #tpu.memory_space<vmem>>
    tpu.enqueue_dma source(%dma_start3A_573 : memref<128x256xf32, #tpu.memory_space<vmem>>) target(%dma_start3A_569 : memref<128x256xf32, #tpu.memory_space<hbm>>) target_semaphore(%dma_start3A_567 : memref<!tpu.dma_semaphore, #tpu.memory_space<semaphore_mem>>)
    %add3A_574 = arith.constant 512 : i32
    %add3A_575 = arith.addi %mul3A_2, %add3A_574 : i32
    %dma_wait3A_576 = arith.constant 1 : i32
    %dma_wait3A_577 = arith.constant 1 : i32
    %dma_wait3A_578 = arith.constant 0 : i32
    %dma_wait3A_579 = arith.constant 0 : i32
    %dma_wait3A_580 = tpu.memref_slice %arg4[%dma_wait3A_576, %dma_wait3A_578, %dma_wait3A_579] : memref<3x128x256xf32, #tpu.memory_space<vmem>> -> memref<1x128x256xf32, #tpu.memory_space<vmem>>
    %dma_wait3A_581 = tpu.memref_squeeze %dma_wait3A_580 : memref<1x128x256xf32, #tpu.memory_space<vmem>> -> memref<128x256xf32, #tpu.memory_space<vmem>>
    %dma_wait3A_582 = arith.constant 0 : i32
    %dma_wait3A_583 = tpu.memref_slice %arg3[%add3A_575, %dma_wait3A_582] : memref<65536x256xf32, #tpu.memory_space<hbm>> -> memref<128x256xf32, #tpu.memory_space<hbm>>
    %dma_wait3A_584 = tpu.memref_slice %arg6[%dma_wait3A_577] : memref<3x!tpu.dma_semaphore, #tpu.memory_space<semaphore_mem>> -> memref<1x!tpu.dma_semaphore, #tpu.memory_space<semaphore_mem>>
    %dma_wait3A_585 = tpu.memref_squeeze %dma_wait3A_584 : memref<1x!tpu.dma_semaphore, #tpu.memory_space<semaphore_mem>> -> memref<!tpu.dma_semaphore, #tpu.memory_space<semaphore_mem>>
    %dma_wait3A_586 = arith.constant 0 : i32
    %dma_wait3A_587 = tpu.memref_slice %arg3[%add3A_575, %dma_wait3A_586] : memref<65536x256xf32, #tpu.memory_space<hbm>> -> memref<128x256xf32, #tpu.memory_space<hbm>>
    %dma_wait3A_588 = arith.constant 0 : i32
    %dma_wait3A_589 = arith.constant 0 : i32
    %dma_wait3A_590 = tpu.memref_slice %arg4[%dma_wait3A_576, %dma_wait3A_588, %dma_wait3A_589] : memref<3x128x256xf32, #tpu.memory_space<vmem>> -> memref<1x128x256xf32, #tpu.memory_space<vmem>>
    %dma_wait3A_591 = tpu.memref_squeeze %dma_wait3A_590 : memref<1x128x256xf32, #tpu.memory_space<vmem>> -> memref<128x256xf32, #tpu.memory_space<vmem>>
    tpu.wait_dma2 semaphore(%dma_wait3A_585 : memref<!tpu.dma_semaphore, #tpu.memory_space<semaphore_mem>>) src(%dma_wait3A_591 : memref<128x256xf32, #tpu.memory_space<vmem>>) dst(%dma_wait3A_587 : memref<128x256xf32, #tpu.memory_space<hbm>>)
    %add3A_592 = arith.constant 896 : i32
    %add3A_593 = arith.addi %mul3A_2, %add3A_592 : i32
    %dma_start3A_594 = arith.constant 1 : i32
    %dma_start3A_595 = arith.constant 1 : i32
    %dma_start3A_596 = arith.constant 0 : i32
    %dma_start3A_597 = arith.constant 0 : i32
    %dma_start3A_598 = tpu.memref_slice %arg4[%dma_start3A_594, %dma_start3A_596, %dma_start3A_597] : memref<3x128x256xf32, #tpu.memory_space<vmem>> -> memref<1x128x256xf32, #tpu.memory_space<vmem>>
    %dma_start3A_599 = tpu.memref_squeeze %dma_start3A_598 : memref<1x128x256xf32, #tpu.memory_space<vmem>> -> memref<128x256xf32, #tpu.memory_space<vmem>>
    %dma_start3A_600 = arith.constant 0 : i32
    %dma_start3A_601 = tpu.memref_slice %arg2[%add3A_593, %dma_start3A_600] : memref<65536x256xf32, #tpu.memory_space<hbm>> -> memref<128x256xf32, #tpu.memory_space<hbm>>
    %dma_start3A_602 = tpu.memref_slice %arg5[%dma_start3A_595] : memref<3x!tpu.dma_semaphore, #tpu.memory_space<semaphore_mem>> -> memref<1x!tpu.dma_semaphore, #tpu.memory_space<semaphore_mem>>
    %dma_start3A_603 = tpu.memref_squeeze %dma_start3A_602 : memref<1x!tpu.dma_semaphore, #tpu.memory_space<semaphore_mem>> -> memref<!tpu.dma_semaphore, #tpu.memory_space<semaphore_mem>>
    %dma_start3A_604 = arith.constant 0 : i32
    %dma_start3A_605 = arith.constant 0 : i32
    %dma_start3A_606 = tpu.memref_slice %arg4[%dma_start3A_594, %dma_start3A_604, %dma_start3A_605] : memref<3x128x256xf32, #tpu.memory_space<vmem>> -> memref<1x128x256xf32, #tpu.memory_space<vmem>>
    %dma_start3A_607 = tpu.memref_squeeze %dma_start3A_606 : memref<1x128x256xf32, #tpu.memory_space<vmem>> -> memref<128x256xf32, #tpu.memory_space<vmem>>
    %dma_start3A_608 = arith.constant 0 : i32
    %dma_start3A_609 = tpu.memref_slice %arg2[%add3A_593, %dma_start3A_608] : memref<65536x256xf32, #tpu.memory_space<hbm>> -> memref<128x256xf32, #tpu.memory_space<hbm>>
    tpu.enqueue_dma source(%dma_start3A_609 : memref<128x256xf32, #tpu.memory_space<hbm>>) target(%dma_start3A_607 : memref<128x256xf32, #tpu.memory_space<vmem>>) target_semaphore(%dma_start3A_603 : memref<!tpu.dma_semaphore, #tpu.memory_space<semaphore_mem>>)
    %add3A_610 = arith.constant 768 : i32
    %add3A_611 = arith.addi %mul3A_2, %add3A_610 : i32
    %dma_wait3A_612 = arith.constant 0 : i32
    %dma_wait3A_613 = arith.constant 0 : i32
    %dma_wait3A_614 = arith.constant 0 : i32
    %dma_wait3A_615 = arith.constant 0 : i32
    %dma_wait3A_616 = tpu.memref_slice %arg4[%dma_wait3A_612, %dma_wait3A_614, %dma_wait3A_615] : memref<3x128x256xf32, #tpu.memory_space<vmem>> -> memref<1x128x256xf32, #tpu.memory_space<vmem>>
    %dma_wait3A_617 = tpu.memref_squeeze %dma_wait3A_616 : memref<1x128x256xf32, #tpu.memory_space<vmem>> -> memref<128x256xf32, #tpu.memory_space<vmem>>
    %dma_wait3A_618 = arith.constant 0 : i32
    %dma_wait3A_619 = tpu.memref_slice %arg2[%add3A_611, %dma_wait3A_618] : memref<65536x256xf32, #tpu.memory_space<hbm>> -> memref<128x256xf32, #tpu.memory_space<hbm>>
    %dma_wait3A_620 = tpu.memref_slice %arg5[%dma_wait3A_613] : memref<3x!tpu.dma_semaphore, #tpu.memory_space<semaphore_mem>> -> memref<1x!tpu.dma_semaphore, #tpu.memory_space<semaphore_mem>>
    %dma_wait3A_621 = tpu.memref_squeeze %dma_wait3A_620 : memref<1x!tpu.dma_semaphore, #tpu.memory_space<semaphore_mem>> -> memref<!tpu.dma_semaphore, #tpu.memory_space<semaphore_mem>>
    %dma_wait3A_622 = arith.constant 0 : i32
    %dma_wait3A_623 = arith.constant 0 : i32
    %dma_wait3A_624 = tpu.memref_slice %arg4[%dma_wait3A_612, %dma_wait3A_622, %dma_wait3A_623] : memref<3x128x256xf32, #tpu.memory_space<vmem>> -> memref<1x128x256xf32, #tpu.memory_space<vmem>>
    %dma_wait3A_625 = tpu.memref_squeeze %dma_wait3A_624 : memref<1x128x256xf32, #tpu.memory_space<vmem>> -> memref<128x256xf32, #tpu.memory_space<vmem>>
    %dma_wait3A_626 = arith.constant 0 : i32
    %dma_wait3A_627 = tpu.memref_slice %arg2[%add3A_611, %dma_wait3A_626] : memref<65536x256xf32, #tpu.memory_space<hbm>> -> memref<128x256xf32, #tpu.memory_space<hbm>>
    tpu.wait_dma2 semaphore(%dma_wait3A_621 : memref<!tpu.dma_semaphore, #tpu.memory_space<semaphore_mem>>) src(%dma_wait3A_627 : memref<128x256xf32, #tpu.memory_space<hbm>>) dst(%dma_wait3A_625 : memref<128x256xf32, #tpu.memory_space<vmem>>)
    %broadcast_in_dim3A_628 = arith.constant 0 : i32
    %broadcast_in_dim3A_629 = vector.broadcast %broadcast_in_dim3A_628 : i32 to vector<16xi32>
    %add3A_630 = arith.constant 0 : i32
    %add3A_631 = vector.broadcast %add3A_630 : i32 to vector<16xi32>
    %add3A_632 = arith.addi %iota3A, %add3A_631 : vector<16xi32>
    tpu.vector_store_idx %arg4[%broadcast_in_dim3A_629, %add3A_632, %broadcast_in_dim3A_3], %broadcast_in_dim3A_5 : memref<3x128x256xf32, #tpu.memory_space<vmem>>[vector<16xi32>, vector<16xi32>, vector<16xi32>], vector<16xf32>,
    %add3A_633 = arith.constant 16 : i32
    %add3A_634 = vector.broadcast %add3A_633 : i32 to vector<16xi32>
    %add3A_635 = arith.addi %iota3A, %add3A_634 : vector<16xi32>
    tpu.vector_store_idx %arg4[%broadcast_in_dim3A_629, %add3A_635, %broadcast_in_dim3A_3], %broadcast_in_dim3A_5 : memref<3x128x256xf32, #tpu.memory_space<vmem>>[vector<16xi32>, vector<16xi32>, vector<16xi32>], vector<16xf32>,
    %add3A_636 = arith.constant 32 : i32
    %add3A_637 = vector.broadcast %add3A_636 : i32 to vector<16xi32>
    %add3A_638 = arith.addi %iota3A, %add3A_637 : vector<16xi32>
    tpu.vector_store_idx %arg4[%broadcast_in_dim3A_629, %add3A_638, %broadcast_in_dim3A_3], %broadcast_in_dim3A_5 : memref<3x128x256xf32, #tpu.memory_space<vmem>>[vector<16xi32>, vector<16xi32>, vector<16xi32>], vector<16xf32>,
    %add3A_639 = arith.constant 48 : i32
    %add3A_640 = vector.broadcast %add3A_639 : i32 to vector<16xi32>
    %add3A_641 = arith.addi %iota3A, %add3A_640 : vector<16xi32>
    tpu.vector_store_idx %arg4[%broadcast_in_dim3A_629, %add3A_641, %broadcast_in_dim3A_3], %broadcast_in_dim3A_5 : memref<3x128x256xf32, #tpu.memory_space<vmem>>[vector<16xi32>, vector<16xi32>, vector<16xi32>], vector<16xf32>,
    %add3A_642 = arith.constant 64 : i32
    %add3A_643 = vector.broadcast %add3A_642 : i32 to vector<16xi32>
    %add3A_644 = arith.addi %iota3A, %add3A_643 : vector<16xi32>
    tpu.vector_store_idx %arg4[%broadcast_in_dim3A_629, %add3A_644, %broadcast_in_dim3A_3], %broadcast_in_dim3A_5 : memref<3x128x256xf32, #tpu.memory_space<vmem>>[vector<16xi32>, vector<16xi32>, vector<16xi32>], vector<16xf32>,
    %add3A_645 = arith.constant 80 : i32
    %add3A_646 = vector.broadcast %add3A_645 : i32 to vector<16xi32>
    %add3A_647 = arith.addi %iota3A, %add3A_646 : vector<16xi32>
    tpu.vector_store_idx %arg4[%broadcast_in_dim3A_629, %add3A_647, %broadcast_in_dim3A_3], %broadcast_in_dim3A_5 : memref<3x128x256xf32, #tpu.memory_space<vmem>>[vector<16xi32>, vector<16xi32>, vector<16xi32>], vector<16xf32>,
    %add3A_648 = arith.constant 96 : i32
    %add3A_649 = vector.broadcast %add3A_648 : i32 to vector<16xi32>
    %add3A_650 = arith.addi %iota3A, %add3A_649 : vector<16xi32>
    tpu.vector_store_idx %arg4[%broadcast_in_dim3A_629, %add3A_650, %broadcast_in_dim3A_3], %broadcast_in_dim3A_5 : memref<3x128x256xf32, #tpu.memory_space<vmem>>[vector<16xi32>, vector<16xi32>, vector<16xi32>], vector<16xf32>,
    %add3A_651 = arith.constant 112 : i32
    %add3A_652 = vector.broadcast %add3A_651 : i32 to vector<16xi32>
    %add3A_653 = arith.addi %iota3A, %add3A_652 : vector<16xi32>
    tpu.vector_store_idx %arg4[%broadcast_in_dim3A_629, %add3A_653, %broadcast_in_dim3A_3], %broadcast_in_dim3A_5 : memref<3x128x256xf32, #tpu.memory_space<vmem>>[vector<16xi32>, vector<16xi32>, vector<16xi32>], vector<16xf32>,
    %add3A_654 = arith.constant 768 : i32
    %add3A_655 = arith.addi %mul3A_2, %add3A_654 : i32
    %dma_start3A_656 = arith.constant 0 : i32
    %dma_start3A_657 = arith.constant 0 : i32
    %dma_start3A_658 = arith.constant 0 : i32
    %dma_start3A_659 = arith.constant 0 : i32
    %dma_start3A_660 = tpu.memref_slice %arg4[%dma_start3A_656, %dma_start3A_658, %dma_start3A_659] : memref<3x128x256xf32, #tpu.memory_space<vmem>> -> memref<1x128x256xf32, #tpu.memory_space<vmem>>
    %dma_start3A_661 = tpu.memref_squeeze %dma_start3A_660 : memref<1x128x256xf32, #tpu.memory_space<vmem>> -> memref<128x256xf32, #tpu.memory_space<vmem>>
    %dma_start3A_662 = arith.constant 0 : i32
    %dma_start3A_663 = tpu.memref_slice %arg3[%add3A_655, %dma_start3A_662] : memref<65536x256xf32, #tpu.memory_space<hbm>> -> memref<128x256xf32, #tpu.memory_space<hbm>>
    %dma_start3A_664 = tpu.memref_slice %arg6[%dma_start3A_657] : memref<3x!tpu.dma_semaphore, #tpu.memory_space<semaphore_mem>> -> memref<1x!tpu.dma_semaphore, #tpu.memory_space<semaphore_mem>>
    %dma_start3A_665 = tpu.memref_squeeze %dma_start3A_664 : memref<1x!tpu.dma_semaphore, #tpu.memory_space<semaphore_mem>> -> memref<!tpu.dma_semaphore, #tpu.memory_space<semaphore_mem>>
    %dma_start3A_666 = arith.constant 0 : i32
    %dma_start3A_667 = tpu.memref_slice %arg3[%add3A_655, %dma_start3A_666] : memref<65536x256xf32, #tpu.memory_space<hbm>> -> memref<128x256xf32, #tpu.memory_space<hbm>>
    %dma_start3A_668 = arith.constant 0 : i32
    %dma_start3A_669 = arith.constant 0 : i32
    %dma_start3A_670 = tpu.memref_slice %arg4[%dma_start3A_656, %dma_start3A_668, %dma_start3A_669] : memref<3x128x256xf32, #tpu.memory_space<vmem>> -> memref<1x128x256xf32, #tpu.memory_space<vmem>>
    %dma_start3A_671 = tpu.memref_squeeze %dma_start3A_670 : memref<1x128x256xf32, #tpu.memory_space<vmem>> -> memref<128x256xf32, #tpu.memory_space<vmem>>
    tpu.enqueue_dma source(%dma_start3A_671 : memref<128x256xf32, #tpu.memory_space<vmem>>) target(%dma_start3A_667 : memref<128x256xf32, #tpu.memory_space<hbm>>) target_semaphore(%dma_start3A_665 : memref<!tpu.dma_semaphore, #tpu.memory_space<semaphore_mem>>)
    %add3A_672 = arith.constant 640 : i32
    %add3A_673 = arith.addi %mul3A_2, %add3A_672 : i32
    %dma_wait3A_674 = arith.constant 2 : i32
    %dma_wait3A_675 = arith.constant 2 : i32
    %dma_wait3A_676 = arith.constant 0 : i32
    %dma_wait3A_677 = arith.constant 0 : i32
    %dma_wait3A_678 = tpu.memref_slice %arg4[%dma_wait3A_674, %dma_wait3A_676, %dma_wait3A_677] : memref<3x128x256xf32, #tpu.memory_space<vmem>> -> memref<1x128x256xf32, #tpu.memory_space<vmem>>
    %dma_wait3A_679 = tpu.memref_squeeze %dma_wait3A_678 : memref<1x128x256xf32, #tpu.memory_space<vmem>> -> memref<128x256xf32, #tpu.memory_space<vmem>>
    %dma_wait3A_680 = arith.constant 0 : i32
    %dma_wait3A_681 = tpu.memref_slice %arg3[%add3A_673, %dma_wait3A_680] : memref<65536x256xf32, #tpu.memory_space<hbm>> -> memref<128x256xf32, #tpu.memory_space<hbm>>
    %dma_wait3A_682 = tpu.memref_slice %arg6[%dma_wait3A_675] : memref<3x!tpu.dma_semaphore, #tpu.memory_space<semaphore_mem>> -> memref<1x!tpu.dma_semaphore, #tpu.memory_space<semaphore_mem>>
    %dma_wait3A_683 = tpu.memref_squeeze %dma_wait3A_682 : memref<1x!tpu.dma_semaphore, #tpu.memory_space<semaphore_mem>> -> memref<!tpu.dma_semaphore, #tpu.memory_space<semaphore_mem>>
    %dma_wait3A_684 = arith.constant 0 : i32
    %dma_wait3A_685 = tpu.memref_slice %arg3[%add3A_673, %dma_wait3A_684] : memref<65536x256xf32, #tpu.memory_space<hbm>> -> memref<128x256xf32, #tpu.memory_space<hbm>>
    %dma_wait3A_686 = arith.constant 0 : i32
    %dma_wait3A_687 = arith.constant 0 : i32
    %dma_wait3A_688 = tpu.memref_slice %arg4[%dma_wait3A_674, %dma_wait3A_686, %dma_wait3A_687] : memref<3x128x256xf32, #tpu.memory_space<vmem>> -> memref<1x128x256xf32, #tpu.memory_space<vmem>>
    %dma_wait3A_689 = tpu.memref_squeeze %dma_wait3A_688 : memref<1x128x256xf32, #tpu.memory_space<vmem>> -> memref<128x256xf32, #tpu.memory_space<vmem>>
    tpu.wait_dma2 semaphore(%dma_wait3A_683 : memref<!tpu.dma_semaphore, #tpu.memory_space<semaphore_mem>>) src(%dma_wait3A_689 : memref<128x256xf32, #tpu.memory_space<vmem>>) dst(%dma_wait3A_685 : memref<128x256xf32, #tpu.memory_space<hbm>>)
    %add3A_690 = arith.constant 1024 : i32
    %add3A_691 = arith.addi %mul3A_2, %add3A_690 : i32
    %dma_start3A_692 = arith.constant 2 : i32
    %dma_start3A_693 = arith.constant 2 : i32
    %dma_start3A_694 = arith.constant 0 : i32
    %dma_start3A_695 = arith.constant 0 : i32
    %dma_start3A_696 = tpu.memref_slice %arg4[%dma_start3A_692, %dma_start3A_694, %dma_start3A_695] : memref<3x128x256xf32, #tpu.memory_space<vmem>> -> memref<1x128x256xf32, #tpu.memory_space<vmem>>
    %dma_start3A_697 = tpu.memref_squeeze %dma_start3A_696 : memref<1x128x256xf32, #tpu.memory_space<vmem>> -> memref<128x256xf32, #tpu.memory_space<vmem>>
    %dma_start3A_698 = arith.constant 0 : i32
    %dma_start3A_699 = tpu.memref_slice %arg2[%add3A_691, %dma_start3A_698] : memref<65536x256xf32, #tpu.memory_space<hbm>> -> memref<128x256xf32, #tpu.memory_space<hbm>>
    %dma_start3A_700 = tpu.memref_slice %arg5[%dma_start3A_693] : memref<3x!tpu.dma_semaphore, #tpu.memory_space<semaphore_mem>> -> memref<1x!tpu.dma_semaphore, #tpu.memory_space<semaphore_mem>>
    %dma_start3A_701 = tpu.memref_squeeze %dma_start3A_700 : memref<1x!tpu.dma_semaphore, #tpu.memory_space<semaphore_mem>> -> memref<!tpu.dma_semaphore, #tpu.memory_space<semaphore_mem>>
    %dma_start3A_702 = arith.constant 0 : i32
    %dma_start3A_703 = arith.constant 0 : i32
    %dma_start3A_704 = tpu.memref_slice %arg4[%dma_start3A_692, %dma_start3A_702, %dma_start3A_703] : memref<3x128x256xf32, #tpu.memory_space<vmem>> -> memref<1x128x256xf32, #tpu.memory_space<vmem>>
    %dma_start3A_705 = tpu.memref_squeeze %dma_start3A_704 : memref<1x128x256xf32, #tpu.memory_space<vmem>> -> memref<128x256xf32, #tpu.memory_space<vmem>>
    %dma_start3A_706 = arith.constant 0 : i32
    %dma_start3A_707 = tpu.memref_slice %arg2[%add3A_691, %dma_start3A_706] : memref<65536x256xf32, #tpu.memory_space<hbm>> -> memref<128x256xf32, #tpu.memory_space<hbm>>
    tpu.enqueue_dma source(%dma_start3A_707 : memref<128x256xf32, #tpu.memory_space<hbm>>) target(%dma_start3A_705 : memref<128x256xf32, #tpu.memory_space<vmem>>) target_semaphore(%dma_start3A_701 : memref<!tpu.dma_semaphore, #tpu.memory_space<semaphore_mem>>)
    %add3A_708 = arith.constant 896 : i32
    %add3A_709 = arith.addi %mul3A_2, %add3A_708 : i32
    %dma_wait3A_710 = arith.constant 1 : i32
    %dma_wait3A_711 = arith.constant 1 : i32
    %dma_wait3A_712 = arith.constant 0 : i32
    %dma_wait3A_713 = arith.constant 0 : i32
    %dma_wait3A_714 = tpu.memref_slice %arg4[%dma_wait3A_710, %dma_wait3A_712, %dma_wait3A_713] : memref<3x128x256xf32, #tpu.memory_space<vmem>> -> memref<1x128x256xf32, #tpu.memory_space<vmem>>
    %dma_wait3A_715 = tpu.memref_squeeze %dma_wait3A_714 : memref<1x128x256xf32, #tpu.memory_space<vmem>> -> memref<128x256xf32, #tpu.memory_space<vmem>>
    %dma_wait3A_716 = arith.constant 0 : i32
    %dma_wait3A_717 = tpu.memref_slice %arg2[%add3A_709, %dma_wait3A_716] : memref<65536x256xf32, #tpu.memory_space<hbm>> -> memref<128x256xf32, #tpu.memory_space<hbm>>
    %dma_wait3A_718 = tpu.memref_slice %arg5[%dma_wait3A_711] : memref<3x!tpu.dma_semaphore, #tpu.memory_space<semaphore_mem>> -> memref<1x!tpu.dma_semaphore, #tpu.memory_space<semaphore_mem>>
    %dma_wait3A_719 = tpu.memref_squeeze %dma_wait3A_718 : memref<1x!tpu.dma_semaphore, #tpu.memory_space<semaphore_mem>> -> memref<!tpu.dma_semaphore, #tpu.memory_space<semaphore_mem>>
    %dma_wait3A_720 = arith.constant 0 : i32
    %dma_wait3A_721 = arith.constant 0 : i32
    %dma_wait3A_722 = tpu.memref_slice %arg4[%dma_wait3A_710, %dma_wait3A_720, %dma_wait3A_721] : memref<3x128x256xf32, #tpu.memory_space<vmem>> -> memref<1x128x256xf32, #tpu.memory_space<vmem>>
    %dma_wait3A_723 = tpu.memref_squeeze %dma_wait3A_722 : memref<1x128x256xf32, #tpu.memory_space<vmem>> -> memref<128x256xf32, #tpu.memory_space<vmem>>
    %dma_wait3A_724 = arith.constant 0 : i32
    %dma_wait3A_725 = tpu.memref_slice %arg2[%add3A_709, %dma_wait3A_724] : memref<65536x256xf32, #tpu.memory_space<hbm>> -> memref<128x256xf32, #tpu.memory_space<hbm>>
    tpu.wait_dma2 semaphore(%dma_wait3A_719 : memref<!tpu.dma_semaphore, #tpu.memory_space<semaphore_mem>>) src(%dma_wait3A_725 : memref<128x256xf32, #tpu.memory_space<hbm>>) dst(%dma_wait3A_723 : memref<128x256xf32, #tpu.memory_space<vmem>>)
    %broadcast_in_dim3A_726 = arith.constant 1 : i32
    %broadcast_in_dim3A_727 = vector.broadcast %broadcast_in_dim3A_726 : i32 to vector<16xi32>
    %add3A_728 = arith.constant 0 : i32
    %add3A_729 = vector.broadcast %add3A_728 : i32 to vector<16xi32>
    %add3A_730 = arith.addi %iota3A, %add3A_729 : vector<16xi32>
    tpu.vector_store_idx %arg4[%broadcast_in_dim3A_727, %add3A_730, %broadcast_in_dim3A_3], %broadcast_in_dim3A_5 : memref<3x128x256xf32, #tpu.memory_space<vmem>>[vector<16xi32>, vector<16xi32>, vector<16xi32>], vector<16xf32>,
    %add3A_731 = arith.constant 16 : i32
    %add3A_732 = vector.broadcast %add3A_731 : i32 to vector<16xi32>
    %add3A_733 = arith.addi %iota3A, %add3A_732 : vector<16xi32>
    tpu.vector_store_idx %arg4[%broadcast_in_dim3A_727, %add3A_733, %broadcast_in_dim3A_3], %broadcast_in_dim3A_5 : memref<3x128x256xf32, #tpu.memory_space<vmem>>[vector<16xi32>, vector<16xi32>, vector<16xi32>], vector<16xf32>,
    %add3A_734 = arith.constant 32 : i32
    %add3A_735 = vector.broadcast %add3A_734 : i32 to vector<16xi32>
    %add3A_736 = arith.addi %iota3A, %add3A_735 : vector<16xi32>
    tpu.vector_store_idx %arg4[%broadcast_in_dim3A_727, %add3A_736, %broadcast_in_dim3A_3], %broadcast_in_dim3A_5 : memref<3x128x256xf32, #tpu.memory_space<vmem>>[vector<16xi32>, vector<16xi32>, vector<16xi32>], vector<16xf32>,
    %add3A_737 = arith.constant 48 : i32
    %add3A_738 = vector.broadcast %add3A_737 : i32 to vector<16xi32>
    %add3A_739 = arith.addi %iota3A, %add3A_738 : vector<16xi32>
    tpu.vector_store_idx %arg4[%broadcast_in_dim3A_727, %add3A_739, %broadcast_in_dim3A_3], %broadcast_in_dim3A_5 : memref<3x128x256xf32, #tpu.memory_space<vmem>>[vector<16xi32>, vector<16xi32>, vector<16xi32>], vector<16xf32>,
    %add3A_740 = arith.constant 64 : i32
    %add3A_741 = vector.broadcast %add3A_740 : i32 to vector<16xi32>
    %add3A_742 = arith.addi %iota3A, %add3A_741 : vector<16xi32>
    tpu.vector_store_idx %arg4[%broadcast_in_dim3A_727, %add3A_742, %broadcast_in_dim3A_3], %broadcast_in_dim3A_5 : memref<3x128x256xf32, #tpu.memory_space<vmem>>[vector<16xi32>, vector<16xi32>, vector<16xi32>], vector<16xf32>,
    %add3A_743 = arith.constant 80 : i32
    %add3A_744 = vector.broadcast %add3A_743 : i32 to vector<16xi32>
    %add3A_745 = arith.addi %iota3A, %add3A_744 : vector<16xi32>
    tpu.vector_store_idx %arg4[%broadcast_in_dim3A_727, %add3A_745, %broadcast_in_dim3A_3], %broadcast_in_dim3A_5 : memref<3x128x256xf32, #tpu.memory_space<vmem>>[vector<16xi32>, vector<16xi32>, vector<16xi32>], vector<16xf32>,
    %add3A_746 = arith.constant 96 : i32
    %add3A_747 = vector.broadcast %add3A_746 : i32 to vector<16xi32>
    %add3A_748 = arith.addi %iota3A, %add3A_747 : vector<16xi32>
    tpu.vector_store_idx %arg4[%broadcast_in_dim3A_727, %add3A_748, %broadcast_in_dim3A_3], %broadcast_in_dim3A_5 : memref<3x128x256xf32, #tpu.memory_space<vmem>>[vector<16xi32>, vector<16xi32>, vector<16xi32>], vector<16xf32>,
    %add3A_749 = arith.constant 112 : i32
    %add3A_750 = vector.broadcast %add3A_749 : i32 to vector<16xi32>
    %add3A_751 = arith.addi %iota3A, %add3A_750 : vector<16xi32>
    tpu.vector_store_idx %arg4[%broadcast_in_dim3A_727, %add3A_751, %broadcast_in_dim3A_3], %broadcast_in_dim3A_5 : memref<3x128x256xf32, #tpu.memory_space<vmem>>[vector<16xi32>, vector<16xi32>, vector<16xi32>], vector<16xf32>,
    %add3A_752 = arith.constant 896 : i32
    %add3A_753 = arith.addi %mul3A_2, %add3A_752 : i32
    %dma_start3A_754 = arith.constant 1 : i32
    %dma_start3A_755 = arith.constant 1 : i32
    %dma_start3A_756 = arith.constant 0 : i32
    %dma_start3A_757 = arith.constant 0 : i32
    %dma_start3A_758 = tpu.memref_slice %arg4[%dma_start3A_754, %dma_start3A_756, %dma_start3A_757] : memref<3x128x256xf32, #tpu.memory_space<vmem>> -> memref<1x128x256xf32, #tpu.memory_space<vmem>>
    %dma_start3A_759 = tpu.memref_squeeze %dma_start3A_758 : memref<1x128x256xf32, #tpu.memory_space<vmem>> -> memref<128x256xf32, #tpu.memory_space<vmem>>
    %dma_start3A_760 = arith.constant 0 : i32
    %dma_start3A_761 = tpu.memref_slice %arg3[%add3A_753, %dma_start3A_760] : memref<65536x256xf32, #tpu.memory_space<hbm>> -> memref<128x256xf32, #tpu.memory_space<hbm>>
    %dma_start3A_762 = tpu.memref_slice %arg6[%dma_start3A_755] : memref<3x!tpu.dma_semaphore, #tpu.memory_space<semaphore_mem>> -> memref<1x!tpu.dma_semaphore, #tpu.memory_space<semaphore_mem>>
    %dma_start3A_763 = tpu.memref_squeeze %dma_start3A_762 : memref<1x!tpu.dma_semaphore, #tpu.memory_space<semaphore_mem>> -> memref<!tpu.dma_semaphore, #tpu.memory_space<semaphore_mem>>
    %dma_start3A_764 = arith.constant 0 : i32
    %dma_start3A_765 = tpu.memref_slice %arg3[%add3A_753, %dma_start3A_764] : memref<65536x256xf32, #tpu.memory_space<hbm>> -> memref<128x256xf32, #tpu.memory_space<hbm>>
    %dma_start3A_766 = arith.constant 0 : i32
    %dma_start3A_767 = arith.constant 0 : i32
    %dma_start3A_768 = tpu.memref_slice %arg4[%dma_start3A_754, %dma_start3A_766, %dma_start3A_767] : memref<3x128x256xf32, #tpu.memory_space<vmem>> -> memref<1x128x256xf32, #tpu.memory_space<vmem>>
    %dma_start3A_769 = tpu.memref_squeeze %dma_start3A_768 : memref<1x128x256xf32, #tpu.memory_space<vmem>> -> memref<128x256xf32, #tpu.memory_space<vmem>>
    tpu.enqueue_dma source(%dma_start3A_769 : memref<128x256xf32, #tpu.memory_space<vmem>>) target(%dma_start3A_765 : memref<128x256xf32, #tpu.memory_space<hbm>>) target_semaphore(%dma_start3A_763 : memref<!tpu.dma_semaphore, #tpu.memory_space<semaphore_mem>>)
    %add3A_770 = arith.constant 768 : i32
    %add3A_771 = arith.addi %mul3A_2, %add3A_770 : i32
    %dma_wait3A_772 = arith.constant 0 : i32
    %dma_wait3A_773 = arith.constant 0 : i32
    %dma_wait3A_774 = arith.constant 0 : i32
    %dma_wait3A_775 = arith.constant 0 : i32
    %dma_wait3A_776 = tpu.memref_slice %arg4[%dma_wait3A_772, %dma_wait3A_774, %dma_wait3A_775] : memref<3x128x256xf32, #tpu.memory_space<vmem>> -> memref<1x128x256xf32, #tpu.memory_space<vmem>>
    %dma_wait3A_777 = tpu.memref_squeeze %dma_wait3A_776 : memref<1x128x256xf32, #tpu.memory_space<vmem>> -> memref<128x256xf32, #tpu.memory_space<vmem>>
    %dma_wait3A_778 = arith.constant 0 : i32
    %dma_wait3A_779 = tpu.memref_slice %arg3[%add3A_771, %dma_wait3A_778] : memref<65536x256xf32, #tpu.memory_space<hbm>> -> memref<128x256xf32, #tpu.memory_space<hbm>>
    %dma_wait3A_780 = tpu.memref_slice %arg6[%dma_wait3A_773] : memref<3x!tpu.dma_semaphore, #tpu.memory_space<semaphore_mem>> -> memref<1x!tpu.dma_semaphore, #tpu.memory_space<semaphore_mem>>
    %dma_wait3A_781 = tpu.memref_squeeze %dma_wait3A_780 : memref<1x!tpu.dma_semaphore, #tpu.memory_space<semaphore_mem>> -> memref<!tpu.dma_semaphore, #tpu.memory_space<semaphore_mem>>
    %dma_wait3A_782 = arith.constant 0 : i32
    %dma_wait3A_783 = tpu.memref_slice %arg3[%add3A_771, %dma_wait3A_782] : memref<65536x256xf32, #tpu.memory_space<hbm>> -> memref<128x256xf32, #tpu.memory_space<hbm>>
    %dma_wait3A_784 = arith.constant 0 : i32
    %dma_wait3A_785 = arith.constant 0 : i32
    %dma_wait3A_786 = tpu.memref_slice %arg4[%dma_wait3A_772, %dma_wait3A_784, %dma_wait3A_785] : memref<3x128x256xf32, #tpu.memory_space<vmem>> -> memref<1x128x256xf32, #tpu.memory_space<vmem>>
    %dma_wait3A_787 = tpu.memref_squeeze %dma_wait3A_786 : memref<1x128x256xf32, #tpu.memory_space<vmem>> -> memref<128x256xf32, #tpu.memory_space<vmem>>
    tpu.wait_dma2 semaphore(%dma_wait3A_781 : memref<!tpu.dma_semaphore, #tpu.memory_space<semaphore_mem>>) src(%dma_wait3A_787 : memref<128x256xf32, #tpu.memory_space<vmem>>) dst(%dma_wait3A_783 : memref<128x256xf32, #tpu.memory_space<hbm>>)
    %add3A_788 = arith.constant 1152 : i32
    %add3A_789 = arith.addi %mul3A_2, %add3A_788 : i32
    %dma_start3A_790 = arith.constant 0 : i32
    %dma_start3A_791 = arith.constant 0 : i32
    %dma_start3A_792 = arith.constant 0 : i32
    %dma_start3A_793 = arith.constant 0 : i32
    %dma_start3A_794 = tpu.memref_slice %arg4[%dma_start3A_790, %dma_start3A_792, %dma_start3A_793] : memref<3x128x256xf32, #tpu.memory_space<vmem>> -> memref<1x128x256xf32, #tpu.memory_space<vmem>>
    %dma_start3A_795 = tpu.memref_squeeze %dma_start3A_794 : memref<1x128x256xf32, #tpu.memory_space<vmem>> -> memref<128x256xf32, #tpu.memory_space<vmem>>
    %dma_start3A_796 = arith.constant 0 : i32
    %dma_start3A_797 = tpu.memref_slice %arg2[%add3A_789, %dma_start3A_796] : memref<65536x256xf32, #tpu.memory_space<hbm>> -> memref<128x256xf32, #tpu.memory_space<hbm>>
    %dma_start3A_798 = tpu.memref_slice %arg5[%dma_start3A_791] : memref<3x!tpu.dma_semaphore, #tpu.memory_space<semaphore_mem>> -> memref<1x!tpu.dma_semaphore, #tpu.memory_space<semaphore_mem>>
    %dma_start3A_799 = tpu.memref_squeeze %dma_start3A_798 : memref<1x!tpu.dma_semaphore, #tpu.memory_space<semaphore_mem>> -> memref<!tpu.dma_semaphore, #tpu.memory_space<semaphore_mem>>
    %dma_start3A_800 = arith.constant 0 : i32
    %dma_start3A_801 = arith.constant 0 : i32
    %dma_start3A_802 = tpu.memref_slice %arg4[%dma_start3A_790, %dma_start3A_800, %dma_start3A_801] : memref<3x128x256xf32, #tpu.memory_space<vmem>> -> memref<1x128x256xf32, #tpu.memory_space<vmem>>
    %dma_start3A_803 = tpu.memref_squeeze %dma_start3A_802 : memref<1x128x256xf32, #tpu.memory_space<vmem>> -> memref<128x256xf32, #tpu.memory_space<vmem>>
    %dma_start3A_804 = arith.constant 0 : i32
    %dma_start3A_805 = tpu.memref_slice %arg2[%add3A_789, %dma_start3A_804] : memref<65536x256xf32, #tpu.memory_space<hbm>> -> memref<128x256xf32, #tpu.memory_space<hbm>>
    tpu.enqueue_dma source(%dma_start3A_805 : memref<128x256xf32, #tpu.memory_space<hbm>>) target(%dma_start3A_803 : memref<128x256xf32, #tpu.memory_space<vmem>>) target_semaphore(%dma_start3A_799 : memref<!tpu.dma_semaphore, #tpu.memory_space<semaphore_mem>>)
    %add3A_806 = arith.constant 1024 : i32
    %add3A_807 = arith.addi %mul3A_2, %add3A_806 : i32
    %dma_wait3A_808 = arith.constant 2 : i32
    %dma_wait3A_809 = arith.constant 2 : i32
    %dma_wait3A_810 = arith.constant 0 : i32
    %dma_wait3A_811 = arith.constant 0 : i32
    %dma_wait3A_812 = tpu.memref_slice %arg4[%dma_wait3A_808, %dma_wait3A_810, %dma_wait3A_811] : memref<3x128x256xf32, #tpu.memory_space<vmem>> -> memref<1x128x256xf32, #tpu.memory_space<vmem>>
    %dma_wait3A_813 = tpu.memref_squeeze %dma_wait3A_812 : memref<1x128x256xf32, #tpu.memory_space<vmem>> -> memref<128x256xf32, #tpu.memory_space<vmem>>
    %dma_wait3A_814 = arith.constant 0 : i32
    %dma_wait3A_815 = tpu.memref_slice %arg2[%add3A_807, %dma_wait3A_814] : memref<65536x256xf32, #tpu.memory_space<hbm>> -> memref<128x256xf32, #tpu.memory_space<hbm>>
    %dma_wait3A_816 = tpu.memref_slice %arg5[%dma_wait3A_809] : memref<3x!tpu.dma_semaphore, #tpu.memory_space<semaphore_mem>> -> memref<1x!tpu.dma_semaphore, #tpu.memory_space<semaphore_mem>>
    %dma_wait3A_817 = tpu.memref_squeeze %dma_wait3A_816 : memref<1x!tpu.dma_semaphore, #tpu.memory_space<semaphore_mem>> -> memref<!tpu.dma_semaphore, #tpu.memory_space<semaphore_mem>>
    %dma_wait3A_818 = arith.constant 0 : i32
    %dma_wait3A_819 = arith.constant 0 : i32
    %dma_wait3A_820 = tpu.memref_slice %arg4[%dma_wait3A_808, %dma_wait3A_818, %dma_wait3A_819] : memref<3x128x256xf32, #tpu.memory_space<vmem>> -> memref<1x128x256xf32, #tpu.memory_space<vmem>>
    %dma_wait3A_821 = tpu.memref_squeeze %dma_wait3A_820 : memref<1x128x256xf32, #tpu.memory_space<vmem>> -> memref<128x256xf32, #tpu.memory_space<vmem>>
    %dma_wait3A_822 = arith.constant 0 : i32
    %dma_wait3A_823 = tpu.memref_slice %arg2[%add3A_807, %dma_wait3A_822] : memref<65536x256xf32, #tpu.memory_space<hbm>> -> memref<128x256xf32, #tpu.memory_space<hbm>>
    tpu.wait_dma2 semaphore(%dma_wait3A_817 : memref<!tpu.dma_semaphore, #tpu.memory_space<semaphore_mem>>) src(%dma_wait3A_823 : memref<128x256xf32, #tpu.memory_space<hbm>>) dst(%dma_wait3A_821 : memref<128x256xf32, #tpu.memory_space<vmem>>)
    %broadcast_in_dim3A_824 = arith.constant 2 : i32
    %broadcast_in_dim3A_825 = vector.broadcast %broadcast_in_dim3A_824 : i32 to vector<16xi32>
    %add3A_826 = arith.constant 0 : i32
    %add3A_827 = vector.broadcast %add3A_826 : i32 to vector<16xi32>
    %add3A_828 = arith.addi %iota3A, %add3A_827 : vector<16xi32>
    tpu.vector_store_idx %arg4[%broadcast_in_dim3A_825, %add3A_828, %broadcast_in_dim3A_3], %broadcast_in_dim3A_5 : memref<3x128x256xf32, #tpu.memory_space<vmem>>[vector<16xi32>, vector<16xi32>, vector<16xi32>], vector<16xf32>,
    %add3A_829 = arith.constant 16 : i32
    %add3A_830 = vector.broadcast %add3A_829 : i32 to vector<16xi32>
    %add3A_831 = arith.addi %iota3A, %add3A_830 : vector<16xi32>
    tpu.vector_store_idx %arg4[%broadcast_in_dim3A_825, %add3A_831, %broadcast_in_dim3A_3], %broadcast_in_dim3A_5 : memref<3x128x256xf32, #tpu.memory_space<vmem>>[vector<16xi32>, vector<16xi32>, vector<16xi32>], vector<16xf32>,
    %add3A_832 = arith.constant 32 : i32
    %add3A_833 = vector.broadcast %add3A_832 : i32 to vector<16xi32>
    %add3A_834 = arith.addi %iota3A, %add3A_833 : vector<16xi32>
    tpu.vector_store_idx %arg4[%broadcast_in_dim3A_825, %add3A_834, %broadcast_in_dim3A_3], %broadcast_in_dim3A_5 : memref<3x128x256xf32, #tpu.memory_space<vmem>>[vector<16xi32>, vector<16xi32>, vector<16xi32>], vector<16xf32>,
    %add3A_835 = arith.constant 48 : i32
    %add3A_836 = vector.broadcast %add3A_835 : i32 to vector<16xi32>
    %add3A_837 = arith.addi %iota3A, %add3A_836 : vector<16xi32>
    tpu.vector_store_idx %arg4[%broadcast_in_dim3A_825, %add3A_837, %broadcast_in_dim3A_3], %broadcast_in_dim3A_5 : memref<3x128x256xf32, #tpu.memory_space<vmem>>[vector<16xi32>, vector<16xi32>, vector<16xi32>], vector<16xf32>,
    %add3A_838 = arith.constant 64 : i32
    %add3A_839 = vector.broadcast %add3A_838 : i32 to vector<16xi32>
    %add3A_840 = arith.addi %iota3A, %add3A_839 : vector<16xi32>
    tpu.vector_store_idx %arg4[%broadcast_in_dim3A_825, %add3A_840, %broadcast_in_dim3A_3], %broadcast_in_dim3A_5 : memref<3x128x256xf32, #tpu.memory_space<vmem>>[vector<16xi32>, vector<16xi32>, vector<16xi32>], vector<16xf32>,
    %add3A_841 = arith.constant 80 : i32
    %add3A_842 = vector.broadcast %add3A_841 : i32 to vector<16xi32>
    %add3A_843 = arith.addi %iota3A, %add3A_842 : vector<16xi32>
    tpu.vector_store_idx %arg4[%broadcast_in_dim3A_825, %add3A_843, %broadcast_in_dim3A_3], %broadcast_in_dim3A_5 : memref<3x128x256xf32, #tpu.memory_space<vmem>>[vector<16xi32>, vector<16xi32>, vector<16xi32>], vector<16xf32>,
    %add3A_844 = arith.constant 96 : i32
    %add3A_845 = vector.broadcast %add3A_844 : i32 to vector<16xi32>
    %add3A_846 = arith.addi %iota3A, %add3A_845 : vector<16xi32>
    tpu.vector_store_idx %arg4[%broadcast_in_dim3A_825, %add3A_846, %broadcast_in_dim3A_3], %broadcast_in_dim3A_5 : memref<3x128x256xf32, #tpu.memory_space<vmem>>[vector<16xi32>, vector<16xi32>, vector<16xi32>], vector<16xf32>,
    %add3A_847 = arith.constant 112 : i32
    %add3A_848 = vector.broadcast %add3A_847 : i32 to vector<16xi32>
    %add3A_849 = arith.addi %iota3A, %add3A_848 : vector<16xi32>
    tpu.vector_store_idx %arg4[%broadcast_in_dim3A_825, %add3A_849, %broadcast_in_dim3A_3], %broadcast_in_dim3A_5 : memref<3x128x256xf32, #tpu.memory_space<vmem>>[vector<16xi32>, vector<16xi32>, vector<16xi32>], vector<16xf32>,
    %add3A_850 = arith.constant 1024 : i32
    %add3A_851 = arith.addi %mul3A_2, %add3A_850 : i32
    %dma_start3A_852 = arith.constant 2 : i32
    %dma_start3A_853 = arith.constant 2 : i32
    %dma_start3A_854 = arith.constant 0 : i32
    %dma_start3A_855 = arith.constant 0 : i32
    %dma_start3A_856 = tpu.memref_slice %arg4[%dma_start3A_852, %dma_start3A_854, %dma_start3A_855] : memref<3x128x256xf32, #tpu.memory_space<vmem>> -> memref<1x128x256xf32, #tpu.memory_space<vmem>>
    %dma_start3A_857 = tpu.memref_squeeze %dma_start3A_856 : memref<1x128x256xf32, #tpu.memory_space<vmem>> -> memref<128x256xf32, #tpu.memory_space<vmem>>
    %dma_start3A_858 = arith.constant 0 : i32
    %dma_start3A_859 = tpu.memref_slice %arg3[%add3A_851, %dma_start3A_858] : memref<65536x256xf32, #tpu.memory_space<hbm>> -> memref<128x256xf32, #tpu.memory_space<hbm>>
    %dma_start3A_860 = tpu.memref_slice %arg6[%dma_start3A_853] : memref<3x!tpu.dma_semaphore, #tpu.memory_space<semaphore_mem>> -> memref<1x!tpu.dma_semaphore, #tpu.memory_space<semaphore_mem>>
    %dma_start3A_861 = tpu.memref_squeeze %dma_start3A_860 : memref<1x!tpu.dma_semaphore, #tpu.memory_space<semaphore_mem>> -> memref<!tpu.dma_semaphore, #tpu.memory_space<semaphore_mem>>
    %dma_start3A_862 = arith.constant 0 : i32
    %dma_start3A_863 = tpu.memref_slice %arg3[%add3A_851, %dma_start3A_862] : memref<65536x256xf32, #tpu.memory_space<hbm>> -> memref<128x256xf32, #tpu.memory_space<hbm>>
    %dma_start3A_864 = arith.constant 0 : i32
    %dma_start3A_865 = arith.constant 0 : i32
    %dma_start3A_866 = tpu.memref_slice %arg4[%dma_start3A_852, %dma_start3A_864, %dma_start3A_865] : memref<3x128x256xf32, #tpu.memory_space<vmem>> -> memref<1x128x256xf32, #tpu.memory_space<vmem>>
    %dma_start3A_867 = tpu.memref_squeeze %dma_start3A_866 : memref<1x128x256xf32, #tpu.memory_space<vmem>> -> memref<128x256xf32, #tpu.memory_space<vmem>>
    tpu.enqueue_dma source(%dma_start3A_867 : memref<128x256xf32, #tpu.memory_space<vmem>>) target(%dma_start3A_863 : memref<128x256xf32, #tpu.memory_space<hbm>>) target_semaphore(%dma_start3A_861 : memref<!tpu.dma_semaphore, #tpu.memory_space<semaphore_mem>>)
    %add3A_868 = arith.constant 896 : i32
    %add3A_869 = arith.addi %mul3A_2, %add3A_868 : i32
    %dma_wait3A_870 = arith.constant 1 : i32
    %dma_wait3A_871 = arith.constant 1 : i32
    %dma_wait3A_872 = arith.constant 0 : i32
    %dma_wait3A_873 = arith.constant 0 : i32
    %dma_wait3A_874 = tpu.memref_slice %arg4[%dma_wait3A_870, %dma_wait3A_872, %dma_wait3A_873] : memref<3x128x256xf32, #tpu.memory_space<vmem>> -> memref<1x128x256xf32, #tpu.memory_space<vmem>>
    %dma_wait3A_875 = tpu.memref_squeeze %dma_wait3A_874 : memref<1x128x256xf32, #tpu.memory_space<vmem>> -> memref<128x256xf32, #tpu.memory_space<vmem>>
    %dma_wait3A_876 = arith.constant 0 : i32
    %dma_wait3A_877 = tpu.memref_slice %arg3[%add3A_869, %dma_wait3A_876] : memref<65536x256xf32, #tpu.memory_space<hbm>> -> memref<128x256xf32, #tpu.memory_space<hbm>>
    %dma_wait3A_878 = tpu.memref_slice %arg6[%dma_wait3A_871] : memref<3x!tpu.dma_semaphore, #tpu.memory_space<semaphore_mem>> -> memref<1x!tpu.dma_semaphore, #tpu.memory_space<semaphore_mem>>
    %dma_wait3A_879 = tpu.memref_squeeze %dma_wait3A_878 : memref<1x!tpu.dma_semaphore, #tpu.memory_space<semaphore_mem>> -> memref<!tpu.dma_semaphore, #tpu.memory_space<semaphore_mem>>
    %dma_wait3A_880 = arith.constant 0 : i32
    %dma_wait3A_881 = tpu.memref_slice %arg3[%add3A_869, %dma_wait3A_880] : memref<65536x256xf32, #tpu.memory_space<hbm>> -> memref<128x256xf32, #tpu.memory_space<hbm>>
    %dma_wait3A_882 = arith.constant 0 : i32
    %dma_wait3A_883 = arith.constant 0 : i32
    %dma_wait3A_884 = tpu.memref_slice %arg4[%dma_wait3A_870, %dma_wait3A_882, %dma_wait3A_883] : memref<3x128x256xf32, #tpu.memory_space<vmem>> -> memref<1x128x256xf32, #tpu.memory_space<vmem>>
    %dma_wait3A_885 = tpu.memref_squeeze %dma_wait3A_884 : memref<1x128x256xf32, #tpu.memory_space<vmem>> -> memref<128x256xf32, #tpu.memory_space<vmem>>
    tpu.wait_dma2 semaphore(%dma_wait3A_879 : memref<!tpu.dma_semaphore, #tpu.memory_space<semaphore_mem>>) src(%dma_wait3A_885 : memref<128x256xf32, #tpu.memory_space<vmem>>) dst(%dma_wait3A_881 : memref<128x256xf32, #tpu.memory_space<hbm>>)
    %add3A_886 = arith.constant 1280 : i32
    %add3A_887 = arith.addi %mul3A_2, %add3A_886 : i32
    %dma_start3A_888 = arith.constant 1 : i32
    %dma_start3A_889 = arith.constant 1 : i32
    %dma_start3A_890 = arith.constant 0 : i32
    %dma_start3A_891 = arith.constant 0 : i32
    %dma_start3A_892 = tpu.memref_slice %arg4[%dma_start3A_888, %dma_start3A_890, %dma_start3A_891] : memref<3x128x256xf32, #tpu.memory_space<vmem>> -> memref<1x128x256xf32, #tpu.memory_space<vmem>>
    %dma_start3A_893 = tpu.memref_squeeze %dma_start3A_892 : memref<1x128x256xf32, #tpu.memory_space<vmem>> -> memref<128x256xf32, #tpu.memory_space<vmem>>
    %dma_start3A_894 = arith.constant 0 : i32
    %dma_start3A_895 = tpu.memref_slice %arg2[%add3A_887, %dma_start3A_894] : memref<65536x256xf32, #tpu.memory_space<hbm>> -> memref<128x256xf32, #tpu.memory_space<hbm>>
    %dma_start3A_896 = tpu.memref_slice %arg5[%dma_start3A_889] : memref<3x!tpu.dma_semaphore, #tpu.memory_space<semaphore_mem>> -> memref<1x!tpu.dma_semaphore, #tpu.memory_space<semaphore_mem>>
    %dma_start3A_897 = tpu.memref_squeeze %dma_start3A_896 : memref<1x!tpu.dma_semaphore, #tpu.memory_space<semaphore_mem>> -> memref<!tpu.dma_semaphore, #tpu.memory_space<semaphore_mem>>
    %dma_start3A_898 = arith.constant 0 : i32
    %dma_start3A_899 = arith.constant 0 : i32
    %dma_start3A_900 = tpu.memref_slice %arg4[%dma_start3A_888, %dma_start3A_898, %dma_start3A_899] : memref<3x128x256xf32, #tpu.memory_space<vmem>> -> memref<1x128x256xf32, #tpu.memory_space<vmem>>
    %dma_start3A_901 = tpu.memref_squeeze %dma_start3A_900 : memref<1x128x256xf32, #tpu.memory_space<vmem>> -> memref<128x256xf32, #tpu.memory_space<vmem>>
    %dma_start3A_902 = arith.constant 0 : i32
    %dma_start3A_903 = tpu.memref_slice %arg2[%add3A_887, %dma_start3A_902] : memref<65536x256xf32, #tpu.memory_space<hbm>> -> memref<128x256xf32, #tpu.memory_space<hbm>>
    tpu.enqueue_dma source(%dma_start3A_903 : memref<128x256xf32, #tpu.memory_space<hbm>>) target(%dma_start3A_901 : memref<128x256xf32, #tpu.memory_space<vmem>>) target_semaphore(%dma_start3A_897 : memref<!tpu.dma_semaphore, #tpu.memory_space<semaphore_mem>>)
    %add3A_904 = arith.constant 1152 : i32
    %add3A_905 = arith.addi %mul3A_2, %add3A_904 : i32
    %dma_wait3A_906 = arith.constant 0 : i32
    %dma_wait3A_907 = arith.constant 0 : i32
    %dma_wait3A_908 = arith.constant 0 : i32
    %dma_wait3A_909 = arith.constant 0 : i32
    %dma_wait3A_910 = tpu.memref_slice %arg4[%dma_wait3A_906, %dma_wait3A_908, %dma_wait3A_909] : memref<3x128x256xf32, #tpu.memory_space<vmem>> -> memref<1x128x256xf32, #tpu.memory_space<vmem>>
    %dma_wait3A_911 = tpu.memref_squeeze %dma_wait3A_910 : memref<1x128x256xf32, #tpu.memory_space<vmem>> -> memref<128x256xf32, #tpu.memory_space<vmem>>
    %dma_wait3A_912 = arith.constant 0 : i32
    %dma_wait3A_913 = tpu.memref_slice %arg2[%add3A_905, %dma_wait3A_912] : memref<65536x256xf32, #tpu.memory_space<hbm>> -> memref<128x256xf32, #tpu.memory_space<hbm>>
    %dma_wait3A_914 = tpu.memref_slice %arg5[%dma_wait3A_907] : memref<3x!tpu.dma_semaphore, #tpu.memory_space<semaphore_mem>> -> memref<1x!tpu.dma_semaphore, #tpu.memory_space<semaphore_mem>>
    %dma_wait3A_915 = tpu.memref_squeeze %dma_wait3A_914 : memref<1x!tpu.dma_semaphore, #tpu.memory_space<semaphore_mem>> -> memref<!tpu.dma_semaphore, #tpu.memory_space<semaphore_mem>>
    %dma_wait3A_916 = arith.constant 0 : i32
    %dma_wait3A_917 = arith.constant 0 : i32
    %dma_wait3A_918 = tpu.memref_slice %arg4[%dma_wait3A_906, %dma_wait3A_916, %dma_wait3A_917] : memref<3x128x256xf32, #tpu.memory_space<vmem>> -> memref<1x128x256xf32, #tpu.memory_space<vmem>>
    %dma_wait3A_919 = tpu.memref_squeeze %dma_wait3A_918 : memref<1x128x256xf32, #tpu.memory_space<vmem>> -> memref<128x256xf32, #tpu.memory_space<vmem>>
    %dma_wait3A_920 = arith.constant 0 : i32
    %dma_wait3A_921 = tpu.memref_slice %arg2[%add3A_905, %dma_wait3A_920] : memref<65536x256xf32, #tpu.memory_space<hbm>> -> memref<128x256xf32, #tpu.memory_space<hbm>>
    tpu.wait_dma2 semaphore(%dma_wait3A_915 : memref<!tpu.dma_semaphore, #tpu.memory_space<semaphore_mem>>) src(%dma_wait3A_921 : memref<128x256xf32, #tpu.memory_space<hbm>>) dst(%dma_wait3A_919 : memref<128x256xf32, #tpu.memory_space<vmem>>)
    %broadcast_in_dim3A_922 = arith.constant 0 : i32
    %broadcast_in_dim3A_923 = vector.broadcast %broadcast_in_dim3A_922 : i32 to vector<16xi32>
    %add3A_924 = arith.constant 0 : i32
    %add3A_925 = vector.broadcast %add3A_924 : i32 to vector<16xi32>
    %add3A_926 = arith.addi %iota3A, %add3A_925 : vector<16xi32>
    tpu.vector_store_idx %arg4[%broadcast_in_dim3A_923, %add3A_926, %broadcast_in_dim3A_3], %broadcast_in_dim3A_5 : memref<3x128x256xf32, #tpu.memory_space<vmem>>[vector<16xi32>, vector<16xi32>, vector<16xi32>], vector<16xf32>,
    %add3A_927 = arith.constant 16 : i32
    %add3A_928 = vector.broadcast %add3A_927 : i32 to vector<16xi32>
    %add3A_929 = arith.addi %iota3A, %add3A_928 : vector<16xi32>
    tpu.vector_store_idx %arg4[%broadcast_in_dim3A_923, %add3A_929, %broadcast_in_dim3A_3], %broadcast_in_dim3A_5 : memref<3x128x256xf32, #tpu.memory_space<vmem>>[vector<16xi32>, vector<16xi32>, vector<16xi32>], vector<16xf32>,
    %add3A_930 = arith.constant 32 : i32
    %add3A_931 = vector.broadcast %add3A_930 : i32 to vector<16xi32>
    %add3A_932 = arith.addi %iota3A, %add3A_931 : vector<16xi32>
    tpu.vector_store_idx %arg4[%broadcast_in_dim3A_923, %add3A_932, %broadcast_in_dim3A_3], %broadcast_in_dim3A_5 : memref<3x128x256xf32, #tpu.memory_space<vmem>>[vector<16xi32>, vector<16xi32>, vector<16xi32>], vector<16xf32>,
    %add3A_933 = arith.constant 48 : i32
    %add3A_934 = vector.broadcast %add3A_933 : i32 to vector<16xi32>
    %add3A_935 = arith.addi %iota3A, %add3A_934 : vector<16xi32>
    tpu.vector_store_idx %arg4[%broadcast_in_dim3A_923, %add3A_935, %broadcast_in_dim3A_3], %broadcast_in_dim3A_5 : memref<3x128x256xf32, #tpu.memory_space<vmem>>[vector<16xi32>, vector<16xi32>, vector<16xi32>], vector<16xf32>,
    %add3A_936 = arith.constant 64 : i32
    %add3A_937 = vector.broadcast %add3A_936 : i32 to vector<16xi32>
    %add3A_938 = arith.addi %iota3A, %add3A_937 : vector<16xi32>
    tpu.vector_store_idx %arg4[%broadcast_in_dim3A_923, %add3A_938, %broadcast_in_dim3A_3], %broadcast_in_dim3A_5 : memref<3x128x256xf32, #tpu.memory_space<vmem>>[vector<16xi32>, vector<16xi32>, vector<16xi32>], vector<16xf32>,
    %add3A_939 = arith.constant 80 : i32
    %add3A_940 = vector.broadcast %add3A_939 : i32 to vector<16xi32>
    %add3A_941 = arith.addi %iota3A, %add3A_940 : vector<16xi32>
    tpu.vector_store_idx %arg4[%broadcast_in_dim3A_923, %add3A_941, %broadcast_in_dim3A_3], %broadcast_in_dim3A_5 : memref<3x128x256xf32, #tpu.memory_space<vmem>>[vector<16xi32>, vector<16xi32>, vector<16xi32>], vector<16xf32>,
    %add3A_942 = arith.constant 96 : i32
    %add3A_943 = vector.broadcast %add3A_942 : i32 to vector<16xi32>
    %add3A_944 = arith.addi %iota3A, %add3A_943 : vector<16xi32>
    tpu.vector_store_idx %arg4[%broadcast_in_dim3A_923, %add3A_944, %broadcast_in_dim3A_3], %broadcast_in_dim3A_5 : memref<3x128x256xf32, #tpu.memory_space<vmem>>[vector<16xi32>, vector<16xi32>, vector<16xi32>], vector<16xf32>,
    %add3A_945 = arith.constant 112 : i32
    %add3A_946 = vector.broadcast %add3A_945 : i32 to vector<16xi32>
    %add3A_947 = arith.addi %iota3A, %add3A_946 : vector<16xi32>
    tpu.vector_store_idx %arg4[%broadcast_in_dim3A_923, %add3A_947, %broadcast_in_dim3A_3], %broadcast_in_dim3A_5 : memref<3x128x256xf32, #tpu.memory_space<vmem>>[vector<16xi32>, vector<16xi32>, vector<16xi32>], vector<16xf32>,
    %add3A_948 = arith.constant 1152 : i32
    %add3A_949 = arith.addi %mul3A_2, %add3A_948 : i32
    %dma_start3A_950 = arith.constant 0 : i32
    %dma_start3A_951 = arith.constant 0 : i32
    %dma_start3A_952 = arith.constant 0 : i32
    %dma_start3A_953 = arith.constant 0 : i32
    %dma_start3A_954 = tpu.memref_slice %arg4[%dma_start3A_950, %dma_start3A_952, %dma_start3A_953] : memref<3x128x256xf32, #tpu.memory_space<vmem>> -> memref<1x128x256xf32, #tpu.memory_space<vmem>>
    %dma_start3A_955 = tpu.memref_squeeze %dma_start3A_954 : memref<1x128x256xf32, #tpu.memory_space<vmem>> -> memref<128x256xf32, #tpu.memory_space<vmem>>
    %dma_start3A_956 = arith.constant 0 : i32
    %dma_start3A_957 = tpu.memref_slice %arg3[%add3A_949, %dma_start3A_956] : memref<65536x256xf32, #tpu.memory_space<hbm>> -> memref<128x256xf32, #tpu.memory_space<hbm>>
    %dma_start3A_958 = tpu.memref_slice %arg6[%dma_start3A_951] : memref<3x!tpu.dma_semaphore, #tpu.memory_space<semaphore_mem>> -> memref<1x!tpu.dma_semaphore, #tpu.memory_space<semaphore_mem>>
    %dma_start3A_959 = tpu.memref_squeeze %dma_start3A_958 : memref<1x!tpu.dma_semaphore, #tpu.memory_space<semaphore_mem>> -> memref<!tpu.dma_semaphore, #tpu.memory_space<semaphore_mem>>
    %dma_start3A_960 = arith.constant 0 : i32
    %dma_start3A_961 = tpu.memref_slice %arg3[%add3A_949, %dma_start3A_960] : memref<65536x256xf32, #tpu.memory_space<hbm>> -> memref<128x256xf32, #tpu.memory_space<hbm>>
    %dma_start3A_962 = arith.constant 0 : i32
    %dma_start3A_963 = arith.constant 0 : i32
    %dma_start3A_964 = tpu.memref_slice %arg4[%dma_start3A_950, %dma_start3A_962, %dma_start3A_963] : memref<3x128x256xf32, #tpu.memory_space<vmem>> -> memref<1x128x256xf32, #tpu.memory_space<vmem>>
    %dma_start3A_965 = tpu.memref_squeeze %dma_start3A_964 : memref<1x128x256xf32, #tpu.memory_space<vmem>> -> memref<128x256xf32, #tpu.memory_space<vmem>>
    tpu.enqueue_dma source(%dma_start3A_965 : memref<128x256xf32, #tpu.memory_space<vmem>>) target(%dma_start3A_961 : memref<128x256xf32, #tpu.memory_space<hbm>>) target_semaphore(%dma_start3A_959 : memref<!tpu.dma_semaphore, #tpu.memory_space<semaphore_mem>>)
    %add3A_966 = arith.constant 1024 : i32
    %add3A_967 = arith.addi %mul3A_2, %add3A_966 : i32
    %dma_wait3A_968 = arith.constant 2 : i32
    %dma_wait3A_969 = arith.constant 2 : i32
    %dma_wait3A_970 = arith.constant 0 : i32
    %dma_wait3A_971 = arith.constant 0 : i32
    %dma_wait3A_972 = tpu.memref_slice %arg4[%dma_wait3A_968, %dma_wait3A_970, %dma_wait3A_971] : memref<3x128x256xf32, #tpu.memory_space<vmem>> -> memref<1x128x256xf32, #tpu.memory_space<vmem>>
    %dma_wait3A_973 = tpu.memref_squeeze %dma_wait3A_972 : memref<1x128x256xf32, #tpu.memory_space<vmem>> -> memref<128x256xf32, #tpu.memory_space<vmem>>
    %dma_wait3A_974 = arith.constant 0 : i32
    %dma_wait3A_975 = tpu.memref_slice %arg3[%add3A_967, %dma_wait3A_974] : memref<65536x256xf32, #tpu.memory_space<hbm>> -> memref<128x256xf32, #tpu.memory_space<hbm>>
    %dma_wait3A_976 = tpu.memref_slice %arg6[%dma_wait3A_969] : memref<3x!tpu.dma_semaphore, #tpu.memory_space<semaphore_mem>> -> memref<1x!tpu.dma_semaphore, #tpu.memory_space<semaphore_mem>>
    %dma_wait3A_977 = tpu.memref_squeeze %dma_wait3A_976 : memref<1x!tpu.dma_semaphore, #tpu.memory_space<semaphore_mem>> -> memref<!tpu.dma_semaphore, #tpu.memory_space<semaphore_mem>>
    %dma_wait3A_978 = arith.constant 0 : i32
    %dma_wait3A_979 = tpu.memref_slice %arg3[%add3A_967, %dma_wait3A_978] : memref<65536x256xf32, #tpu.memory_space<hbm>> -> memref<128x256xf32, #tpu.memory_space<hbm>>
    %dma_wait3A_980 = arith.constant 0 : i32
    %dma_wait3A_981 = arith.constant 0 : i32
    %dma_wait3A_982 = tpu.memref_slice %arg4[%dma_wait3A_968, %dma_wait3A_980, %dma_wait3A_981] : memref<3x128x256xf32, #tpu.memory_space<vmem>> -> memref<1x128x256xf32, #tpu.memory_space<vmem>>
    %dma_wait3A_983 = tpu.memref_squeeze %dma_wait3A_982 : memref<1x128x256xf32, #tpu.memory_space<vmem>> -> memref<128x256xf32, #tpu.memory_space<vmem>>
    tpu.wait_dma2 semaphore(%dma_wait3A_977 : memref<!tpu.dma_semaphore, #tpu.memory_space<semaphore_mem>>) src(%dma_wait3A_983 : memref<128x256xf32, #tpu.memory_space<vmem>>) dst(%dma_wait3A_979 : memref<128x256xf32, #tpu.memory_space<hbm>>)
    %add3A_984 = arith.constant 1408 : i32
    %add3A_985 = arith.addi %mul3A_2, %add3A_984 : i32
    %dma_start3A_986 = arith.constant 2 : i32
    %dma_start3A_987 = arith.constant 2 : i32
    %dma_start3A_988 = arith.constant 0 : i32
    %dma_start3A_989 = arith.constant 0 : i32
    %dma_start3A_990 = tpu.memref_slice %arg4[%dma_start3A_986, %dma_start3A_988, %dma_start3A_989] : memref<3x128x256xf32, #tpu.memory_space<vmem>> -> memref<1x128x256xf32, #tpu.memory_space<vmem>>
    %dma_start3A_991 = tpu.memref_squeeze %dma_start3A_990 : memref<1x128x256xf32, #tpu.memory_space<vmem>> -> memref<128x256xf32, #tpu.memory_space<vmem>>
    %dma_start3A_992 = arith.constant 0 : i32
    %dma_start3A_993 = tpu.memref_slice %arg2[%add3A_985, %dma_start3A_992] : memref<65536x256xf32, #tpu.memory_space<hbm>> -> memref<128x256xf32, #tpu.memory_space<hbm>>
    %dma_start3A_994 = tpu.memref_slice %arg5[%dma_start3A_987] : memref<3x!tpu.dma_semaphore, #tpu.memory_space<semaphore_mem>> -> memref<1x!tpu.dma_semaphore, #tpu.memory_space<semaphore_mem>>
    %dma_start3A_995 = tpu.memref_squeeze %dma_start3A_994 : memref<1x!tpu.dma_semaphore, #tpu.memory_space<semaphore_mem>> -> memref<!tpu.dma_semaphore, #tpu.memory_space<semaphore_mem>>
    %dma_start3A_996 = arith.constant 0 : i32
    %dma_start3A_997 = arith.constant 0 : i32
    %dma_start3A_998 = tpu.memref_slice %arg4[%dma_start3A_986, %dma_start3A_996, %dma_start3A_997] : memref<3x128x256xf32, #tpu.memory_space<vmem>> -> memref<1x128x256xf32, #tpu.memory_space<vmem>>
    %dma_start3A_999 = tpu.memref_squeeze %dma_start3A_998 : memref<1x128x256xf32, #tpu.memory_space<vmem>> -> memref<128x256xf32, #tpu.memory_space<vmem>>
    %dma_start3A_1000 = arith.constant 0 : i32
    %dma_start3A_1001 = tpu.memref_slice %arg2[%add3A_985, %dma_start3A_1000] : memref<65536x256xf32, #tpu.memory_space<hbm>> -> memref<128x256xf32, #tpu.memory_space<hbm>>
    tpu.enqueue_dma source(%dma_start3A_1001 : memref<128x256xf32, #tpu.memory_space<hbm>>) target(%dma_start3A_999 : memref<128x256xf32, #tpu.memory_space<vmem>>) target_semaphore(%dma_start3A_995 : memref<!tpu.dma_semaphore, #tpu.memory_space<semaphore_mem>>)
    %add3A_1002 = arith.constant 1280 : i32
    %add3A_1003 = arith.addi %mul3A_2, %add3A_1002 : i32
    %dma_wait3A_1004 = arith.constant 1 : i32
    %dma_wait3A_1005 = arith.constant 1 : i32
    %dma_wait3A_1006 = arith.constant 0 : i32
    %dma_wait3A_1007 = arith.constant 0 : i32
    %dma_wait3A_1008 = tpu.memref_slice %arg4[%dma_wait3A_1004, %dma_wait3A_1006, %dma_wait3A_1007] : memref<3x128x256xf32, #tpu.memory_space<vmem>> -> memref<1x128x256xf32, #tpu.memory_space<vmem>>
    %dma_wait3A_1009 = tpu.memref_squeeze %dma_wait3A_1008 : memref<1x128x256xf32, #tpu.memory_space<vmem>> -> memref<128x256xf32, #tpu.memory_space<vmem>>
    %dma_wait3A_1010 = arith.constant 0 : i32
    %dma_wait3A_1011 = tpu.memref_slice %arg2[%add3A_1003, %dma_wait3A_1010] : memref<65536x256xf32, #tpu.memory_space<hbm>> -> memref<128x256xf32, #tpu.memory_space<hbm>>
    %dma_wait3A_1012 = tpu.memref_slice %arg5[%dma_wait3A_1005] : memref<3x!tpu.dma_semaphore, #tpu.memory_space<semaphore_mem>> -> memref<1x!tpu.dma_semaphore, #tpu.memory_space<semaphore_mem>>
    %dma_wait3A_1013 = tpu.memref_squeeze %dma_wait3A_1012 : memref<1x!tpu.dma_semaphore, #tpu.memory_space<semaphore_mem>> -> memref<!tpu.dma_semaphore, #tpu.memory_space<semaphore_mem>>
    %dma_wait3A_1014 = arith.constant 0 : i32
    %dma_wait3A_1015 = arith.constant 0 : i32
    %dma_wait3A_1016 = tpu.memref_slice %arg4[%dma_wait3A_1004, %dma_wait3A_1014, %dma_wait3A_1015] : memref<3x128x256xf32, #tpu.memory_space<vmem>> -> memref<1x128x256xf32, #tpu.memory_space<vmem>>
    %dma_wait3A_1017 = tpu.memref_squeeze %dma_wait3A_1016 : memref<1x128x256xf32, #tpu.memory_space<vmem>> -> memref<128x256xf32, #tpu.memory_space<vmem>>
    %dma_wait3A_1018 = arith.constant 0 : i32
    %dma_wait3A_1019 = tpu.memref_slice %arg2[%add3A_1003, %dma_wait3A_1018] : memref<65536x256xf32, #tpu.memory_space<hbm>> -> memref<128x256xf32, #tpu.memory_space<hbm>>
    tpu.wait_dma2 semaphore(%dma_wait3A_1013 : memref<!tpu.dma_semaphore, #tpu.memory_space<semaphore_mem>>) src(%dma_wait3A_1019 : memref<128x256xf32, #tpu.memory_space<hbm>>) dst(%dma_wait3A_1017 : memref<128x256xf32, #tpu.memory_space<vmem>>)
    %broadcast_in_dim3A_1020 = arith.constant 1 : i32
    %broadcast_in_dim3A_1021 = vector.broadcast %broadcast_in_dim3A_1020 : i32 to vector<16xi32>
    %add3A_1022 = arith.constant 0 : i32
    %add3A_1023 = vector.broadcast %add3A_1022 : i32 to vector<16xi32>
    %add3A_1024 = arith.addi %iota3A, %add3A_1023 : vector<16xi32>
    tpu.vector_store_idx %arg4[%broadcast_in_dim3A_1021, %add3A_1024, %broadcast_in_dim3A_3], %broadcast_in_dim3A_5 : memref<3x128x256xf32, #tpu.memory_space<vmem>>[vector<16xi32>, vector<16xi32>, vector<16xi32>], vector<16xf32>,
    %add3A_1025 = arith.constant 16 : i32
    %add3A_1026 = vector.broadcast %add3A_1025 : i32 to vector<16xi32>
    %add3A_1027 = arith.addi %iota3A, %add3A_1026 : vector<16xi32>
    tpu.vector_store_idx %arg4[%broadcast_in_dim3A_1021, %add3A_1027, %broadcast_in_dim3A_3], %broadcast_in_dim3A_5 : memref<3x128x256xf32, #tpu.memory_space<vmem>>[vector<16xi32>, vector<16xi32>, vector<16xi32>], vector<16xf32>,
    %add3A_1028 = arith.constant 32 : i32
    %add3A_1029 = vector.broadcast %add3A_1028 : i32 to vector<16xi32>
    %add3A_1030 = arith.addi %iota3A, %add3A_1029 : vector<16xi32>
    tpu.vector_store_idx %arg4[%broadcast_in_dim3A_1021, %add3A_1030, %broadcast_in_dim3A_3], %broadcast_in_dim3A_5 : memref<3x128x256xf32, #tpu.memory_space<vmem>>[vector<16xi32>, vector<16xi32>, vector<16xi32>], vector<16xf32>,
    %add3A_1031 = arith.constant 48 : i32
    %add3A_1032 = vector.broadcast %add3A_1031 : i32 to vector<16xi32>
    %add3A_1033 = arith.addi %iota3A, %add3A_1032 : vector<16xi32>
    tpu.vector_store_idx %arg4[%broadcast_in_dim3A_1021, %add3A_1033, %broadcast_in_dim3A_3], %broadcast_in_dim3A_5 : memref<3x128x256xf32, #tpu.memory_space<vmem>>[vector<16xi32>, vector<16xi32>, vector<16xi32>], vector<16xf32>,
    %add3A_1034 = arith.constant 64 : i32
    %add3A_1035 = vector.broadcast %add3A_1034 : i32 to vector<16xi32>
    %add3A_1036 = arith.addi %iota3A, %add3A_1035 : vector<16xi32>
    tpu.vector_store_idx %arg4[%broadcast_in_dim3A_1021, %add3A_1036, %broadcast_in_dim3A_3], %broadcast_in_dim3A_5 : memref<3x128x256xf32, #tpu.memory_space<vmem>>[vector<16xi32>, vector<16xi32>, vector<16xi32>], vector<16xf32>,
    %add3A_1037 = arith.constant 80 : i32
    %add3A_1038 = vector.broadcast %add3A_1037 : i32 to vector<16xi32>
    %add3A_1039 = arith.addi %iota3A, %add3A_1038 : vector<16xi32>
    tpu.vector_store_idx %arg4[%broadcast_in_dim3A_1021, %add3A_1039, %broadcast_in_dim3A_3], %broadcast_in_dim3A_5 : memref<3x128x256xf32, #tpu.memory_space<vmem>>[vector<16xi32>, vector<16xi32>, vector<16xi32>], vector<16xf32>,
    %add3A_1040 = arith.constant 96 : i32
    %add3A_1041 = vector.broadcast %add3A_1040 : i32 to vector<16xi32>
    %add3A_1042 = arith.addi %iota3A, %add3A_1041 : vector<16xi32>
    tpu.vector_store_idx %arg4[%broadcast_in_dim3A_1021, %add3A_1042, %broadcast_in_dim3A_3], %broadcast_in_dim3A_5 : memref<3x128x256xf32, #tpu.memory_space<vmem>>[vector<16xi32>, vector<16xi32>, vector<16xi32>], vector<16xf32>,
    %add3A_1043 = arith.constant 112 : i32
    %add3A_1044 = vector.broadcast %add3A_1043 : i32 to vector<16xi32>
    %add3A_1045 = arith.addi %iota3A, %add3A_1044 : vector<16xi32>
    tpu.vector_store_idx %arg4[%broadcast_in_dim3A_1021, %add3A_1045, %broadcast_in_dim3A_3], %broadcast_in_dim3A_5 : memref<3x128x256xf32, #tpu.memory_space<vmem>>[vector<16xi32>, vector<16xi32>, vector<16xi32>], vector<16xf32>,
    %add3A_1046 = arith.constant 1280 : i32
    %add3A_1047 = arith.addi %mul3A_2, %add3A_1046 : i32
    %dma_start3A_1048 = arith.constant 1 : i32
    %dma_start3A_1049 = arith.constant 1 : i32
    %dma_start3A_1050 = arith.constant 0 : i32
    %dma_start3A_1051 = arith.constant 0 : i32
    %dma_start3A_1052 = tpu.memref_slice %arg4[%dma_start3A_1048, %dma_start3A_1050, %dma_start3A_1051] : memref<3x128x256xf32, #tpu.memory_space<vmem>> -> memref<1x128x256xf32, #tpu.memory_space<vmem>>
    %dma_start3A_1053 = tpu.memref_squeeze %dma_start3A_1052 : memref<1x128x256xf32, #tpu.memory_space<vmem>> -> memref<128x256xf32, #tpu.memory_space<vmem>>
    %dma_start3A_1054 = arith.constant 0 : i32
    %dma_start3A_1055 = tpu.memref_slice %arg3[%add3A_1047, %dma_start3A_1054] : memref<65536x256xf32, #tpu.memory_space<hbm>> -> memref<128x256xf32, #tpu.memory_space<hbm>>
    %dma_start3A_1056 = tpu.memref_slice %arg6[%dma_start3A_1049] : memref<3x!tpu.dma_semaphore, #tpu.memory_space<semaphore_mem>> -> memref<1x!tpu.dma_semaphore, #tpu.memory_space<semaphore_mem>>
    %dma_start3A_1057 = tpu.memref_squeeze %dma_start3A_1056 : memref<1x!tpu.dma_semaphore, #tpu.memory_space<semaphore_mem>> -> memref<!tpu.dma_semaphore, #tpu.memory_space<semaphore_mem>>
    %dma_start3A_1058 = arith.constant 0 : i32
    %dma_start3A_1059 = tpu.memref_slice %arg3[%add3A_1047, %dma_start3A_1058] : memref<65536x256xf32, #tpu.memory_space<hbm>> -> memref<128x256xf32, #tpu.memory_space<hbm>>
    %dma_start3A_1060 = arith.constant 0 : i32
    %dma_start3A_1061 = arith.constant 0 : i32
    %dma_start3A_1062 = tpu.memref_slice %arg4[%dma_start3A_1048, %dma_start3A_1060, %dma_start3A_1061] : memref<3x128x256xf32, #tpu.memory_space<vmem>> -> memref<1x128x256xf32, #tpu.memory_space<vmem>>
    %dma_start3A_1063 = tpu.memref_squeeze %dma_start3A_1062 : memref<1x128x256xf32, #tpu.memory_space<vmem>> -> memref<128x256xf32, #tpu.memory_space<vmem>>
    tpu.enqueue_dma source(%dma_start3A_1063 : memref<128x256xf32, #tpu.memory_space<vmem>>) target(%dma_start3A_1059 : memref<128x256xf32, #tpu.memory_space<hbm>>) target_semaphore(%dma_start3A_1057 : memref<!tpu.dma_semaphore, #tpu.memory_space<semaphore_mem>>)
    %add3A_1064 = arith.constant 1152 : i32
    %add3A_1065 = arith.addi %mul3A_2, %add3A_1064 : i32
    %dma_wait3A_1066 = arith.constant 0 : i32
    %dma_wait3A_1067 = arith.constant 0 : i32
    %dma_wait3A_1068 = arith.constant 0 : i32
    %dma_wait3A_1069 = arith.constant 0 : i32
    %dma_wait3A_1070 = tpu.memref_slice %arg4[%dma_wait3A_1066, %dma_wait3A_1068, %dma_wait3A_1069] : memref<3x128x256xf32, #tpu.memory_space<vmem>> -> memref<1x128x256xf32, #tpu.memory_space<vmem>>
    %dma_wait3A_1071 = tpu.memref_squeeze %dma_wait3A_1070 : memref<1x128x256xf32, #tpu.memory_space<vmem>> -> memref<128x256xf32, #tpu.memory_space<vmem>>
    %dma_wait3A_1072 = arith.constant 0 : i32
    %dma_wait3A_1073 = tpu.memref_slice %arg3[%add3A_1065, %dma_wait3A_1072] : memref<65536x256xf32, #tpu.memory_space<hbm>> -> memref<128x256xf32, #tpu.memory_space<hbm>>
    %dma_wait3A_1074 = tpu.memref_slice %arg6[%dma_wait3A_1067] : memref<3x!tpu.dma_semaphore, #tpu.memory_space<semaphore_mem>> -> memref<1x!tpu.dma_semaphore, #tpu.memory_space<semaphore_mem>>
    %dma_wait3A_1075 = tpu.memref_squeeze %dma_wait3A_1074 : memref<1x!tpu.dma_semaphore, #tpu.memory_space<semaphore_mem>> -> memref<!tpu.dma_semaphore, #tpu.memory_space<semaphore_mem>>
    %dma_wait3A_1076 = arith.constant 0 : i32
    %dma_wait3A_1077 = tpu.memref_slice %arg3[%add3A_1065, %dma_wait3A_1076] : memref<65536x256xf32, #tpu.memory_space<hbm>> -> memref<128x256xf32, #tpu.memory_space<hbm>>
    %dma_wait3A_1078 = arith.constant 0 : i32
    %dma_wait3A_1079 = arith.constant 0 : i32
    %dma_wait3A_1080 = tpu.memref_slice %arg4[%dma_wait3A_1066, %dma_wait3A_1078, %dma_wait3A_1079] : memref<3x128x256xf32, #tpu.memory_space<vmem>> -> memref<1x128x256xf32, #tpu.memory_space<vmem>>
    %dma_wait3A_1081 = tpu.memref_squeeze %dma_wait3A_1080 : memref<1x128x256xf32, #tpu.memory_space<vmem>> -> memref<128x256xf32, #tpu.memory_space<vmem>>
    tpu.wait_dma2 semaphore(%dma_wait3A_1075 : memref<!tpu.dma_semaphore, #tpu.memory_space<semaphore_mem>>) src(%dma_wait3A_1081 : memref<128x256xf32, #tpu.memory_space<vmem>>) dst(%dma_wait3A_1077 : memref<128x256xf32, #tpu.memory_space<hbm>>)
    %add3A_1082 = arith.constant 1536 : i32
    %add3A_1083 = arith.addi %mul3A_2, %add3A_1082 : i32
    %dma_start3A_1084 = arith.constant 0 : i32
    %dma_start3A_1085 = arith.constant 0 : i32
    %dma_start3A_1086 = arith.constant 0 : i32
    %dma_start3A_1087 = arith.constant 0 : i32
    %dma_start3A_1088 = tpu.memref_slice %arg4[%dma_start3A_1084, %dma_start3A_1086, %dma_start3A_1087] : memref<3x128x256xf32, #tpu.memory_space<vmem>> -> memref<1x128x256xf32, #tpu.memory_space<vmem>>
    %dma_start3A_1089 = tpu.memref_squeeze %dma_start3A_1088 : memref<1x128x256xf32, #tpu.memory_space<vmem>> -> memref<128x256xf32, #tpu.memory_space<vmem>>
    %dma_start3A_1090 = arith.constant 0 : i32
    %dma_start3A_1091 = tpu.memref_slice %arg2[%add3A_1083, %dma_start3A_1090] : memref<65536x256xf32, #tpu.memory_space<hbm>> -> memref<128x256xf32, #tpu.memory_space<hbm>>
    %dma_start3A_1092 = tpu.memref_slice %arg5[%dma_start3A_1085] : memref<3x!tpu.dma_semaphore, #tpu.memory_space<semaphore_mem>> -> memref<1x!tpu.dma_semaphore, #tpu.memory_space<semaphore_mem>>
    %dma_start3A_1093 = tpu.memref_squeeze %dma_start3A_1092 : memref<1x!tpu.dma_semaphore, #tpu.memory_space<semaphore_mem>> -> memref<!tpu.dma_semaphore, #tpu.memory_space<semaphore_mem>>
    %dma_start3A_1094 = arith.constant 0 : i32
    %dma_start3A_1095 = arith.constant 0 : i32
    %dma_start3A_1096 = tpu.memref_slice %arg4[%dma_start3A_1084, %dma_start3A_1094, %dma_start3A_1095] : memref<3x128x256xf32, #tpu.memory_space<vmem>> -> memref<1x128x256xf32, #tpu.memory_space<vmem>>
    %dma_start3A_1097 = tpu.memref_squeeze %dma_start3A_1096 : memref<1x128x256xf32, #tpu.memory_space<vmem>> -> memref<128x256xf32, #tpu.memory_space<vmem>>
    %dma_start3A_1098 = arith.constant 0 : i32
    %dma_start3A_1099 = tpu.memref_slice %arg2[%add3A_1083, %dma_start3A_1098] : memref<65536x256xf32, #tpu.memory_space<hbm>> -> memref<128x256xf32, #tpu.memory_space<hbm>>
    tpu.enqueue_dma source(%dma_start3A_1099 : memref<128x256xf32, #tpu.memory_space<hbm>>) target(%dma_start3A_1097 : memref<128x256xf32, #tpu.memory_space<vmem>>) target_semaphore(%dma_start3A_1093 : memref<!tpu.dma_semaphore, #tpu.memory_space<semaphore_mem>>)
    %add3A_1100 = arith.constant 1408 : i32
    %add3A_1101 = arith.addi %mul3A_2, %add3A_1100 : i32
    %dma_wait3A_1102 = arith.constant 2 : i32
    %dma_wait3A_1103 = arith.constant 2 : i32
    %dma_wait3A_1104 = arith.constant 0 : i32
    %dma_wait3A_1105 = arith.constant 0 : i32
    %dma_wait3A_1106 = tpu.memref_slice %arg4[%dma_wait3A_1102, %dma_wait3A_1104, %dma_wait3A_1105] : memref<3x128x256xf32, #tpu.memory_space<vmem>> -> memref<1x128x256xf32, #tpu.memory_space<vmem>>
    %dma_wait3A_1107 = tpu.memref_squeeze %dma_wait3A_1106 : memref<1x128x256xf32, #tpu.memory_space<vmem>> -> memref<128x256xf32, #tpu.memory_space<vmem>>
    %dma_wait3A_1108 = arith.constant 0 : i32
    %dma_wait3A_1109 = tpu.memref_slice %arg2[%add3A_1101, %dma_wait3A_1108] : memref<65536x256xf32, #tpu.memory_space<hbm>> -> memref<128x256xf32, #tpu.memory_space<hbm>>
    %dma_wait3A_1110 = tpu.memref_slice %arg5[%dma_wait3A_1103] : memref<3x!tpu.dma_semaphore, #tpu.memory_space<semaphore_mem>> -> memref<1x!tpu.dma_semaphore, #tpu.memory_space<semaphore_mem>>
    %dma_wait3A_1111 = tpu.memref_squeeze %dma_wait3A_1110 : memref<1x!tpu.dma_semaphore, #tpu.memory_space<semaphore_mem>> -> memref<!tpu.dma_semaphore, #tpu.memory_space<semaphore_mem>>
    %dma_wait3A_1112 = arith.constant 0 : i32
    %dma_wait3A_1113 = arith.constant 0 : i32
    %dma_wait3A_1114 = tpu.memref_slice %arg4[%dma_wait3A_1102, %dma_wait3A_1112, %dma_wait3A_1113] : memref<3x128x256xf32, #tpu.memory_space<vmem>> -> memref<1x128x256xf32, #tpu.memory_space<vmem>>
    %dma_wait3A_1115 = tpu.memref_squeeze %dma_wait3A_1114 : memref<1x128x256xf32, #tpu.memory_space<vmem>> -> memref<128x256xf32, #tpu.memory_space<vmem>>
    %dma_wait3A_1116 = arith.constant 0 : i32
    %dma_wait3A_1117 = tpu.memref_slice %arg2[%add3A_1101, %dma_wait3A_1116] : memref<65536x256xf32, #tpu.memory_space<hbm>> -> memref<128x256xf32, #tpu.memory_space<hbm>>
    tpu.wait_dma2 semaphore(%dma_wait3A_1111 : memref<!tpu.dma_semaphore, #tpu.memory_space<semaphore_mem>>) src(%dma_wait3A_1117 : memref<128x256xf32, #tpu.memory_space<hbm>>) dst(%dma_wait3A_1115 : memref<128x256xf32, #tpu.memory_space<vmem>>)
    %broadcast_in_dim3A_1118 = arith.constant 2 : i32
    %broadcast_in_dim3A_1119 = vector.broadcast %broadcast_in_dim3A_1118 : i32 to vector<16xi32>
    %add3A_1120 = arith.constant 0 : i32
    %add3A_1121 = vector.broadcast %add3A_1120 : i32 to vector<16xi32>
    %add3A_1122 = arith.addi %iota3A, %add3A_1121 : vector<16xi32>
    tpu.vector_store_idx %arg4[%broadcast_in_dim3A_1119, %add3A_1122, %broadcast_in_dim3A_3], %broadcast_in_dim3A_5 : memref<3x128x256xf32, #tpu.memory_space<vmem>>[vector<16xi32>, vector<16xi32>, vector<16xi32>], vector<16xf32>,
    %add3A_1123 = arith.constant 16 : i32
    %add3A_1124 = vector.broadcast %add3A_1123 : i32 to vector<16xi32>
    %add3A_1125 = arith.addi %iota3A, %add3A_1124 : vector<16xi32>
    tpu.vector_store_idx %arg4[%broadcast_in_dim3A_1119, %add3A_1125, %broadcast_in_dim3A_3], %broadcast_in_dim3A_5 : memref<3x128x256xf32, #tpu.memory_space<vmem>>[vector<16xi32>, vector<16xi32>, vector<16xi32>], vector<16xf32>,
    %add3A_1126 = arith.constant 32 : i32
    %add3A_1127 = vector.broadcast %add3A_1126 : i32 to vector<16xi32>
    %add3A_1128 = arith.addi %iota3A, %add3A_1127 : vector<16xi32>
    tpu.vector_store_idx %arg4[%broadcast_in_dim3A_1119, %add3A_1128, %broadcast_in_dim3A_3], %broadcast_in_dim3A_5 : memref<3x128x256xf32, #tpu.memory_space<vmem>>[vector<16xi32>, vector<16xi32>, vector<16xi32>], vector<16xf32>,
    %add3A_1129 = arith.constant 48 : i32
    %add3A_1130 = vector.broadcast %add3A_1129 : i32 to vector<16xi32>
    %add3A_1131 = arith.addi %iota3A, %add3A_1130 : vector<16xi32>
    tpu.vector_store_idx %arg4[%broadcast_in_dim3A_1119, %add3A_1131, %broadcast_in_dim3A_3], %broadcast_in_dim3A_5 : memref<3x128x256xf32, #tpu.memory_space<vmem>>[vector<16xi32>, vector<16xi32>, vector<16xi32>], vector<16xf32>,
    %add3A_1132 = arith.constant 64 : i32
    %add3A_1133 = vector.broadcast %add3A_1132 : i32 to vector<16xi32>
    %add3A_1134 = arith.addi %iota3A, %add3A_1133 : vector<16xi32>
    tpu.vector_store_idx %arg4[%broadcast_in_dim3A_1119, %add3A_1134, %broadcast_in_dim3A_3], %broadcast_in_dim3A_5 : memref<3x128x256xf32, #tpu.memory_space<vmem>>[vector<16xi32>, vector<16xi32>, vector<16xi32>], vector<16xf32>,
    %add3A_1135 = arith.constant 80 : i32
    %add3A_1136 = vector.broadcast %add3A_1135 : i32 to vector<16xi32>
    %add3A_1137 = arith.addi %iota3A, %add3A_1136 : vector<16xi32>
    tpu.vector_store_idx %arg4[%broadcast_in_dim3A_1119, %add3A_1137, %broadcast_in_dim3A_3], %broadcast_in_dim3A_5 : memref<3x128x256xf32, #tpu.memory_space<vmem>>[vector<16xi32>, vector<16xi32>, vector<16xi32>], vector<16xf32>,
    %add3A_1138 = arith.constant 96 : i32
    %add3A_1139 = vector.broadcast %add3A_1138 : i32 to vector<16xi32>
    %add3A_1140 = arith.addi %iota3A, %add3A_1139 : vector<16xi32>
    tpu.vector_store_idx %arg4[%broadcast_in_dim3A_1119, %add3A_1140, %broadcast_in_dim3A_3], %broadcast_in_dim3A_5 : memref<3x128x256xf32, #tpu.memory_space<vmem>>[vector<16xi32>, vector<16xi32>, vector<16xi32>], vector<16xf32>,
    %add3A_1141 = arith.constant 112 : i32
    %add3A_1142 = vector.broadcast %add3A_1141 : i32 to vector<16xi32>
    %add3A_1143 = arith.addi %iota3A, %add3A_1142 : vector<16xi32>
    tpu.vector_store_idx %arg4[%broadcast_in_dim3A_1119, %add3A_1143, %broadcast_in_dim3A_3], %broadcast_in_dim3A_5 : memref<3x128x256xf32, #tpu.memory_space<vmem>>[vector<16xi32>, vector<16xi32>, vector<16xi32>], vector<16xf32>,
    %add3A_1144 = arith.constant 1408 : i32
    %add3A_1145 = arith.addi %mul3A_2, %add3A_1144 : i32
    %dma_start3A_1146 = arith.constant 2 : i32
    %dma_start3A_1147 = arith.constant 2 : i32
    %dma_start3A_1148 = arith.constant 0 : i32
    %dma_start3A_1149 = arith.constant 0 : i32
    %dma_start3A_1150 = tpu.memref_slice %arg4[%dma_start3A_1146, %dma_start3A_1148, %dma_start3A_1149] : memref<3x128x256xf32, #tpu.memory_space<vmem>> -> memref<1x128x256xf32, #tpu.memory_space<vmem>>
    %dma_start3A_1151 = tpu.memref_squeeze %dma_start3A_1150 : memref<1x128x256xf32, #tpu.memory_space<vmem>> -> memref<128x256xf32, #tpu.memory_space<vmem>>
    %dma_start3A_1152 = arith.constant 0 : i32
    %dma_start3A_1153 = tpu.memref_slice %arg3[%add3A_1145, %dma_start3A_1152] : memref<65536x256xf32, #tpu.memory_space<hbm>> -> memref<128x256xf32, #tpu.memory_space<hbm>>
    %dma_start3A_1154 = tpu.memref_slice %arg6[%dma_start3A_1147] : memref<3x!tpu.dma_semaphore, #tpu.memory_space<semaphore_mem>> -> memref<1x!tpu.dma_semaphore, #tpu.memory_space<semaphore_mem>>
    %dma_start3A_1155 = tpu.memref_squeeze %dma_start3A_1154 : memref<1x!tpu.dma_semaphore, #tpu.memory_space<semaphore_mem>> -> memref<!tpu.dma_semaphore, #tpu.memory_space<semaphore_mem>>
    %dma_start3A_1156 = arith.constant 0 : i32
    %dma_start3A_1157 = tpu.memref_slice %arg3[%add3A_1145, %dma_start3A_1156] : memref<65536x256xf32, #tpu.memory_space<hbm>> -> memref<128x256xf32, #tpu.memory_space<hbm>>
    %dma_start3A_1158 = arith.constant 0 : i32
    %dma_start3A_1159 = arith.constant 0 : i32
    %dma_start3A_1160 = tpu.memref_slice %arg4[%dma_start3A_1146, %dma_start3A_1158, %dma_start3A_1159] : memref<3x128x256xf32, #tpu.memory_space<vmem>> -> memref<1x128x256xf32, #tpu.memory_space<vmem>>
    %dma_start3A_1161 = tpu.memref_squeeze %dma_start3A_1160 : memref<1x128x256xf32, #tpu.memory_space<vmem>> -> memref<128x256xf32, #tpu.memory_space<vmem>>
    tpu.enqueue_dma source(%dma_start3A_1161 : memref<128x256xf32, #tpu.memory_space<vmem>>) target(%dma_start3A_1157 : memref<128x256xf32, #tpu.memory_space<hbm>>) target_semaphore(%dma_start3A_1155 : memref<!tpu.dma_semaphore, #tpu.memory_space<semaphore_mem>>)
    %add3A_1162 = arith.constant 1280 : i32
    %add3A_1163 = arith.addi %mul3A_2, %add3A_1162 : i32
    %dma_wait3A_1164 = arith.constant 1 : i32
    %dma_wait3A_1165 = arith.constant 1 : i32
    %dma_wait3A_1166 = arith.constant 0 : i32
    %dma_wait3A_1167 = arith.constant 0 : i32
    %dma_wait3A_1168 = tpu.memref_slice %arg4[%dma_wait3A_1164, %dma_wait3A_1166, %dma_wait3A_1167] : memref<3x128x256xf32, #tpu.memory_space<vmem>> -> memref<1x128x256xf32, #tpu.memory_space<vmem>>
    %dma_wait3A_1169 = tpu.memref_squeeze %dma_wait3A_1168 : memref<1x128x256xf32, #tpu.memory_space<vmem>> -> memref<128x256xf32, #tpu.memory_space<vmem>>
    %dma_wait3A_1170 = arith.constant 0 : i32
    %dma_wait3A_1171 = tpu.memref_slice %arg3[%add3A_1163, %dma_wait3A_1170] : memref<65536x256xf32, #tpu.memory_space<hbm>> -> memref<128x256xf32, #tpu.memory_space<hbm>>
    %dma_wait3A_1172 = tpu.memref_slice %arg6[%dma_wait3A_1165] : memref<3x!tpu.dma_semaphore, #tpu.memory_space<semaphore_mem>> -> memref<1x!tpu.dma_semaphore, #tpu.memory_space<semaphore_mem>>
    %dma_wait3A_1173 = tpu.memref_squeeze %dma_wait3A_1172 : memref<1x!tpu.dma_semaphore, #tpu.memory_space<semaphore_mem>> -> memref<!tpu.dma_semaphore, #tpu.memory_space<semaphore_mem>>
    %dma_wait3A_1174 = arith.constant 0 : i32
    %dma_wait3A_1175 = tpu.memref_slice %arg3[%add3A_1163, %dma_wait3A_1174] : memref<65536x256xf32, #tpu.memory_space<hbm>> -> memref<128x256xf32, #tpu.memory_space<hbm>>
    %dma_wait3A_1176 = arith.constant 0 : i32
    %dma_wait3A_1177 = arith.constant 0 : i32
    %dma_wait3A_1178 = tpu.memref_slice %arg4[%dma_wait3A_1164, %dma_wait3A_1176, %dma_wait3A_1177] : memref<3x128x256xf32, #tpu.memory_space<vmem>> -> memref<1x128x256xf32, #tpu.memory_space<vmem>>
    %dma_wait3A_1179 = tpu.memref_squeeze %dma_wait3A_1178 : memref<1x128x256xf32, #tpu.memory_space<vmem>> -> memref<128x256xf32, #tpu.memory_space<vmem>>
    tpu.wait_dma2 semaphore(%dma_wait3A_1173 : memref<!tpu.dma_semaphore, #tpu.memory_space<semaphore_mem>>) src(%dma_wait3A_1179 : memref<128x256xf32, #tpu.memory_space<vmem>>) dst(%dma_wait3A_1175 : memref<128x256xf32, #tpu.memory_space<hbm>>)
    %add3A_1180 = arith.constant 1664 : i32
    %add3A_1181 = arith.addi %mul3A_2, %add3A_1180 : i32
    %dma_start3A_1182 = arith.constant 1 : i32
    %dma_start3A_1183 = arith.constant 1 : i32
    %dma_start3A_1184 = arith.constant 0 : i32
    %dma_start3A_1185 = arith.constant 0 : i32
    %dma_start3A_1186 = tpu.memref_slice %arg4[%dma_start3A_1182, %dma_start3A_1184, %dma_start3A_1185] : memref<3x128x256xf32, #tpu.memory_space<vmem>> -> memref<1x128x256xf32, #tpu.memory_space<vmem>>
    %dma_start3A_1187 = tpu.memref_squeeze %dma_start3A_1186 : memref<1x128x256xf32, #tpu.memory_space<vmem>> -> memref<128x256xf32, #tpu.memory_space<vmem>>
    %dma_start3A_1188 = arith.constant 0 : i32
    %dma_start3A_1189 = tpu.memref_slice %arg2[%add3A_1181, %dma_start3A_1188] : memref<65536x256xf32, #tpu.memory_space<hbm>> -> memref<128x256xf32, #tpu.memory_space<hbm>>
    %dma_start3A_1190 = tpu.memref_slice %arg5[%dma_start3A_1183] : memref<3x!tpu.dma_semaphore, #tpu.memory_space<semaphore_mem>> -> memref<1x!tpu.dma_semaphore, #tpu.memory_space<semaphore_mem>>
    %dma_start3A_1191 = tpu.memref_squeeze %dma_start3A_1190 : memref<1x!tpu.dma_semaphore, #tpu.memory_space<semaphore_mem>> -> memref<!tpu.dma_semaphore, #tpu.memory_space<semaphore_mem>>
    %dma_start3A_1192 = arith.constant 0 : i32
    %dma_start3A_1193 = arith.constant 0 : i32
    %dma_start3A_1194 = tpu.memref_slice %arg4[%dma_start3A_1182, %dma_start3A_1192, %dma_start3A_1193] : memref<3x128x256xf32, #tpu.memory_space<vmem>> -> memref<1x128x256xf32, #tpu.memory_space<vmem>>
    %dma_start3A_1195 = tpu.memref_squeeze %dma_start3A_1194 : memref<1x128x256xf32, #tpu.memory_space<vmem>> -> memref<128x256xf32, #tpu.memory_space<vmem>>
    %dma_start3A_1196 = arith.constant 0 : i32
    %dma_start3A_1197 = tpu.memref_slice %arg2[%add3A_1181, %dma_start3A_1196] : memref<65536x256xf32, #tpu.memory_space<hbm>> -> memref<128x256xf32, #tpu.memory_space<hbm>>
    tpu.enqueue_dma source(%dma_start3A_1197 : memref<128x256xf32, #tpu.memory_space<hbm>>) target(%dma_start3A_1195 : memref<128x256xf32, #tpu.memory_space<vmem>>) target_semaphore(%dma_start3A_1191 : memref<!tpu.dma_semaphore, #tpu.memory_space<semaphore_mem>>)
    %add3A_1198 = arith.constant 1536 : i32
    %add3A_1199 = arith.addi %mul3A_2, %add3A_1198 : i32
    %dma_wait3A_1200 = arith.constant 0 : i32
    %dma_wait3A_1201 = arith.constant 0 : i32
    %dma_wait3A_1202 = arith.constant 0 : i32
    %dma_wait3A_1203 = arith.constant 0 : i32
    %dma_wait3A_1204 = tpu.memref_slice %arg4[%dma_wait3A_1200, %dma_wait3A_1202, %dma_wait3A_1203] : memref<3x128x256xf32, #tpu.memory_space<vmem>> -> memref<1x128x256xf32, #tpu.memory_space<vmem>>
    %dma_wait3A_1205 = tpu.memref_squeeze %dma_wait3A_1204 : memref<1x128x256xf32, #tpu.memory_space<vmem>> -> memref<128x256xf32, #tpu.memory_space<vmem>>
    %dma_wait3A_1206 = arith.constant 0 : i32
    %dma_wait3A_1207 = tpu.memref_slice %arg2[%add3A_1199, %dma_wait3A_1206] : memref<65536x256xf32, #tpu.memory_space<hbm>> -> memref<128x256xf32, #tpu.memory_space<hbm>>
    %dma_wait3A_1208 = tpu.memref_slice %arg5[%dma_wait3A_1201] : memref<3x!tpu.dma_semaphore, #tpu.memory_space<semaphore_mem>> -> memref<1x!tpu.dma_semaphore, #tpu.memory_space<semaphore_mem>>
    %dma_wait3A_1209 = tpu.memref_squeeze %dma_wait3A_1208 : memref<1x!tpu.dma_semaphore, #tpu.memory_space<semaphore_mem>> -> memref<!tpu.dma_semaphore, #tpu.memory_space<semaphore_mem>>
    %dma_wait3A_1210 = arith.constant 0 : i32
    %dma_wait3A_1211 = arith.constant 0 : i32
    %dma_wait3A_1212 = tpu.memref_slice %arg4[%dma_wait3A_1200, %dma_wait3A_1210, %dma_wait3A_1211] : memref<3x128x256xf32, #tpu.memory_space<vmem>> -> memref<1x128x256xf32, #tpu.memory_space<vmem>>
    %dma_wait3A_1213 = tpu.memref_squeeze %dma_wait3A_1212 : memref<1x128x256xf32, #tpu.memory_space<vmem>> -> memref<128x256xf32, #tpu.memory_space<vmem>>
    %dma_wait3A_1214 = arith.constant 0 : i32
    %dma_wait3A_1215 = tpu.memref_slice %arg2[%add3A_1199, %dma_wait3A_1214] : memref<65536x256xf32, #tpu.memory_space<hbm>> -> memref<128x256xf32, #tpu.memory_space<hbm>>
    tpu.wait_dma2 semaphore(%dma_wait3A_1209 : memref<!tpu.dma_semaphore, #tpu.memory_space<semaphore_mem>>) src(%dma_wait3A_1215 : memref<128x256xf32, #tpu.memory_space<hbm>>) dst(%dma_wait3A_1213 : memref<128x256xf32, #tpu.memory_space<vmem>>)
    %broadcast_in_dim3A_1216 = arith.constant 0 : i32
    %broadcast_in_dim3A_1217 = vector.broadcast %broadcast_in_dim3A_1216 : i32 to vector<16xi32>
    %add3A_1218 = arith.constant 0 : i32
    %add3A_1219 = vector.broadcast %add3A_1218 : i32 to vector<16xi32>
    %add3A_1220 = arith.addi %iota3A, %add3A_1219 : vector<16xi32>
    tpu.vector_store_idx %arg4[%broadcast_in_dim3A_1217, %add3A_1220, %broadcast_in_dim3A_3], %broadcast_in_dim3A_5 : memref<3x128x256xf32, #tpu.memory_space<vmem>>[vector<16xi32>, vector<16xi32>, vector<16xi32>], vector<16xf32>,
    %add3A_1221 = arith.constant 16 : i32
    %add3A_1222 = vector.broadcast %add3A_1221 : i32 to vector<16xi32>
    %add3A_1223 = arith.addi %iota3A, %add3A_1222 : vector<16xi32>
    tpu.vector_store_idx %arg4[%broadcast_in_dim3A_1217, %add3A_1223, %broadcast_in_dim3A_3], %broadcast_in_dim3A_5 : memref<3x128x256xf32, #tpu.memory_space<vmem>>[vector<16xi32>, vector<16xi32>, vector<16xi32>], vector<16xf32>,
    %add3A_1224 = arith.constant 32 : i32
    %add3A_1225 = vector.broadcast %add3A_1224 : i32 to vector<16xi32>
    %add3A_1226 = arith.addi %iota3A, %add3A_1225 : vector<16xi32>
    tpu.vector_store_idx %arg4[%broadcast_in_dim3A_1217, %add3A_1226, %broadcast_in_dim3A_3], %broadcast_in_dim3A_5 : memref<3x128x256xf32, #tpu.memory_space<vmem>>[vector<16xi32>, vector<16xi32>, vector<16xi32>], vector<16xf32>,
    %add3A_1227 = arith.constant 48 : i32
    %add3A_1228 = vector.broadcast %add3A_1227 : i32 to vector<16xi32>
    %add3A_1229 = arith.addi %iota3A, %add3A_1228 : vector<16xi32>
    tpu.vector_store_idx %arg4[%broadcast_in_dim3A_1217, %add3A_1229, %broadcast_in_dim3A_3], %broadcast_in_dim3A_5 : memref<3x128x256xf32, #tpu.memory_space<vmem>>[vector<16xi32>, vector<16xi32>, vector<16xi32>], vector<16xf32>,
    %add3A_1230 = arith.constant 64 : i32
    %add3A_1231 = vector.broadcast %add3A_1230 : i32 to vector<16xi32>
    %add3A_1232 = arith.addi %iota3A, %add3A_1231 : vector<16xi32>
    tpu.vector_store_idx %arg4[%broadcast_in_dim3A_1217, %add3A_1232, %broadcast_in_dim3A_3], %broadcast_in_dim3A_5 : memref<3x128x256xf32, #tpu.memory_space<vmem>>[vector<16xi32>, vector<16xi32>, vector<16xi32>], vector<16xf32>,
    %add3A_1233 = arith.constant 80 : i32
    %add3A_1234 = vector.broadcast %add3A_1233 : i32 to vector<16xi32>
    %add3A_1235 = arith.addi %iota3A, %add3A_1234 : vector<16xi32>
    tpu.vector_store_idx %arg4[%broadcast_in_dim3A_1217, %add3A_1235, %broadcast_in_dim3A_3], %broadcast_in_dim3A_5 : memref<3x128x256xf32, #tpu.memory_space<vmem>>[vector<16xi32>, vector<16xi32>, vector<16xi32>], vector<16xf32>,
    %add3A_1236 = arith.constant 96 : i32
    %add3A_1237 = vector.broadcast %add3A_1236 : i32 to vector<16xi32>
    %add3A_1238 = arith.addi %iota3A, %add3A_1237 : vector<16xi32>
    tpu.vector_store_idx %arg4[%broadcast_in_dim3A_1217, %add3A_1238, %broadcast_in_dim3A_3], %broadcast_in_dim3A_5 : memref<3x128x256xf32, #tpu.memory_space<vmem>>[vector<16xi32>, vector<16xi32>, vector<16xi32>], vector<16xf32>,
    %add3A_1239 = arith.constant 112 : i32
    %add3A_1240 = vector.broadcast %add3A_1239 : i32 to vector<16xi32>
    %add3A_1241 = arith.addi %iota3A, %add3A_1240 : vector<16xi32>
    tpu.vector_store_idx %arg4[%broadcast_in_dim3A_1217, %add3A_1241, %broadcast_in_dim3A_3], %broadcast_in_dim3A_5 : memref<3x128x256xf32, #tpu.memory_space<vmem>>[vector<16xi32>, vector<16xi32>, vector<16xi32>], vector<16xf32>,
    %add3A_1242 = arith.constant 1536 : i32
    %add3A_1243 = arith.addi %mul3A_2, %add3A_1242 : i32
    %dma_start3A_1244 = arith.constant 0 : i32
    %dma_start3A_1245 = arith.constant 0 : i32
    %dma_start3A_1246 = arith.constant 0 : i32
    %dma_start3A_1247 = arith.constant 0 : i32
    %dma_start3A_1248 = tpu.memref_slice %arg4[%dma_start3A_1244, %dma_start3A_1246, %dma_start3A_1247] : memref<3x128x256xf32, #tpu.memory_space<vmem>> -> memref<1x128x256xf32, #tpu.memory_space<vmem>>
    %dma_start3A_1249 = tpu.memref_squeeze %dma_start3A_1248 : memref<1x128x256xf32, #tpu.memory_space<vmem>> -> memref<128x256xf32, #tpu.memory_space<vmem>>
    %dma_start3A_1250 = arith.constant 0 : i32
    %dma_start3A_1251 = tpu.memref_slice %arg3[%add3A_1243, %dma_start3A_1250] : memref<65536x256xf32, #tpu.memory_space<hbm>> -> memref<128x256xf32, #tpu.memory_space<hbm>>
    %dma_start3A_1252 = tpu.memref_slice %arg6[%dma_start3A_1245] : memref<3x!tpu.dma_semaphore, #tpu.memory_space<semaphore_mem>> -> memref<1x!tpu.dma_semaphore, #tpu.memory_space<semaphore_mem>>
    %dma_start3A_1253 = tpu.memref_squeeze %dma_start3A_1252 : memref<1x!tpu.dma_semaphore, #tpu.memory_space<semaphore_mem>> -> memref<!tpu.dma_semaphore, #tpu.memory_space<semaphore_mem>>
    %dma_start3A_1254 = arith.constant 0 : i32
    %dma_start3A_1255 = tpu.memref_slice %arg3[%add3A_1243, %dma_start3A_1254] : memref<65536x256xf32, #tpu.memory_space<hbm>> -> memref<128x256xf32, #tpu.memory_space<hbm>>
    %dma_start3A_1256 = arith.constant 0 : i32
    %dma_start3A_1257 = arith.constant 0 : i32
    %dma_start3A_1258 = tpu.memref_slice %arg4[%dma_start3A_1244, %dma_start3A_1256, %dma_start3A_1257] : memref<3x128x256xf32, #tpu.memory_space<vmem>> -> memref<1x128x256xf32, #tpu.memory_space<vmem>>
    %dma_start3A_1259 = tpu.memref_squeeze %dma_start3A_1258 : memref<1x128x256xf32, #tpu.memory_space<vmem>> -> memref<128x256xf32, #tpu.memory_space<vmem>>
    tpu.enqueue_dma source(%dma_start3A_1259 : memref<128x256xf32, #tpu.memory_space<vmem>>) target(%dma_start3A_1255 : memref<128x256xf32, #tpu.memory_space<hbm>>) target_semaphore(%dma_start3A_1253 : memref<!tpu.dma_semaphore, #tpu.memory_space<semaphore_mem>>)
    %add3A_1260 = arith.constant 1408 : i32
    %add3A_1261 = arith.addi %mul3A_2, %add3A_1260 : i32
    %dma_wait3A_1262 = arith.constant 2 : i32
    %dma_wait3A_1263 = arith.constant 2 : i32
    %dma_wait3A_1264 = arith.constant 0 : i32
    %dma_wait3A_1265 = arith.constant 0 : i32
    %dma_wait3A_1266 = tpu.memref_slice %arg4[%dma_wait3A_1262, %dma_wait3A_1264, %dma_wait3A_1265] : memref<3x128x256xf32, #tpu.memory_space<vmem>> -> memref<1x128x256xf32, #tpu.memory_space<vmem>>
    %dma_wait3A_1267 = tpu.memref_squeeze %dma_wait3A_1266 : memref<1x128x256xf32, #tpu.memory_space<vmem>> -> memref<128x256xf32, #tpu.memory_space<vmem>>
    %dma_wait3A_1268 = arith.constant 0 : i32
    %dma_wait3A_1269 = tpu.memref_slice %arg3[%add3A_1261, %dma_wait3A_1268] : memref<65536x256xf32, #tpu.memory_space<hbm>> -> memref<128x256xf32, #tpu.memory_space<hbm>>
    %dma_wait3A_1270 = tpu.memref_slice %arg6[%dma_wait3A_1263] : memref<3x!tpu.dma_semaphore, #tpu.memory_space<semaphore_mem>> -> memref<1x!tpu.dma_semaphore, #tpu.memory_space<semaphore_mem>>
    %dma_wait3A_1271 = tpu.memref_squeeze %dma_wait3A_1270 : memref<1x!tpu.dma_semaphore, #tpu.memory_space<semaphore_mem>> -> memref<!tpu.dma_semaphore, #tpu.memory_space<semaphore_mem>>
    %dma_wait3A_1272 = arith.constant 0 : i32
    %dma_wait3A_1273 = tpu.memref_slice %arg3[%add3A_1261, %dma_wait3A_1272] : memref<65536x256xf32, #tpu.memory_space<hbm>> -> memref<128x256xf32, #tpu.memory_space<hbm>>
    %dma_wait3A_1274 = arith.constant 0 : i32
    %dma_wait3A_1275 = arith.constant 0 : i32
    %dma_wait3A_1276 = tpu.memref_slice %arg4[%dma_wait3A_1262, %dma_wait3A_1274, %dma_wait3A_1275] : memref<3x128x256xf32, #tpu.memory_space<vmem>> -> memref<1x128x256xf32, #tpu.memory_space<vmem>>
    %dma_wait3A_1277 = tpu.memref_squeeze %dma_wait3A_1276 : memref<1x128x256xf32, #tpu.memory_space<vmem>> -> memref<128x256xf32, #tpu.memory_space<vmem>>
    tpu.wait_dma2 semaphore(%dma_wait3A_1271 : memref<!tpu.dma_semaphore, #tpu.memory_space<semaphore_mem>>) src(%dma_wait3A_1277 : memref<128x256xf32, #tpu.memory_space<vmem>>) dst(%dma_wait3A_1273 : memref<128x256xf32, #tpu.memory_space<hbm>>)
    %add3A_1278 = arith.constant 1792 : i32
    %add3A_1279 = arith.addi %mul3A_2, %add3A_1278 : i32
    %dma_start3A_1280 = arith.constant 2 : i32
    %dma_start3A_1281 = arith.constant 2 : i32
    %dma_start3A_1282 = arith.constant 0 : i32
    %dma_start3A_1283 = arith.constant 0 : i32
    %dma_start3A_1284 = tpu.memref_slice %arg4[%dma_start3A_1280, %dma_start3A_1282, %dma_start3A_1283] : memref<3x128x256xf32, #tpu.memory_space<vmem>> -> memref<1x128x256xf32, #tpu.memory_space<vmem>>
    %dma_start3A_1285 = tpu.memref_squeeze %dma_start3A_1284 : memref<1x128x256xf32, #tpu.memory_space<vmem>> -> memref<128x256xf32, #tpu.memory_space<vmem>>
    %dma_start3A_1286 = arith.constant 0 : i32
    %dma_start3A_1287 = tpu.memref_slice %arg2[%add3A_1279, %dma_start3A_1286] : memref<65536x256xf32, #tpu.memory_space<hbm>> -> memref<128x256xf32, #tpu.memory_space<hbm>>
    %dma_start3A_1288 = tpu.memref_slice %arg5[%dma_start3A_1281] : memref<3x!tpu.dma_semaphore, #tpu.memory_space<semaphore_mem>> -> memref<1x!tpu.dma_semaphore, #tpu.memory_space<semaphore_mem>>
    %dma_start3A_1289 = tpu.memref_squeeze %dma_start3A_1288 : memref<1x!tpu.dma_semaphore, #tpu.memory_space<semaphore_mem>> -> memref<!tpu.dma_semaphore, #tpu.memory_space<semaphore_mem>>
    %dma_start3A_1290 = arith.constant 0 : i32
    %dma_start3A_1291 = arith.constant 0 : i32
    %dma_start3A_1292 = tpu.memref_slice %arg4[%dma_start3A_1280, %dma_start3A_1290, %dma_start3A_1291] : memref<3x128x256xf32, #tpu.memory_space<vmem>> -> memref<1x128x256xf32, #tpu.memory_space<vmem>>
    %dma_start3A_1293 = tpu.memref_squeeze %dma_start3A_1292 : memref<1x128x256xf32, #tpu.memory_space<vmem>> -> memref<128x256xf32, #tpu.memory_space<vmem>>
    %dma_start3A_1294 = arith.constant 0 : i32
    %dma_start3A_1295 = tpu.memref_slice %arg2[%add3A_1279, %dma_start3A_1294] : memref<65536x256xf32, #tpu.memory_space<hbm>> -> memref<128x256xf32, #tpu.memory_space<hbm>>
    tpu.enqueue_dma source(%dma_start3A_1295 : memref<128x256xf32, #tpu.memory_space<hbm>>) target(%dma_start3A_1293 : memref<128x256xf32, #tpu.memory_space<vmem>>) target_semaphore(%dma_start3A_1289 : memref<!tpu.dma_semaphore, #tpu.memory_space<semaphore_mem>>)
    %add3A_1296 = arith.constant 1664 : i32
    %add3A_1297 = arith.addi %mul3A_2, %add3A_1296 : i32
    %dma_wait3A_1298 = arith.constant 1 : i32
    %dma_wait3A_1299 = arith.constant 1 : i32
    %dma_wait3A_1300 = arith.constant 0 : i32
    %dma_wait3A_1301 = arith.constant 0 : i32
    %dma_wait3A_1302 = tpu.memref_slice %arg4[%dma_wait3A_1298, %dma_wait3A_1300, %dma_wait3A_1301] : memref<3x128x256xf32, #tpu.memory_space<vmem>> -> memref<1x128x256xf32, #tpu.memory_space<vmem>>
    %dma_wait3A_1303 = tpu.memref_squeeze %dma_wait3A_1302 : memref<1x128x256xf32, #tpu.memory_space<vmem>> -> memref<128x256xf32, #tpu.memory_space<vmem>>
    %dma_wait3A_1304 = arith.constant 0 : i32
    %dma_wait3A_1305 = tpu.memref_slice %arg2[%add3A_1297, %dma_wait3A_1304] : memref<65536x256xf32, #tpu.memory_space<hbm>> -> memref<128x256xf32, #tpu.memory_space<hbm>>
    %dma_wait3A_1306 = tpu.memref_slice %arg5[%dma_wait3A_1299] : memref<3x!tpu.dma_semaphore, #tpu.memory_space<semaphore_mem>> -> memref<1x!tpu.dma_semaphore, #tpu.memory_space<semaphore_mem>>
    %dma_wait3A_1307 = tpu.memref_squeeze %dma_wait3A_1306 : memref<1x!tpu.dma_semaphore, #tpu.memory_space<semaphore_mem>> -> memref<!tpu.dma_semaphore, #tpu.memory_space<semaphore_mem>>
    %dma_wait3A_1308 = arith.constant 0 : i32
    %dma_wait3A_1309 = arith.constant 0 : i32
    %dma_wait3A_1310 = tpu.memref_slice %arg4[%dma_wait3A_1298, %dma_wait3A_1308, %dma_wait3A_1309] : memref<3x128x256xf32, #tpu.memory_space<vmem>> -> memref<1x128x256xf32, #tpu.memory_space<vmem>>
    %dma_wait3A_1311 = tpu.memref_squeeze %dma_wait3A_1310 : memref<1x128x256xf32, #tpu.memory_space<vmem>> -> memref<128x256xf32, #tpu.memory_space<vmem>>
    %dma_wait3A_1312 = arith.constant 0 : i32
    %dma_wait3A_1313 = tpu.memref_slice %arg2[%add3A_1297, %dma_wait3A_1312] : memref<65536x256xf32, #tpu.memory_space<hbm>> -> memref<128x256xf32, #tpu.memory_space<hbm>>
    tpu.wait_dma2 semaphore(%dma_wait3A_1307 : memref<!tpu.dma_semaphore, #tpu.memory_space<semaphore_mem>>) src(%dma_wait3A_1313 : memref<128x256xf32, #tpu.memory_space<hbm>>) dst(%dma_wait3A_1311 : memref<128x256xf32, #tpu.memory_space<vmem>>)
    %broadcast_in_dim3A_1314 = arith.constant 1 : i32
    %broadcast_in_dim3A_1315 = vector.broadcast %broadcast_in_dim3A_1314 : i32 to vector<16xi32>
    %add3A_1316 = arith.constant 0 : i32
    %add3A_1317 = vector.broadcast %add3A_1316 : i32 to vector<16xi32>
    %add3A_1318 = arith.addi %iota3A, %add3A_1317 : vector<16xi32>
    tpu.vector_store_idx %arg4[%broadcast_in_dim3A_1315, %add3A_1318, %broadcast_in_dim3A_3], %broadcast_in_dim3A_5 : memref<3x128x256xf32, #tpu.memory_space<vmem>>[vector<16xi32>, vector<16xi32>, vector<16xi32>], vector<16xf32>,
    %add3A_1319 = arith.constant 16 : i32
    %add3A_1320 = vector.broadcast %add3A_1319 : i32 to vector<16xi32>
    %add3A_1321 = arith.addi %iota3A, %add3A_1320 : vector<16xi32>
    tpu.vector_store_idx %arg4[%broadcast_in_dim3A_1315, %add3A_1321, %broadcast_in_dim3A_3], %broadcast_in_dim3A_5 : memref<3x128x256xf32, #tpu.memory_space<vmem>>[vector<16xi32>, vector<16xi32>, vector<16xi32>], vector<16xf32>,
    %add3A_1322 = arith.constant 32 : i32
    %add3A_1323 = vector.broadcast %add3A_1322 : i32 to vector<16xi32>
    %add3A_1324 = arith.addi %iota3A, %add3A_1323 : vector<16xi32>
    tpu.vector_store_idx %arg4[%broadcast_in_dim3A_1315, %add3A_1324, %broadcast_in_dim3A_3], %broadcast_in_dim3A_5 : memref<3x128x256xf32, #tpu.memory_space<vmem>>[vector<16xi32>, vector<16xi32>, vector<16xi32>], vector<16xf32>,
    %add3A_1325 = arith.constant 48 : i32
    %add3A_1326 = vector.broadcast %add3A_1325 : i32 to vector<16xi32>
    %add3A_1327 = arith.addi %iota3A, %add3A_1326 : vector<16xi32>
    tpu.vector_store_idx %arg4[%broadcast_in_dim3A_1315, %add3A_1327, %broadcast_in_dim3A_3], %broadcast_in_dim3A_5 : memref<3x128x256xf32, #tpu.memory_space<vmem>>[vector<16xi32>, vector<16xi32>, vector<16xi32>], vector<16xf32>,
    %add3A_1328 = arith.constant 64 : i32
    %add3A_1329 = vector.broadcast %add3A_1328 : i32 to vector<16xi32>
    %add3A_1330 = arith.addi %iota3A, %add3A_1329 : vector<16xi32>
    tpu.vector_store_idx %arg4[%broadcast_in_dim3A_1315, %add3A_1330, %broadcast_in_dim3A_3], %broadcast_in_dim3A_5 : memref<3x128x256xf32, #tpu.memory_space<vmem>>[vector<16xi32>, vector<16xi32>, vector<16xi32>], vector<16xf32>,
    %add3A_1331 = arith.constant 80 : i32
    %add3A_1332 = vector.broadcast %add3A_1331 : i32 to vector<16xi32>
    %add3A_1333 = arith.addi %iota3A, %add3A_1332 : vector<16xi32>
    tpu.vector_store_idx %arg4[%broadcast_in_dim3A_1315, %add3A_1333, %broadcast_in_dim3A_3], %broadcast_in_dim3A_5 : memref<3x128x256xf32, #tpu.memory_space<vmem>>[vector<16xi32>, vector<16xi32>, vector<16xi32>], vector<16xf32>,
    %add3A_1334 = arith.constant 96 : i32
    %add3A_1335 = vector.broadcast %add3A_1334 : i32 to vector<16xi32>
    %add3A_1336 = arith.addi %iota3A, %add3A_1335 : vector<16xi32>
    tpu.vector_store_idx %arg4[%broadcast_in_dim3A_1315, %add3A_1336, %broadcast_in_dim3A_3], %broadcast_in_dim3A_5 : memref<3x128x256xf32, #tpu.memory_space<vmem>>[vector<16xi32>, vector<16xi32>, vector<16xi32>], vector<16xf32>,
    %add3A_1337 = arith.constant 112 : i32
    %add3A_1338 = vector.broadcast %add3A_1337 : i32 to vector<16xi32>
    %add3A_1339 = arith.addi %iota3A, %add3A_1338 : vector<16xi32>
    tpu.vector_store_idx %arg4[%broadcast_in_dim3A_1315, %add3A_1339, %broadcast_in_dim3A_3], %broadcast_in_dim3A_5 : memref<3x128x256xf32, #tpu.memory_space<vmem>>[vector<16xi32>, vector<16xi32>, vector<16xi32>], vector<16xf32>,
    %add3A_1340 = arith.constant 1664 : i32
    %add3A_1341 = arith.addi %mul3A_2, %add3A_1340 : i32
    %dma_start3A_1342 = arith.constant 1 : i32
    %dma_start3A_1343 = arith.constant 1 : i32
    %dma_start3A_1344 = arith.constant 0 : i32
    %dma_start3A_1345 = arith.constant 0 : i32
    %dma_start3A_1346 = tpu.memref_slice %arg4[%dma_start3A_1342, %dma_start3A_1344, %dma_start3A_1345] : memref<3x128x256xf32, #tpu.memory_space<vmem>> -> memref<1x128x256xf32, #tpu.memory_space<vmem>>
    %dma_start3A_1347 = tpu.memref_squeeze %dma_start3A_1346 : memref<1x128x256xf32, #tpu.memory_space<vmem>> -> memref<128x256xf32, #tpu.memory_space<vmem>>
    %dma_start3A_1348 = arith.constant 0 : i32
    %dma_start3A_1349 = tpu.memref_slice %arg3[%add3A_1341, %dma_start3A_1348] : memref<65536x256xf32, #tpu.memory_space<hbm>> -> memref<128x256xf32, #tpu.memory_space<hbm>>
    %dma_start3A_1350 = tpu.memref_slice %arg6[%dma_start3A_1343] : memref<3x!tpu.dma_semaphore, #tpu.memory_space<semaphore_mem>> -> memref<1x!tpu.dma_semaphore, #tpu.memory_space<semaphore_mem>>
    %dma_start3A_1351 = tpu.memref_squeeze %dma_start3A_1350 : memref<1x!tpu.dma_semaphore, #tpu.memory_space<semaphore_mem>> -> memref<!tpu.dma_semaphore, #tpu.memory_space<semaphore_mem>>
    %dma_start3A_1352 = arith.constant 0 : i32
    %dma_start3A_1353 = tpu.memref_slice %arg3[%add3A_1341, %dma_start3A_1352] : memref<65536x256xf32, #tpu.memory_space<hbm>> -> memref<128x256xf32, #tpu.memory_space<hbm>>
    %dma_start3A_1354 = arith.constant 0 : i32
    %dma_start3A_1355 = arith.constant 0 : i32
    %dma_start3A_1356 = tpu.memref_slice %arg4[%dma_start3A_1342, %dma_start3A_1354, %dma_start3A_1355] : memref<3x128x256xf32, #tpu.memory_space<vmem>> -> memref<1x128x256xf32, #tpu.memory_space<vmem>>
    %dma_start3A_1357 = tpu.memref_squeeze %dma_start3A_1356 : memref<1x128x256xf32, #tpu.memory_space<vmem>> -> memref<128x256xf32, #tpu.memory_space<vmem>>
    tpu.enqueue_dma source(%dma_start3A_1357 : memref<128x256xf32, #tpu.memory_space<vmem>>) target(%dma_start3A_1353 : memref<128x256xf32, #tpu.memory_space<hbm>>) target_semaphore(%dma_start3A_1351 : memref<!tpu.dma_semaphore, #tpu.memory_space<semaphore_mem>>)
    %add3A_1358 = arith.constant 1536 : i32
    %add3A_1359 = arith.addi %mul3A_2, %add3A_1358 : i32
    %dma_wait3A_1360 = arith.constant 0 : i32
    %dma_wait3A_1361 = arith.constant 0 : i32
    %dma_wait3A_1362 = arith.constant 0 : i32
    %dma_wait3A_1363 = arith.constant 0 : i32
    %dma_wait3A_1364 = tpu.memref_slice %arg4[%dma_wait3A_1360, %dma_wait3A_1362, %dma_wait3A_1363] : memref<3x128x256xf32, #tpu.memory_space<vmem>> -> memref<1x128x256xf32, #tpu.memory_space<vmem>>
    %dma_wait3A_1365 = tpu.memref_squeeze %dma_wait3A_1364 : memref<1x128x256xf32, #tpu.memory_space<vmem>> -> memref<128x256xf32, #tpu.memory_space<vmem>>
    %dma_wait3A_1366 = arith.constant 0 : i32
    %dma_wait3A_1367 = tpu.memref_slice %arg3[%add3A_1359, %dma_wait3A_1366] : memref<65536x256xf32, #tpu.memory_space<hbm>> -> memref<128x256xf32, #tpu.memory_space<hbm>>
    %dma_wait3A_1368 = tpu.memref_slice %arg6[%dma_wait3A_1361] : memref<3x!tpu.dma_semaphore, #tpu.memory_space<semaphore_mem>> -> memref<1x!tpu.dma_semaphore, #tpu.memory_space<semaphore_mem>>
    %dma_wait3A_1369 = tpu.memref_squeeze %dma_wait3A_1368 : memref<1x!tpu.dma_semaphore, #tpu.memory_space<semaphore_mem>> -> memref<!tpu.dma_semaphore, #tpu.memory_space<semaphore_mem>>
    %dma_wait3A_1370 = arith.constant 0 : i32
    %dma_wait3A_1371 = tpu.memref_slice %arg3[%add3A_1359, %dma_wait3A_1370] : memref<65536x256xf32, #tpu.memory_space<hbm>> -> memref<128x256xf32, #tpu.memory_space<hbm>>
    %dma_wait3A_1372 = arith.constant 0 : i32
    %dma_wait3A_1373 = arith.constant 0 : i32
    %dma_wait3A_1374 = tpu.memref_slice %arg4[%dma_wait3A_1360, %dma_wait3A_1372, %dma_wait3A_1373] : memref<3x128x256xf32, #tpu.memory_space<vmem>> -> memref<1x128x256xf32, #tpu.memory_space<vmem>>
    %dma_wait3A_1375 = tpu.memref_squeeze %dma_wait3A_1374 : memref<1x128x256xf32, #tpu.memory_space<vmem>> -> memref<128x256xf32, #tpu.memory_space<vmem>>
    tpu.wait_dma2 semaphore(%dma_wait3A_1369 : memref<!tpu.dma_semaphore, #tpu.memory_space<semaphore_mem>>) src(%dma_wait3A_1375 : memref<128x256xf32, #tpu.memory_space<vmem>>) dst(%dma_wait3A_1371 : memref<128x256xf32, #tpu.memory_space<hbm>>)
    %add3A_1376 = arith.constant 1920 : i32
    %add3A_1377 = arith.addi %mul3A_2, %add3A_1376 : i32
    %dma_start3A_1378 = arith.constant 0 : i32
    %dma_start3A_1379 = arith.constant 0 : i32
    %dma_start3A_1380 = arith.constant 0 : i32
    %dma_start3A_1381 = arith.constant 0 : i32
    %dma_start3A_1382 = tpu.memref_slice %arg4[%dma_start3A_1378, %dma_start3A_1380, %dma_start3A_1381] : memref<3x128x256xf32, #tpu.memory_space<vmem>> -> memref<1x128x256xf32, #tpu.memory_space<vmem>>
    %dma_start3A_1383 = tpu.memref_squeeze %dma_start3A_1382 : memref<1x128x256xf32, #tpu.memory_space<vmem>> -> memref<128x256xf32, #tpu.memory_space<vmem>>
    %dma_start3A_1384 = arith.constant 0 : i32
    %dma_start3A_1385 = tpu.memref_slice %arg2[%add3A_1377, %dma_start3A_1384] : memref<65536x256xf32, #tpu.memory_space<hbm>> -> memref<128x256xf32, #tpu.memory_space<hbm>>
    %dma_start3A_1386 = tpu.memref_slice %arg5[%dma_start3A_1379] : memref<3x!tpu.dma_semaphore, #tpu.memory_space<semaphore_mem>> -> memref<1x!tpu.dma_semaphore, #tpu.memory_space<semaphore_mem>>
    %dma_start3A_1387 = tpu.memref_squeeze %dma_start3A_1386 : memref<1x!tpu.dma_semaphore, #tpu.memory_space<semaphore_mem>> -> memref<!tpu.dma_semaphore, #tpu.memory_space<semaphore_mem>>
    %dma_start3A_1388 = arith.constant 0 : i32
    %dma_start3A_1389 = arith.constant 0 : i32
    %dma_start3A_1390 = tpu.memref_slice %arg4[%dma_start3A_1378, %dma_start3A_1388, %dma_start3A_1389] : memref<3x128x256xf32, #tpu.memory_space<vmem>> -> memref<1x128x256xf32, #tpu.memory_space<vmem>>
    %dma_start3A_1391 = tpu.memref_squeeze %dma_start3A_1390 : memref<1x128x256xf32, #tpu.memory_space<vmem>> -> memref<128x256xf32, #tpu.memory_space<vmem>>
    %dma_start3A_1392 = arith.constant 0 : i32
    %dma_start3A_1393 = tpu.memref_slice %arg2[%add3A_1377, %dma_start3A_1392] : memref<65536x256xf32, #tpu.memory_space<hbm>> -> memref<128x256xf32, #tpu.memory_space<hbm>>
    tpu.enqueue_dma source(%dma_start3A_1393 : memref<128x256xf32, #tpu.memory_space<hbm>>) target(%dma_start3A_1391 : memref<128x256xf32, #tpu.memory_space<vmem>>) target_semaphore(%dma_start3A_1387 : memref<!tpu.dma_semaphore, #tpu.memory_space<semaphore_mem>>)
    %add3A_1394 = arith.constant 1792 : i32
    %add3A_1395 = arith.addi %mul3A_2, %add3A_1394 : i32
    %dma_wait3A_1396 = arith.constant 2 : i32
    %dma_wait3A_1397 = arith.constant 2 : i32
    %dma_wait3A_1398 = arith.constant 0 : i32
    %dma_wait3A_1399 = arith.constant 0 : i32
    %dma_wait3A_1400 = tpu.memref_slice %arg4[%dma_wait3A_1396, %dma_wait3A_1398, %dma_wait3A_1399] : memref<3x128x256xf32, #tpu.memory_space<vmem>> -> memref<1x128x256xf32, #tpu.memory_space<vmem>>
    %dma_wait3A_1401 = tpu.memref_squeeze %dma_wait3A_1400 : memref<1x128x256xf32, #tpu.memory_space<vmem>> -> memref<128x256xf32, #tpu.memory_space<vmem>>
    %dma_wait3A_1402 = arith.constant 0 : i32
    %dma_wait3A_1403 = tpu.memref_slice %arg2[%add3A_1395, %dma_wait3A_1402] : memref<65536x256xf32, #tpu.memory_space<hbm>> -> memref<128x256xf32, #tpu.memory_space<hbm>>
    %dma_wait3A_1404 = tpu.memref_slice %arg5[%dma_wait3A_1397] : memref<3x!tpu.dma_semaphore, #tpu.memory_space<semaphore_mem>> -> memref<1x!tpu.dma_semaphore, #tpu.memory_space<semaphore_mem>>
    %dma_wait3A_1405 = tpu.memref_squeeze %dma_wait3A_1404 : memref<1x!tpu.dma_semaphore, #tpu.memory_space<semaphore_mem>> -> memref<!tpu.dma_semaphore, #tpu.memory_space<semaphore_mem>>
    %dma_wait3A_1406 = arith.constant 0 : i32
    %dma_wait3A_1407 = arith.constant 0 : i32
    %dma_wait3A_1408 = tpu.memref_slice %arg4[%dma_wait3A_1396, %dma_wait3A_1406, %dma_wait3A_1407] : memref<3x128x256xf32, #tpu.memory_space<vmem>> -> memref<1x128x256xf32, #tpu.memory_space<vmem>>
    %dma_wait3A_1409 = tpu.memref_squeeze %dma_wait3A_1408 : memref<1x128x256xf32, #tpu.memory_space<vmem>> -> memref<128x256xf32, #tpu.memory_space<vmem>>
    %dma_wait3A_1410 = arith.constant 0 : i32
    %dma_wait3A_1411 = tpu.memref_slice %arg2[%add3A_1395, %dma_wait3A_1410] : memref<65536x256xf32, #tpu.memory_space<hbm>> -> memref<128x256xf32, #tpu.memory_space<hbm>>
    tpu.wait_dma2 semaphore(%dma_wait3A_1405 : memref<!tpu.dma_semaphore, #tpu.memory_space<semaphore_mem>>) src(%dma_wait3A_1411 : memref<128x256xf32, #tpu.memory_space<hbm>>) dst(%dma_wait3A_1409 : memref<128x256xf32, #tpu.memory_space<vmem>>)
    %broadcast_in_dim3A_1412 = arith.constant 2 : i32
    %broadcast_in_dim3A_1413 = vector.broadcast %broadcast_in_dim3A_1412 : i32 to vector<16xi32>
    %add3A_1414 = arith.constant 0 : i32
    %add3A_1415 = vector.broadcast %add3A_1414 : i32 to vector<16xi32>
    %add3A_1416 = arith.addi %iota3A, %add3A_1415 : vector<16xi32>
    tpu.vector_store_idx %arg4[%broadcast_in_dim3A_1413, %add3A_1416, %broadcast_in_dim3A_3], %broadcast_in_dim3A_5 : memref<3x128x256xf32, #tpu.memory_space<vmem>>[vector<16xi32>, vector<16xi32>, vector<16xi32>], vector<16xf32>,
    %add3A_1417 = arith.constant 16 : i32
    %add3A_1418 = vector.broadcast %add3A_1417 : i32 to vector<16xi32>
    %add3A_1419 = arith.addi %iota3A, %add3A_1418 : vector<16xi32>
    tpu.vector_store_idx %arg4[%broadcast_in_dim3A_1413, %add3A_1419, %broadcast_in_dim3A_3], %broadcast_in_dim3A_5 : memref<3x128x256xf32, #tpu.memory_space<vmem>>[vector<16xi32>, vector<16xi32>, vector<16xi32>], vector<16xf32>,
    %add3A_1420 = arith.constant 32 : i32
    %add3A_1421 = vector.broadcast %add3A_1420 : i32 to vector<16xi32>
    %add3A_1422 = arith.addi %iota3A, %add3A_1421 : vector<16xi32>
    tpu.vector_store_idx %arg4[%broadcast_in_dim3A_1413, %add3A_1422, %broadcast_in_dim3A_3], %broadcast_in_dim3A_5 : memref<3x128x256xf32, #tpu.memory_space<vmem>>[vector<16xi32>, vector<16xi32>, vector<16xi32>], vector<16xf32>,
    %add3A_1423 = arith.constant 48 : i32
    %add3A_1424 = vector.broadcast %add3A_1423 : i32 to vector<16xi32>
    %add3A_1425 = arith.addi %iota3A, %add3A_1424 : vector<16xi32>
    tpu.vector_store_idx %arg4[%broadcast_in_dim3A_1413, %add3A_1425, %broadcast_in_dim3A_3], %broadcast_in_dim3A_5 : memref<3x128x256xf32, #tpu.memory_space<vmem>>[vector<16xi32>, vector<16xi32>, vector<16xi32>], vector<16xf32>,
    %add3A_1426 = arith.constant 64 : i32
    %add3A_1427 = vector.broadcast %add3A_1426 : i32 to vector<16xi32>
    %add3A_1428 = arith.addi %iota3A, %add3A_1427 : vector<16xi32>
    tpu.vector_store_idx %arg4[%broadcast_in_dim3A_1413, %add3A_1428, %broadcast_in_dim3A_3], %broadcast_in_dim3A_5 : memref<3x128x256xf32, #tpu.memory_space<vmem>>[vector<16xi32>, vector<16xi32>, vector<16xi32>], vector<16xf32>,
    %add3A_1429 = arith.constant 80 : i32
    %add3A_1430 = vector.broadcast %add3A_1429 : i32 to vector<16xi32>
    %add3A_1431 = arith.addi %iota3A, %add3A_1430 : vector<16xi32>
    tpu.vector_store_idx %arg4[%broadcast_in_dim3A_1413, %add3A_1431, %broadcast_in_dim3A_3], %broadcast_in_dim3A_5 : memref<3x128x256xf32, #tpu.memory_space<vmem>>[vector<16xi32>, vector<16xi32>, vector<16xi32>], vector<16xf32>,
    %add3A_1432 = arith.constant 96 : i32
    %add3A_1433 = vector.broadcast %add3A_1432 : i32 to vector<16xi32>
    %add3A_1434 = arith.addi %iota3A, %add3A_1433 : vector<16xi32>
    tpu.vector_store_idx %arg4[%broadcast_in_dim3A_1413, %add3A_1434, %broadcast_in_dim3A_3], %broadcast_in_dim3A_5 : memref<3x128x256xf32, #tpu.memory_space<vmem>>[vector<16xi32>, vector<16xi32>, vector<16xi32>], vector<16xf32>,
    %add3A_1435 = arith.constant 112 : i32
    %add3A_1436 = vector.broadcast %add3A_1435 : i32 to vector<16xi32>
    %add3A_1437 = arith.addi %iota3A, %add3A_1436 : vector<16xi32>
    tpu.vector_store_idx %arg4[%broadcast_in_dim3A_1413, %add3A_1437, %broadcast_in_dim3A_3], %broadcast_in_dim3A_5 : memref<3x128x256xf32, #tpu.memory_space<vmem>>[vector<16xi32>, vector<16xi32>, vector<16xi32>], vector<16xf32>,
    %add3A_1438 = arith.constant 1792 : i32
    %add3A_1439 = arith.addi %mul3A_2, %add3A_1438 : i32
    %dma_start3A_1440 = arith.constant 2 : i32
    %dma_start3A_1441 = arith.constant 2 : i32
    %dma_start3A_1442 = arith.constant 0 : i32
    %dma_start3A_1443 = arith.constant 0 : i32
    %dma_start3A_1444 = tpu.memref_slice %arg4[%dma_start3A_1440, %dma_start3A_1442, %dma_start3A_1443] : memref<3x128x256xf32, #tpu.memory_space<vmem>> -> memref<1x128x256xf32, #tpu.memory_space<vmem>>
    %dma_start3A_1445 = tpu.memref_squeeze %dma_start3A_1444 : memref<1x128x256xf32, #tpu.memory_space<vmem>> -> memref<128x256xf32, #tpu.memory_space<vmem>>
    %dma_start3A_1446 = arith.constant 0 : i32
    %dma_start3A_1447 = tpu.memref_slice %arg3[%add3A_1439, %dma_start3A_1446] : memref<65536x256xf32, #tpu.memory_space<hbm>> -> memref<128x256xf32, #tpu.memory_space<hbm>>
    %dma_start3A_1448 = tpu.memref_slice %arg6[%dma_start3A_1441] : memref<3x!tpu.dma_semaphore, #tpu.memory_space<semaphore_mem>> -> memref<1x!tpu.dma_semaphore, #tpu.memory_space<semaphore_mem>>
    %dma_start3A_1449 = tpu.memref_squeeze %dma_start3A_1448 : memref<1x!tpu.dma_semaphore, #tpu.memory_space<semaphore_mem>> -> memref<!tpu.dma_semaphore, #tpu.memory_space<semaphore_mem>>
    %dma_start3A_1450 = arith.constant 0 : i32
    %dma_start3A_1451 = tpu.memref_slice %arg3[%add3A_1439, %dma_start3A_1450] : memref<65536x256xf32, #tpu.memory_space<hbm>> -> memref<128x256xf32, #tpu.memory_space<hbm>>
    %dma_start3A_1452 = arith.constant 0 : i32
    %dma_start3A_1453 = arith.constant 0 : i32
    %dma_start3A_1454 = tpu.memref_slice %arg4[%dma_start3A_1440, %dma_start3A_1452, %dma_start3A_1453] : memref<3x128x256xf32, #tpu.memory_space<vmem>> -> memref<1x128x256xf32, #tpu.memory_space<vmem>>
    %dma_start3A_1455 = tpu.memref_squeeze %dma_start3A_1454 : memref<1x128x256xf32, #tpu.memory_space<vmem>> -> memref<128x256xf32, #tpu.memory_space<vmem>>
    tpu.enqueue_dma source(%dma_start3A_1455 : memref<128x256xf32, #tpu.memory_space<vmem>>) target(%dma_start3A_1451 : memref<128x256xf32, #tpu.memory_space<hbm>>) target_semaphore(%dma_start3A_1449 : memref<!tpu.dma_semaphore, #tpu.memory_space<semaphore_mem>>)
    %add3A_1456 = arith.constant 1920 : i32
    %add3A_1457 = arith.addi %mul3A_2, %add3A_1456 : i32
    %dma_wait3A_1458 = arith.constant 0 : i32
    %dma_wait3A_1459 = arith.constant 0 : i32
    %dma_wait3A_1460 = arith.constant 0 : i32
    %dma_wait3A_1461 = arith.constant 0 : i32
    %dma_wait3A_1462 = tpu.memref_slice %arg4[%dma_wait3A_1458, %dma_wait3A_1460, %dma_wait3A_1461] : memref<3x128x256xf32, #tpu.memory_space<vmem>> -> memref<1x128x256xf32, #tpu.memory_space<vmem>>
    %dma_wait3A_1463 = tpu.memref_squeeze %dma_wait3A_1462 : memref<1x128x256xf32, #tpu.memory_space<vmem>> -> memref<128x256xf32, #tpu.memory_space<vmem>>
    %dma_wait3A_1464 = arith.constant 0 : i32
    %dma_wait3A_1465 = tpu.memref_slice %arg2[%add3A_1457, %dma_wait3A_1464] : memref<65536x256xf32, #tpu.memory_space<hbm>> -> memref<128x256xf32, #tpu.memory_space<hbm>>
    %dma_wait3A_1466 = tpu.memref_slice %arg5[%dma_wait3A_1459] : memref<3x!tpu.dma_semaphore, #tpu.memory_space<semaphore_mem>> -> memref<1x!tpu.dma_semaphore, #tpu.memory_space<semaphore_mem>>
    %dma_wait3A_1467 = tpu.memref_squeeze %dma_wait3A_1466 : memref<1x!tpu.dma_semaphore, #tpu.memory_space<semaphore_mem>> -> memref<!tpu.dma_semaphore, #tpu.memory_space<semaphore_mem>>
    %dma_wait3A_1468 = arith.constant 0 : i32
    %dma_wait3A_1469 = arith.constant 0 : i32
    %dma_wait3A_1470 = tpu.memref_slice %arg4[%dma_wait3A_1458, %dma_wait3A_1468, %dma_wait3A_1469] : memref<3x128x256xf32, #tpu.memory_space<vmem>> -> memref<1x128x256xf32, #tpu.memory_space<vmem>>
    %dma_wait3A_1471 = tpu.memref_squeeze %dma_wait3A_1470 : memref<1x128x256xf32, #tpu.memory_space<vmem>> -> memref<128x256xf32, #tpu.memory_space<vmem>>
    %dma_wait3A_1472 = arith.constant 0 : i32
    %dma_wait3A_1473 = tpu.memref_slice %arg2[%add3A_1457, %dma_wait3A_1472] : memref<65536x256xf32, #tpu.memory_space<hbm>> -> memref<128x256xf32, #tpu.memory_space<hbm>>
    tpu.wait_dma2 semaphore(%dma_wait3A_1467 : memref<!tpu.dma_semaphore, #tpu.memory_space<semaphore_mem>>) src(%dma_wait3A_1473 : memref<128x256xf32, #tpu.memory_space<hbm>>) dst(%dma_wait3A_1471 : memref<128x256xf32, #tpu.memory_space<vmem>>)
    %broadcast_in_dim3A_1474 = arith.constant 0 : i32
    %broadcast_in_dim3A_1475 = vector.broadcast %broadcast_in_dim3A_1474 : i32 to vector<16xi32>
    %add3A_1476 = arith.constant 0 : i32
    %add3A_1477 = vector.broadcast %add3A_1476 : i32 to vector<16xi32>
    %add3A_1478 = arith.addi %iota3A, %add3A_1477 : vector<16xi32>
    tpu.vector_store_idx %arg4[%broadcast_in_dim3A_1475, %add3A_1478, %broadcast_in_dim3A_3], %broadcast_in_dim3A_5 : memref<3x128x256xf32, #tpu.memory_space<vmem>>[vector<16xi32>, vector<16xi32>, vector<16xi32>], vector<16xf32>,
    %add3A_1479 = arith.constant 16 : i32
    %add3A_1480 = vector.broadcast %add3A_1479 : i32 to vector<16xi32>
    %add3A_1481 = arith.addi %iota3A, %add3A_1480 : vector<16xi32>
    tpu.vector_store_idx %arg4[%broadcast_in_dim3A_1475, %add3A_1481, %broadcast_in_dim3A_3], %broadcast_in_dim3A_5 : memref<3x128x256xf32, #tpu.memory_space<vmem>>[vector<16xi32>, vector<16xi32>, vector<16xi32>], vector<16xf32>,
    %add3A_1482 = arith.constant 32 : i32
    %add3A_1483 = vector.broadcast %add3A_1482 : i32 to vector<16xi32>
    %add3A_1484 = arith.addi %iota3A, %add3A_1483 : vector<16xi32>
    tpu.vector_store_idx %arg4[%broadcast_in_dim3A_1475, %add3A_1484, %broadcast_in_dim3A_3], %broadcast_in_dim3A_5 : memref<3x128x256xf32, #tpu.memory_space<vmem>>[vector<16xi32>, vector<16xi32>, vector<16xi32>], vector<16xf32>,
    %add3A_1485 = arith.constant 48 : i32
    %add3A_1486 = vector.broadcast %add3A_1485 : i32 to vector<16xi32>
    %add3A_1487 = arith.addi %iota3A, %add3A_1486 : vector<16xi32>
    tpu.vector_store_idx %arg4[%broadcast_in_dim3A_1475, %add3A_1487, %broadcast_in_dim3A_3], %broadcast_in_dim3A_5 : memref<3x128x256xf32, #tpu.memory_space<vmem>>[vector<16xi32>, vector<16xi32>, vector<16xi32>], vector<16xf32>,
    %add3A_1488 = arith.constant 64 : i32
    %add3A_1489 = vector.broadcast %add3A_1488 : i32 to vector<16xi32>
    %add3A_1490 = arith.addi %iota3A, %add3A_1489 : vector<16xi32>
    tpu.vector_store_idx %arg4[%broadcast_in_dim3A_1475, %add3A_1490, %broadcast_in_dim3A_3], %broadcast_in_dim3A_5 : memref<3x128x256xf32, #tpu.memory_space<vmem>>[vector<16xi32>, vector<16xi32>, vector<16xi32>], vector<16xf32>,
    %add3A_1491 = arith.constant 80 : i32
    %add3A_1492 = vector.broadcast %add3A_1491 : i32 to vector<16xi32>
    %add3A_1493 = arith.addi %iota3A, %add3A_1492 : vector<16xi32>
    tpu.vector_store_idx %arg4[%broadcast_in_dim3A_1475, %add3A_1493, %broadcast_in_dim3A_3], %broadcast_in_dim3A_5 : memref<3x128x256xf32, #tpu.memory_space<vmem>>[vector<16xi32>, vector<16xi32>, vector<16xi32>], vector<16xf32>,
    %add3A_1494 = arith.constant 96 : i32
    %add3A_1495 = vector.broadcast %add3A_1494 : i32 to vector<16xi32>
    %add3A_1496 = arith.addi %iota3A, %add3A_1495 : vector<16xi32>
    tpu.vector_store_idx %arg4[%broadcast_in_dim3A_1475, %add3A_1496, %broadcast_in_dim3A_3], %broadcast_in_dim3A_5 : memref<3x128x256xf32, #tpu.memory_space<vmem>>[vector<16xi32>, vector<16xi32>, vector<16xi32>], vector<16xf32>,
    %add3A_1497 = arith.constant 112 : i32
    %add3A_1498 = vector.broadcast %add3A_1497 : i32 to vector<16xi32>
    %add3A_1499 = arith.addi %iota3A, %add3A_1498 : vector<16xi32>
    tpu.vector_store_idx %arg4[%broadcast_in_dim3A_1475, %add3A_1499, %broadcast_in_dim3A_3], %broadcast_in_dim3A_5 : memref<3x128x256xf32, #tpu.memory_space<vmem>>[vector<16xi32>, vector<16xi32>, vector<16xi32>], vector<16xf32>,
    %add3A_1500 = arith.constant 1920 : i32
    %add3A_1501 = arith.addi %mul3A_2, %add3A_1500 : i32
    %dma_start3A_1502 = arith.constant 0 : i32
    %dma_start3A_1503 = arith.constant 0 : i32
    %dma_start3A_1504 = arith.constant 0 : i32
    %dma_start3A_1505 = arith.constant 0 : i32
    %dma_start3A_1506 = tpu.memref_slice %arg4[%dma_start3A_1502, %dma_start3A_1504, %dma_start3A_1505] : memref<3x128x256xf32, #tpu.memory_space<vmem>> -> memref<1x128x256xf32, #tpu.memory_space<vmem>>
    %dma_start3A_1507 = tpu.memref_squeeze %dma_start3A_1506 : memref<1x128x256xf32, #tpu.memory_space<vmem>> -> memref<128x256xf32, #tpu.memory_space<vmem>>
    %dma_start3A_1508 = arith.constant 0 : i32
    %dma_start3A_1509 = tpu.memref_slice %arg3[%add3A_1501, %dma_start3A_1508] : memref<65536x256xf32, #tpu.memory_space<hbm>> -> memref<128x256xf32, #tpu.memory_space<hbm>>
    %dma_start3A_1510 = tpu.memref_slice %arg6[%dma_start3A_1503] : memref<3x!tpu.dma_semaphore, #tpu.memory_space<semaphore_mem>> -> memref<1x!tpu.dma_semaphore, #tpu.memory_space<semaphore_mem>>
    %dma_start3A_1511 = tpu.memref_squeeze %dma_start3A_1510 : memref<1x!tpu.dma_semaphore, #tpu.memory_space<semaphore_mem>> -> memref<!tpu.dma_semaphore, #tpu.memory_space<semaphore_mem>>
    %dma_start3A_1512 = arith.constant 0 : i32
    %dma_start3A_1513 = tpu.memref_slice %arg3[%add3A_1501, %dma_start3A_1512] : memref<65536x256xf32, #tpu.memory_space<hbm>> -> memref<128x256xf32, #tpu.memory_space<hbm>>
    %dma_start3A_1514 = arith.constant 0 : i32
    %dma_start3A_1515 = arith.constant 0 : i32
    %dma_start3A_1516 = tpu.memref_slice %arg4[%dma_start3A_1502, %dma_start3A_1514, %dma_start3A_1515] : memref<3x128x256xf32, #tpu.memory_space<vmem>> -> memref<1x128x256xf32, #tpu.memory_space<vmem>>
    %dma_start3A_1517 = tpu.memref_squeeze %dma_start3A_1516 : memref<1x128x256xf32, #tpu.memory_space<vmem>> -> memref<128x256xf32, #tpu.memory_space<vmem>>
    tpu.enqueue_dma source(%dma_start3A_1517 : memref<128x256xf32, #tpu.memory_space<vmem>>) target(%dma_start3A_1513 : memref<128x256xf32, #tpu.memory_space<hbm>>) target_semaphore(%dma_start3A_1511 : memref<!tpu.dma_semaphore, #tpu.memory_space<semaphore_mem>>)
    %add3A_1518 = arith.constant 1664 : i32
    %add3A_1519 = arith.addi %mul3A_2, %add3A_1518 : i32
    %dma_wait3A_1520 = arith.constant 1 : i32
    %dma_wait3A_1521 = arith.constant 1 : i32
    %dma_wait3A_1522 = arith.constant 0 : i32
    %dma_wait3A_1523 = arith.constant 0 : i32
    %dma_wait3A_1524 = tpu.memref_slice %arg4[%dma_wait3A_1520, %dma_wait3A_1522, %dma_wait3A_1523] : memref<3x128x256xf32, #tpu.memory_space<vmem>> -> memref<1x128x256xf32, #tpu.memory_space<vmem>>
    %dma_wait3A_1525 = tpu.memref_squeeze %dma_wait3A_1524 : memref<1x128x256xf32, #tpu.memory_space<vmem>> -> memref<128x256xf32, #tpu.memory_space<vmem>>
    %dma_wait3A_1526 = arith.constant 0 : i32
    %dma_wait3A_1527 = tpu.memref_slice %arg3[%add3A_1519, %dma_wait3A_1526] : memref<65536x256xf32, #tpu.memory_space<hbm>> -> memref<128x256xf32, #tpu.memory_space<hbm>>
    %dma_wait3A_1528 = tpu.memref_slice %arg6[%dma_wait3A_1521] : memref<3x!tpu.dma_semaphore, #tpu.memory_space<semaphore_mem>> -> memref<1x!tpu.dma_semaphore, #tpu.memory_space<semaphore_mem>>
    %dma_wait3A_1529 = tpu.memref_squeeze %dma_wait3A_1528 : memref<1x!tpu.dma_semaphore, #tpu.memory_space<semaphore_mem>> -> memref<!tpu.dma_semaphore, #tpu.memory_space<semaphore_mem>>
    %dma_wait3A_1530 = arith.constant 0 : i32
    %dma_wait3A_1531 = tpu.memref_slice %arg3[%add3A_1519, %dma_wait3A_1530] : memref<65536x256xf32, #tpu.memory_space<hbm>> -> memref<128x256xf32, #tpu.memory_space<hbm>>
    %dma_wait3A_1532 = arith.constant 0 : i32
    %dma_wait3A_1533 = arith.constant 0 : i32
    %dma_wait3A_1534 = tpu.memref_slice %arg4[%dma_wait3A_1520, %dma_wait3A_1532, %dma_wait3A_1533] : memref<3x128x256xf32, #tpu.memory_space<vmem>> -> memref<1x128x256xf32, #tpu.memory_space<vmem>>
    %dma_wait3A_1535 = tpu.memref_squeeze %dma_wait3A_1534 : memref<1x128x256xf32, #tpu.memory_space<vmem>> -> memref<128x256xf32, #tpu.memory_space<vmem>>
    tpu.wait_dma2 semaphore(%dma_wait3A_1529 : memref<!tpu.dma_semaphore, #tpu.memory_space<semaphore_mem>>) src(%dma_wait3A_1535 : memref<128x256xf32, #tpu.memory_space<vmem>>) dst(%dma_wait3A_1531 : memref<128x256xf32, #tpu.memory_space<hbm>>)
    %add3A_1536 = arith.constant 1792 : i32
    %add3A_1537 = arith.addi %mul3A_2, %add3A_1536 : i32
    %dma_wait3A_1538 = arith.constant 2 : i32
    %dma_wait3A_1539 = arith.constant 2 : i32
    %dma_wait3A_1540 = arith.constant 0 : i32
    %dma_wait3A_1541 = arith.constant 0 : i32
    %dma_wait3A_1542 = tpu.memref_slice %arg4[%dma_wait3A_1538, %dma_wait3A_1540, %dma_wait3A_1541] : memref<3x128x256xf32, #tpu.memory_space<vmem>> -> memref<1x128x256xf32, #tpu.memory_space<vmem>>
    %dma_wait3A_1543 = tpu.memref_squeeze %dma_wait3A_1542 : memref<1x128x256xf32, #tpu.memory_space<vmem>> -> memref<128x256xf32, #tpu.memory_space<vmem>>
    %dma_wait3A_1544 = arith.constant 0 : i32
    %dma_wait3A_1545 = tpu.memref_slice %arg3[%add3A_1537, %dma_wait3A_1544] : memref<65536x256xf32, #tpu.memory_space<hbm>> -> memref<128x256xf32, #tpu.memory_space<hbm>>
    %dma_wait3A_1546 = tpu.memref_slice %arg6[%dma_wait3A_1539] : memref<3x!tpu.dma_semaphore, #tpu.memory_space<semaphore_mem>> -> memref<1x!tpu.dma_semaphore, #tpu.memory_space<semaphore_mem>>
    %dma_wait3A_1547 = tpu.memref_squeeze %dma_wait3A_1546 : memref<1x!tpu.dma_semaphore, #tpu.memory_space<semaphore_mem>> -> memref<!tpu.dma_semaphore, #tpu.memory_space<semaphore_mem>>
    %dma_wait3A_1548 = arith.constant 0 : i32
    %dma_wait3A_1549 = tpu.memref_slice %arg3[%add3A_1537, %dma_wait3A_1548] : memref<65536x256xf32, #tpu.memory_space<hbm>> -> memref<128x256xf32, #tpu.memory_space<hbm>>
    %dma_wait3A_1550 = arith.constant 0 : i32
    %dma_wait3A_1551 = arith.constant 0 : i32
    %dma_wait3A_1552 = tpu.memref_slice %arg4[%dma_wait3A_1538, %dma_wait3A_1550, %dma_wait3A_1551] : memref<3x128x256xf32, #tpu.memory_space<vmem>> -> memref<1x128x256xf32, #tpu.memory_space<vmem>>
    %dma_wait3A_1553 = tpu.memref_squeeze %dma_wait3A_1552 : memref<1x128x256xf32, #tpu.memory_space<vmem>> -> memref<128x256xf32, #tpu.memory_space<vmem>>
    tpu.wait_dma2 semaphore(%dma_wait3A_1547 : memref<!tpu.dma_semaphore, #tpu.memory_space<semaphore_mem>>) src(%dma_wait3A_1553 : memref<128x256xf32, #tpu.memory_space<vmem>>) dst(%dma_wait3A_1549 : memref<128x256xf32, #tpu.memory_space<hbm>>)
    %add3A_1554 = arith.constant 1920 : i32
    %add3A_1555 = arith.addi %mul3A_2, %add3A_1554 : i32
    %dma_wait3A_1556 = arith.constant 0 : i32
    %dma_wait3A_1557 = arith.constant 0 : i32
    %dma_wait3A_1558 = arith.constant 0 : i32
    %dma_wait3A_1559 = arith.constant 0 : i32
    %dma_wait3A_1560 = tpu.memref_slice %arg4[%dma_wait3A_1556, %dma_wait3A_1558, %dma_wait3A_1559] : memref<3x128x256xf32, #tpu.memory_space<vmem>> -> memref<1x128x256xf32, #tpu.memory_space<vmem>>
    %dma_wait3A_1561 = tpu.memref_squeeze %dma_wait3A_1560 : memref<1x128x256xf32, #tpu.memory_space<vmem>> -> memref<128x256xf32, #tpu.memory_space<vmem>>
    %dma_wait3A_1562 = arith.constant 0 : i32
    %dma_wait3A_1563 = tpu.memref_slice %arg3[%add3A_1555, %dma_wait3A_1562] : memref<65536x256xf32, #tpu.memory_space<hbm>> -> memref<128x256xf32, #tpu.memory_space<hbm>>
    %dma_wait3A_1564 = tpu.memref_slice %arg6[%dma_wait3A_1557] : memref<3x!tpu.dma_semaphore, #tpu.memory_space<semaphore_mem>> -> memref<1x!tpu.dma_semaphore, #tpu.memory_space<semaphore_mem>>
    %dma_wait3A_1565 = tpu.memref_squeeze %dma_wait3A_1564 : memref<1x!tpu.dma_semaphore, #tpu.memory_space<semaphore_mem>> -> memref<!tpu.dma_semaphore, #tpu.memory_space<semaphore_mem>>
    %dma_wait3A_1566 = arith.constant 0 : i32
    %dma_wait3A_1567 = tpu.memref_slice %arg3[%add3A_1555, %dma_wait3A_1566] : memref<65536x256xf32, #tpu.memory_space<hbm>> -> memref<128x256xf32, #tpu.memory_space<hbm>>
    %dma_wait3A_1568 = arith.constant 0 : i32
    %dma_wait3A_1569 = arith.constant 0 : i32
    %dma_wait3A_1570 = tpu.memref_slice %arg4[%dma_wait3A_1556, %dma_wait3A_1568, %dma_wait3A_1569] : memref<3x128x256xf32, #tpu.memory_space<vmem>> -> memref<1x128x256xf32, #tpu.memory_space<vmem>>
    %dma_wait3A_1571 = tpu.memref_squeeze %dma_wait3A_1570 : memref<1x128x256xf32, #tpu.memory_space<vmem>> -> memref<128x256xf32, #tpu.memory_space<vmem>>
    tpu.wait_dma2 semaphore(%dma_wait3A_1565 : memref<!tpu.dma_semaphore, #tpu.memory_space<semaphore_mem>>) src(%dma_wait3A_1571 : memref<128x256xf32, #tpu.memory_space<vmem>>) dst(%dma_wait3A_1567 : memref<128x256xf32, #tpu.memory_space<hbm>>)
    return
  }
}

</mosaic_0001>

<sc_bundles>
// kernel: kernel.3.cloned.1.call-start
scs
__scs_entry_jumppad:
0x0: {  	(pc) =	sbr.rel $0x88, $3  }
0x1: {  	(tag) =	ssettag $0x0;
	lr =	simm.s32 $0x1  }
0x2: {  	[smem:$0x3FA0] =	sst lr;
	_ =	strace $0xD0000000  }
0x3: {  	_ = 	snop  }
0x4: {  	_ = 	snop  }
0x5: {  	_ = 	snop  }
0x6: {  	_ = 	snop  }
0x7: {  	_ = 	snop  }
__scs_overlays_trampoline_lowered:
0x8: {  	[smem:$0x3FAF] =	sst s0  }
0x9: {  	[smem:$0x3FB0] =	sst s1  }
0xa: {  	[smem:$0x3FB1] =	sst s2  }
0xb: {  	[smem:$0x3FB2] =	sst s3  }
0xc: {  	[smem:$0x3FB3] =	sst s4  }
0xd: {  	[smem:$0x3FB4] =	sst s5  }
0xe: {  	[smem:$0x3FB5] =	sst s6  }
0xf: {  	[smem:$0x3FB6] =	sst s7  }
0x10: {  	[smem:$0x3FB7] =	sst s8  }
0x11: {  	[smem:$0x3FB8] =	sst s9;
	s0 =	simm.s32 @!p0 $0x0  }
0x12: {  	s1 =	sld [smem:$0x3F9E];
	s0 =	simm.s32 @p0 $0x1  }
0x13: {  	[smem:$0x3FB9] =	sst s0;
	s0 =	simm.s32 @!p1 $0x0  }
0x14: {  	s2 =	sld [smem:$0x3F9D];
	s0 =	simm.s32 @p1 $0x1  }
0x15: {  	[smem:$0x3FBA] =	sst s0;
	s0 =	simm.s32 @!p2 $0x0  }
0x16: {  	s3 =	sld [smem:$0x3FDB];
	s0 =	simm.s32 @p2 $0x1  }
0x17: {  	s4 =	simm.s32 $0x1BF5;
	[smem:$0x3FBC] =	sst s0  }
0x18: {  	s0 =	sld [smem:$0x3F9F];
	_ =	swait.ge [sflag:s4], $0x0  }
0x19: {  	s7 =	sld [smem:$0x3FA0]  }
0x1a: {  	s8 =	sadd.s32 $0xFFFFE003, lr  }
0x1b: {  	s9 =	sadd.s32 $0xFFFFFEF7, lr;
	s5 =	simm.s32 $0xFFFFFFFF;
	p2 =	slt.u32 s8, $0xFFFFF086  }
0x1c: {  	p1 =	slt.u32 s9, $0xF7A;
	s5 =	simm.s32 @!p2 $0x0  }
0x1d: {  	s5 =	simm.s32 @p1 $0x1;
	p0 =	seq.s32 s7, s2  }
0x1e: {  	s7 =	smul.u32 @!p0 $0xF7A, s2;
	p2 =	seq.s32 @!p0 s5, $0x0  }
0x1f: {  	s9 =	smul.u32 $0xF7A, s1;
	s8 =	simm.s32 @!p0 $0x1BF5;
	p2 =	por !p2, p0  }
0x20: {  	[sflag:s8] =	ssyncset.s32 @!p0 $0xFFFFF086;
	s6 =	sadd.s32 @!p0 s3, s7;
	s7 =	simm.s32 @!p0 $0x108  }
0x21: {  	s3 =	sadd.s32 s3, s9;
	s6 =	sadd.s32 @!p0 $0x88, s6;
	s7 =	simm.s32 @p2 $0x1082  }
0x22: {  	[simem:s7], [sflag:s8] =	dma.local @!p0 [hbm:s6], $0xF7A  }
0x23: {  	s9 =	sor.u32 $0xD0000000, s2;
	s6 =	simm.s32 $0x108;
	_ =	swait.ge @!p0 [sflag:s8], $0x0  }
0x24: {  	s3 =	sadd.s32 $0x88, s3;
	s6 =	simm.s32 @!p1 $0x1082;
	[sflag:s4] =	ssyncset.s32 $0xFFFFF086  }
0x25: {  	[simem:s6], [sflag:s4] =	dma.local [hbm:s3], $0xF7A  }
0x26: {  	[smem:$0x3FA0] =	sst s1;
	(tag) =	ssettag s2;
	_ =	strace s9  }
0x27: {  	s1 =	sld [smem:$0x3FB0]  }
0x28: {  	s2 =	sld [smem:$0x3FB1]  }
0x29: {  	s4 =	sld [smem:$0x3FB3]  }
0x2a: {  	p0 =	seq.s32 s5, $0x0;
	s5 =	sld [smem:$0x3FB4]  }
0x2b: {  	s6 =	sld [smem:$0x3FB5]  }
0x2c: {  	s7 =	sld [smem:$0x3FB6]  }
0x2d: {  	s3 =	simm.s32 $0x108;
	s8 =	sld [smem:$0x3FB7]  }
0x2e: {  	s3 =	simm.s32 @!p0 $0x1082;
	s9 =	sld [smem:$0x3FB8]  }
0x2f: {  	lr =	sadd.s32 s0, s3;
	s0 =	sld [smem:$0x3FAF]  }
0x30: {  	s3 =	sld [smem:$0x3FB2]  }
0x31: {  	[smem:$0x3FBB] =	sst s10  }
0x32: {  	s10 =	sld [smem:$0x3FB9];
	_ =	sdelay $0x3  }
0x33: {  	p0 =	seq.s32 s10, $0x1;
	s10 =	sld [smem:$0x3FBB];
	_ =	sdelay $0x3  }
0x34: {  	[smem:$0x3FBB] =	sst s10  }
0x35: {  	s10 =	sld [smem:$0x3FBA];
	_ =	sdelay $0x3  }
0x36: {  	p1 =	seq.s32 s10, $0x1;
	s10 =	sld [smem:$0x3FBB];
	_ =	sdelay $0x3  }
0x37: {  	[smem:$0x3FBB] =	sst s10  }
0x38: {  	s10 =	sld [smem:$0x3FBC]  }
0x39: {  	_ = 	snop;
	(pc) =	sbr.ind lr, $3  }
0x3a: {  	_ = 	snop  }
0x3b: {  	_ = 	snop  }
0x3c: {  	p2 =	seq.s32 s10, $0x1;
	s10 =	sld [smem:$0x3FBB]  }
0x3d: {  	_ =	shalt  }
0x3e: {  	_ =	shalt  }
0x3f: {  	_ =	shalt  }
0x40: {  	_ =	shalt  }
0x41: {  	_ =	shalt  }
0x42: {  	_ =	shalt  }
0x43: {  	_ =	shalt  }
0x44: {  	_ =	shalt  }
0x45: {  	_ =	shalt  }
0x46: {  	_ =	shalt  }
0x47: {  	_ =	shalt  }
0x48: {  	_ =	shalt  }
0x49: {  	_ =	shalt  }
0x4a: {  	_ =	shalt  }
0x4b: {  	_ =	shalt  }
0x4c: {  	_ =	shalt  }
0x4d: {  	_ =	shalt  }
0x4e: {  	_ =	shalt  }
0x4f: {  	_ =	shalt  }
0x50: {  	_ =	shalt  }
0x51: {  	_ =	shalt  }
0x52: {  	_ =	shalt  }
0x53: {  	_ =	shalt  }
0x54: {  	_ =	shalt  }
0x55: {  	_ =	shalt  }
0x56: {  	_ =	shalt  }
0x57: {  	_ =	shalt  }
0x58: {  	_ =	shalt  }
0x59: {  	_ =	shalt  }
0x5a: {  	_ =	shalt  }
0x5b: {  	_ =	shalt  }
0x5c: {  	_ =	shalt  }
0x5d: {  	_ =	shalt  }
0x5e: {  	_ =	shalt  }
0x5f: {  	_ =	shalt  }
0x60: {  	_ =	shalt  }
0x61: {  	_ =	shalt  }
0x62: {  	_ =	shalt  }
0x63: {  	_ =	shalt  }
0x64: {  	_ =	shalt  }
0x65: {  	_ =	shalt  }
0x66: {  	_ =	shalt  }
0x67: {  	_ =	shalt  }
0x68: {  	_ =	shalt  }
0x69: {  	_ =	shalt  }
0x6a: {  	_ =	shalt  }
0x6b: {  	_ =	shalt  }
0x6c: {  	_ =	shalt  }
0x6d: {  	_ =	shalt  }
0x6e: {  	_ =	shalt  }
0x6f: {  	_ =	shalt  }
0x70: {  	_ =	shalt  }
0x71: {  	_ =	shalt  }
0x72: {  	_ =	shalt  }
0x73: {  	_ =	shalt  }
0x74: {  	_ =	shalt  }
0x75: {  	_ =	shalt  }
0x76: {  	_ =	shalt  }
0x77: {  	_ =	shalt  }
0x78: {  	_ =	shalt  }
0x79: {  	_ =	shalt  }
0x7a: {  	_ =	shalt  }
0x7b: {  	_ =	shalt  }
0x7c: {  	_ =	shalt  }
0x7d: {  	_ =	shalt  }
0x7e: {  	_ =	shalt  }
0x7f: {  	_ =	shalt  }
0x80: {  	_ =	shalt  }
0x81: {  	_ =	shalt  }
0x82: {  	_ =	shalt  }
0x83: {  	_ =	shalt  }
0x84: {  	_ =	shalt  }
0x85: {  	_ =	shalt  }
0x86: {  	_ =	shalt  }
0x87: {  	_ =	shalt  }
.Lfunc_end0:
.L_simem_size_0:
called_computation_lowered:
.L_overlay_start_0:
0x88: {  	s2 =	sld [smem:$0x3FD9]  }
0x89: {  	s3 =	sld [smem:$0x3FFE];
	_ =	sdelay $0x1  }
0x8a: {  	s1 =	srdreg.scid  }
0x8b: {  	s0 =	sand.u32 $0x1, s1  }
0x8c: {  	s18 =	sshll.u32 s0, $0xA;
	s2 =	sadd.s32 s3, s2  }
0x8d: {  	s2 =	sadd.s32 s2, s18  }
0x8e: {  	[smem:$0x3FC7] =	sst s2  }
0x8f: {  	_ = 	snop  }
0x90: {  	s2 =	sld [smem:$0x3FC9]  }
0x91: {  	s19 =	sld [smem:$0x3FD0];
	(tm) =	ssettm $0x1  }
0x92: {  	s4 =	sld [smem:$0x3FFB];
	_ =	sdelay $0x3  }
0x93: {  	_ =	strace s4  }
0x94: {  	s4 =	sld [smem:$0x3FFC];
	_ =	sdelay $0x3  }
0x95: {  	_ =	strace s4  }
0x96: {  	s4 =	sld [smem:$0x3FFD];
	_ =	sdelay $0x3  }
0x97: {  	_ =	strace s4  }
0x98: {  	_ =	strace $0x8FFFFFFF  }
0x99: {  	s20 =	sld [smem:$0x3FDB];
	_ =	sdelay $0x1  }
0x9a: {  	s5 =	simm.s32 $_scs_section_size  }
0x9b: {  	s6 =	simm.s32 $_size__tile_overlayer_lowered;
	s7 =	simm.s32 $_tile_overlayer_lowered  }
0x9c: {  	s23 =	simm.s32 $0x1BFF;
	s22 =	sshll.u32 s7, $0x1;
	s4 =	sadd.s32 s5, s20  }
0x9d: {  	s8 =	simm.s32 $0x0;
	s21 =	sshll.u32 s6, $0x1;
	s6 =	sadd.s32 s22, s4  }
0x9e: {  	[timem:s8], [sflag:s23] =	dma.local [hbm:s6], s21  }
0x9f: {  	_ =	swait.ge [sflag:s23], s21  }
0xa0: {  	s5 =	ssub.s32 $0x0, s21;
	[sflag:s23] =	ssyncset.done $0x0  }
0xa1: {  	[sflag:s23] =	ssyncadd.s32 s5;
	_ =	sdelay $0x1  }
0xa2: {  	s24 =	simm.s32 $0x1B8B  }
0xa3: {  	_ =	swait.ge [sflag:s24], $0x1  }
0xa4: {  	[sflag:s24] =	ssyncset.done $0x0  }
0xa5: {  	s25 =	simm.s32 $0x1B8E;
	[sflag:s24] =	ssyncadd.s32 $0xFFFFFFFF  }
0xa6: {  	s26 =	simm.s32 $execute0_lowered;
	[smem:$0x3FD2] =	sst s25  }
0xa7: {  	s5 =	sshll.u32 s26, $0x1;
	_ =	strace $0x80000046;
	[dreg:$0x1] =	wrdreg $0xFFFFFFFF  }
0xa8: {  	s28 =	simm.s32 $_size_execute0_lowered;
	s4 =	sadd.s32 s4, s5;
	[dreg:$0x0] =	wrdreg $0x0  }
0xa9: {  	s5 =	sshll.u32 s28, $0x1;
	[dreg:$0x2] =	wrdreg s4  }
0xaa: {  	[dreg:$0x3] =	wrdreg s5  }
0xab: {  	[dreg:$0x4] =	wrdreg $0xC0  }
0xac: {  	_ =	task [dreg:s8], $0x5FFFF  }
0xad: {  	[dreg:$0x1] =	wrdreg $0xFFFFFFFF  }
0xae: {  	[dreg:$0x0] =	wrdreg $0x60  }
0xaf: {  	[dreg:$0x2] =	wrdreg s2  }
0xb0: {  	[dreg:$0x3] =	wrdreg s19  }
0xb1: {  	[dreg:$0x4] =	wrdreg $0x9  }
0xb2: {  	_ =	task.clear_ibuf [dreg:s8], $0x5FFFF;
	_ =	strace $0x90000046  }
0xb3: {  	s29 =	simm.s32 $0x9;
	_ =	strace $0x80000048  }
0xb4: {  	_ =	swait.ge [sflag:s29], $0x1  }
0xb5: {  	[sflag:s29] =	ssyncadd.s32 $0xFFFFFFFF  }
0xb6: {  	_ =	strace $0x90000048  }
0xb7: {  	_ =	sfence  }
0xb8: {  	s30 =	sld [smem:$0x0];
	_ =	sdelay $0x2  }
0xb9: {  	s31 =	sshll.u32 s1, $0xD;
	s1 =	sshrl.u32 s1, $0x2  }
0xba: {  	s3 =	sand.u32 $0x4000, s31;
	s1 =	sadd.s32 s1, s30  }
0xbb: {  	s0 =	sor.u32 s3, s0;
	s1 =	sshll.u32 s1, $0x11  }
0xbc: {  	s0 =	sor.u32 s1, s0  }
0xbd: {  	s0 =	sadd.s32 $0x8F2B, s0  }
0xbe: {  	[sflag:s0] =	ssyncadd.remote.s32 $0x1  }
0xbf: {  	_ =	sfence.sel $0xFFFF  }
0xc0: {  	[dreg:$0x0] =	wrdreg $0xFFFFFFFF;
	(pc) =	sbr.abs _section_cstart, $3  }
0xc1: {  	[dreg:$0x1] =	wrdreg $0xFFFFFFFF  }
0xc2: {  	_ =	task.clear_ibuf [dreg:s8], $0x2FFFF;
	_ =	strace $0x9FFFFFFF  }
0xc3: {  	(tm) =	ssettm $0x7FFFFFFF  }
tec
execute0_lowered:
.L_overlay_start_1:
0x0: {  	(tag) =	ssettag $0x1  }
0x1: {  	s3 =	rddreg [dreg:$0x0]  }
0x2: {  	s0 =	rddreg [dreg:$0x1];
	s1 =	srdreg.scid  }
0x3: {  	s4 =	stileid.u32;
	s2 =	simm.s32 $0x0;
	s1 =	sand.u32 $0x1, s1  }
0x4: {  	p0 =	por $0x0, $0x0;
	s4 =	sshll.u32 s4, $0x11;
	s5 =	sshll.u32 s1, $0x10  }
0x5: {  	[smem:$0x7FF] =	sst s2;
	s1 =	ssub.s32 $0x2, s1;
	s4 =	sor.u32 s5, s4  }
0x6: {  	_ =	strace $0x80000047;
	s8 =	sshrl.u32 s1, $0x1;
	s5 =	sadd.s32 s3, s4  }
0x7: {  	s6 =	sor.u32 $0x1000, s4;
	s12 =	sadd.s32 s0, s4;
	s7 =	sor.u32 $0x2000, s4  }
0x8: {  	s15 =	sor.u32 $0x3000, s4;
	s18 =	sor.u32 $0x4000, s4;
	s21 =	sor.u32 $0x5000, s4  }
0x9: {  	s1 =	ssub.s32 s1, s8;
	s24 =	sor.u32 $0x6000, s4;
	s26 =	sor.u32 $0x7000, s4  }
0xa: {  	s8 =	sor.u32 $0xA000, s4;
	s9 =	sor.u32 $0xB000, s4;
	[dreg:$0x3] =	wrdreg s5  }
0xb: {  	s10 =	sor.u32 $0xC000, s4;
	s11 =	sadd.s32 s3, s6;
	[dreg:$0x5] =	wrdreg s12  }
0xc: {  	s13 =	sadd.s32 s3, s7;
	s14 =	sadd.s32 s0, s6;
	s16 =	sadd.s32 s3, s15  }
0xd: {  	s17 =	sadd.s32 s0, s7;
	s19 =	sadd.s32 s3, s18;
	[dreg:$0x4] =	wrdreg s11  }
0xe: {  	s20 =	sadd.s32 s0, s15;
	s22 =	sadd.s32 s3, s21;
	[dreg:$0x6] =	wrdreg s13  }
0xf: {  	s23 =	sadd.s32 s0, s18;
	s25 =	sadd.s32 s3, s24;
	[dreg:$0x7] =	wrdreg s14  }
0x10: {  	s31 =	sadd.s32 s0, s21;
	s30 =	sadd.s32 s3, s26;
	[dreg:$0x8] =	wrdreg s16  }
0x11: {  	s29 =	sadd.s32 s0, s24;
	s6 =	sor.u32 $0x8000, s4;
	[dreg:$0x9] =	wrdreg s17  }
0x12: {  	s7 =	sor.u32 $0x9000, s4;
	s26 =	sadd.s32 s0, s26;
	[dreg:$0xa] =	wrdreg s19  }
0x13: {  	s24 =	sadd.s32 s3, s8;
	s21 =	sadd.s32 s3, s9;
	[dreg:$0xb] =	wrdreg s20  }
0x14: {  	v0 =	vlaneseq.u32;
	s18 =	sadd.s32 s0, s8;
	s12 =	sadd.s32 s0, s10;
	[dreg:$0xc] =	wrdreg s22  }
0x15: {  	v20 =	vmul.u32 $0x100, v0;
	s5 =	simm.s32 $0x4;
	s8 =	simm.s32 $0x6;
	[dreg:$0xd] =	wrdreg s23  }
0x16: {  	v0 =	vimm.f32 $0.0e+00;
	[dreg:$0xe] =	wrdreg s25;
	s28 =	sadd.s32 s3, s6;
	s25 =	sadd.s32 s3, s7  }
0x17: {  	v1 =	vor.u32 $0xFF, v20;
	v2 =	vor.u32 $0x10FF, v20;
	v3 =	vor.u32 $0x20FF, v20;
	s23 =	sadd.s32 s0, s6;
	s22 =	sadd.s32 s0, s7;
	s11 =	sor.u32 $0xD000, s4  }
0x18: {  	v4 =	vor.u32 $0x30FF, v20;
	v5 =	vor.u32 $0x40FF, v20;
	v6 =	vor.u32 $0x50FF, v20;
	s19 =	sadd.s32 s3, s10;
	s16 =	sadd.s32 s0, s9;
	s20 =	smax.u32 s1, $0x1  }
0x19: {  	v7 =	vor.u32 $0x60FF, v20;
	v8 =	vor.u32 $0x70FF, v20;
	v11 =	vor.u32 $0x80FF, v20;
	s14 =	sor.u32 $0xE000, s4;
	s17 =	sor.u32 $0xF000, s4;
	p1 =	sne.s32 s20, $0x1  }
.Ltmp0:
0x1a: {  	v15 =	vor.u32 $0x90FF, v20;
	v16 =	vor.u32 $0xA0FF, v20;
	v17 =	vor.u32 $0xB0FF, v20;
	s6 =	simm.s32 $0x1;
	s10 =	simm.s32 $0x5;
	(pc) =	sbr.rel @!p1 .LBB2_3-.Ltmp0, $4  }
0x1b: {  	v21 =	vor.u32 $0xC0FF, v20;
	v22 =	vor.u32 $0xD0FF, v20;
	v23 =	vor.u32 $0xE0FF, v20;
	s1 =	rddreg [dreg:$0x3];
	s15 =	sadd.s32 s3, s11;
	s13 =	sadd.s32 s3, s14  }
0x1c: {  	v24 =	vor.u32 $0xF0FF, v20;
	v9 =	vor.u32 $0x100FF, v20;
	v10 =	vor.u32 $0x110FF, v20;
	s9 =	sadd.s32 s0, s11;
	s7 =	sadd.s32 s3, s17;
	s4 =	sadd.s32 s0, s14  }
0x1d: {  	v12 =	vor.u32 $0x120FF, v20;
	v13 =	vor.u32 $0x130FF, v20;
	v14 =	vor.u32 $0x140FF, v20;
	s3 =	sadd.s32 s0, s17;
	s14 =	simm.s32 $0x8000;
	s0 =	sadd.s32 $0xFFFFFFFF, s20  }
0x1e: {  	v18 =	vor.u32 $0x150FF, v20;
	v19 =	vor.u32 $0x160FF, v20;
	v20 =	vor.u32 $0x170FF, v20;
	s11 =	simm.s32 $0x10000;
	s20 =	simm.s32 $0x2;
	s17 =	simm.s32 $0x3  }
0x1f: {  	[dreg:$0xf] =	wrdreg s0  }
0x20: {  	[tilespmem:s2], [sflag:$0x1] =	stream.linear.gather [hbm4b:s1+s2], $0x8000, $0x38;
	[tilespmem:$0x18000] =	vst v63  }
0x21: {  	s0 =	rddreg [dreg:$0x4]  }
0x22: {  	[tilespmem:s14], [sflag:$0x2] =	stream.linear.gather [hbm4b:s0+s2], $0x8000, $0x38;
	[tilespmem:$0x18000] =	vst v63  }
0x23: {  	_ =	swait.ge [sflag:s6], $0x8000  }
0x24: {  	[sflag:s6] =	ssyncset.done $0x0  }
0x25: {  	[sflag:s6] =	ssyncadd.s32 $0xFFFF8000  }
0x26: {  	[tilespmem:v1+s2+$0x0] =	vst.idx.msk $0xffff, v0  }
0x27: {  	[tilespmem:v2+s2+$0x0] =	vst.idx.msk $0xffff, v0  }
0x28: {  	[tilespmem:v3+s2+$0x0] =	vst.idx.msk $0xffff, v0  }
0x29: {  	[tilespmem:v4+s2+$0x0] =	vst.idx.msk $0xffff, v0  }
0x2a: {  	[tilespmem:v5+s2+$0x0] =	vst.idx.msk $0xffff, v0  }
0x2b: {  	[tilespmem:v6+s2+$0x0] =	vst.idx.msk $0xffff, v0  }
0x2c: {  	[tilespmem:v7+s2+$0x0] =	vst.idx.msk $0xffff, v0  }
0x2d: {  	s0 =	rddreg [dreg:$0x5];
	[tilespmem:v8+s2+$0x0] =	vst.idx.msk $0xffff, v0  }
0x2e: {  	[hbm4b:s0+s2] =	stream.linear.scatter [tilespmem:s2], [sflag:$0x4], $0x8000, $0x38;
	[tilespmem:$0x18000] =	vst v63  }
0x2f: {  	s1 =	rddreg [dreg:$0x6]  }
0x30: {  	[tilespmem:s11], [sflag:$0x3] =	stream.linear.gather [hbm4b:s1+s2], $0x8000, $0x38;
	[tilespmem:$0x18000] =	vst v63  }
0x31: {  	_ =	swait.ge [sflag:s20], $0x8000  }
0x32: {  	[sflag:s20] =	ssyncset.done $0x0  }
0x33: {  	[sflag:s20] =	ssyncadd.s32 $0xFFFF8000  }
0x34: {  	[tilespmem:v11+s2+$0x0] =	vst.idx.msk $0xffff, v0  }
0x35: {  	[tilespmem:v15+s2+$0x0] =	vst.idx.msk $0xffff, v0  }
0x36: {  	[tilespmem:v16+s2+$0x0] =	vst.idx.msk $0xffff, v0  }
0x37: {  	[tilespmem:v17+s2+$0x0] =	vst.idx.msk $0xffff, v0  }
0x38: {  	[tilespmem:v21+s2+$0x0] =	vst.idx.msk $0xffff, v0  }
0x39: {  	[tilespmem:v22+s2+$0x0] =	vst.idx.msk $0xffff, v0  }
0x3a: {  	[tilespmem:v23+s2+$0x0] =	vst.idx.msk $0xffff, v0  }
0x3b: {  	s1 =	rddreg [dreg:$0x7];
	[tilespmem:v24+s2+$0x0] =	vst.idx.msk $0xffff, v0  }
0x3c: {  	[hbm4b:s1+s2] =	stream.linear.scatter [tilespmem:s14], [sflag:$0x5], $0x8000, $0x38;
	[tilespmem:$0x18000] =	vst v63  }
0x3d: {  	_ =	swait.ge [sflag:s5], $0x8000  }
0x3e: {  	[sflag:s5] =	ssyncset.done $0x0  }
0x3f: {  	s1 =	rddreg [dreg:$0x8];
	[sflag:s5] =	ssyncadd.s32 $0xFFFF8000  }
0x40: {  	[tilespmem:s2], [sflag:$0x1] =	stream.linear.gather [hbm4b:s1+s2], $0x8000, $0x38;
	[tilespmem:$0x18000] =	vst v63  }
0x41: {  	_ =	swait.ge [sflag:s17], $0x8000  }
0x42: {  	[sflag:s17] =	ssyncset.done $0x0  }
0x43: {  	[sflag:s17] =	ssyncadd.s32 $0xFFFF8000  }
0x44: {  	[tilespmem:v9+s2+$0x0] =	vst.idx.msk $0xffff, v0  }
0x45: {  	[tilespmem:v10+s2+$0x0] =	vst.idx.msk $0xffff, v0  }
0x46: {  	[tilespmem:v12+s2+$0x0] =	vst.idx.msk $0xffff, v0  }
0x47: {  	[tilespmem:v13+s2+$0x0] =	vst.idx.msk $0xffff, v0  }
0x48: {  	[tilespmem:v14+s2+$0x0] =	vst.idx.msk $0xffff, v0  }
0x49: {  	[tilespmem:v18+s2+$0x0] =	vst.idx.msk $0xffff, v0  }
0x4a: {  	[tilespmem:v19+s2+$0x0] =	vst.idx.msk $0xffff, v0  }
0x4b: {  	s1 =	rddreg [dreg:$0x9];
	[tilespmem:v20+s2+$0x0] =	vst.idx.msk $0xffff, v0  }
0x4c: {  	[hbm4b:s1+s2] =	stream.linear.scatter [tilespmem:s11], [sflag:$0x6], $0x8000, $0x38;
	[tilespmem:$0x18000] =	vst v63  }
0x4d: {  	_ =	swait.ge [sflag:s10], $0x8000  }
0x4e: {  	[sflag:s10] =	ssyncset.done $0x0  }
0x4f: {  	s1 =	rddreg [dreg:$0xa];
	[sflag:s10] =	ssyncadd.s32 $0xFFFF8000  }
0x50: {  	[tilespmem:s14], [sflag:$0x2] =	stream.linear.gather [hbm4b:s1+s2], $0x8000, $0x38;
	[tilespmem:$0x18000] =	vst v63  }
0x51: {  	_ =	swait.ge [sflag:s6], $0x8000  }
0x52: {  	[sflag:s6] =	ssyncset.done $0x0  }
0x53: {  	[sflag:s6] =	ssyncadd.s32 $0xFFFF8000  }
0x54: {  	[tilespmem:v1+s2+$0x0] =	vst.idx.msk $0xffff, v0  }
0x55: {  	[tilespmem:v2+s2+$0x0] =	vst.idx.msk $0xffff, v0  }
0x56: {  	[tilespmem:v3+s2+$0x0] =	vst.idx.msk $0xffff, v0  }
0x57: {  	[tilespmem:v4+s2+$0x0] =	vst.idx.msk $0xffff, v0  }
0x58: {  	[tilespmem:v5+s2+$0x0] =	vst.idx.msk $0xffff, v0  }
0x59: {  	[tilespmem:v6+s2+$0x0] =	vst.idx.msk $0xffff, v0  }
0x5a: {  	[tilespmem:v7+s2+$0x0] =	vst.idx.msk $0xffff, v0  }
0x5b: {  	s1 =	rddreg [dreg:$0xb];
	[tilespmem:v8+s2+$0x0] =	vst.idx.msk $0xffff, v0  }
0x5c: {  	[hbm4b:s1+s2] =	stream.linear.scatter [tilespmem:s2], [sflag:$0x4], $0x8000, $0x38;
	[tilespmem:$0x18000] =	vst v63  }
0x5d: {  	_ =	swait.ge [sflag:s8], $0x8000  }
0x5e: {  	[sflag:s8] =	ssyncset.done $0x0  }
0x5f: {  	s1 =	rddreg [dreg:$0xc];
	[sflag:s8] =	ssyncadd.s32 $0xFFFF8000  }
0x60: {  	[tilespmem:s11], [sflag:$0x3] =	stream.linear.gather [hbm4b:s1+s2], $0x8000, $0x38;
	[tilespmem:$0x18000] =	vst v63  }
0x61: {  	_ =	swait.ge [sflag:s20], $0x8000  }
0x62: {  	[sflag:s20] =	ssyncset.done $0x0  }
0x63: {  	[sflag:s20] =	ssyncadd.s32 $0xFFFF8000  }
0x64: {  	[tilespmem:v11+s2+$0x0] =	vst.idx.msk $0xffff, v0  }
0x65: {  	[tilespmem:v15+s2+$0x0] =	vst.idx.msk $0xffff, v0  }
0x66: {  	[tilespmem:v16+s2+$0x0] =	vst.idx.msk $0xffff, v0  }
0x67: {  	[tilespmem:v17+s2+$0x0] =	vst.idx.msk $0xffff, v0  }
0x68: {  	[tilespmem:v21+s2+$0x0] =	vst.idx.msk $0xffff, v0  }
0x69: {  	[tilespmem:v22+s2+$0x0] =	vst.idx.msk $0xffff, v0  }
0x6a: {  	[tilespmem:v23+s2+$0x0] =	vst.idx.msk $0xffff, v0  }
0x6b: {  	s1 =	rddreg [dreg:$0xd];
	[tilespmem:v24+s2+$0x0] =	vst.idx.msk $0xffff, v0  }
0x6c: {  	[hbm4b:s1+s2] =	stream.linear.scatter [tilespmem:s14], [sflag:$0x5], $0x8000, $0x38;
	[tilespmem:$0x18000] =	vst v63  }
0x6d: {  	_ =	swait.ge [sflag:s5], $0x8000  }
0x6e: {  	[sflag:s5] =	ssyncset.done $0x0  }
0x6f: {  	s1 =	rddreg [dreg:$0xe];
	[sflag:s5] =	ssyncadd.s32 $0xFFFF8000  }
0x70: {  	[tilespmem:s2], [sflag:$0x1] =	stream.linear.gather [hbm4b:s1+s2], $0x8000, $0x38;
	[tilespmem:$0x18000] =	vst v63  }
0x71: {  	_ =	swait.ge [sflag:s17], $0x8000  }
0x72: {  	[sflag:s17] =	ssyncset.done $0x0  }
0x73: {  	[sflag:s17] =	ssyncadd.s32 $0xFFFF8000  }
0x74: {  	[tilespmem:v9+s2+$0x0] =	vst.idx.msk $0xffff, v0  }
0x75: {  	[tilespmem:v10+s2+$0x0] =	vst.idx.msk $0xffff, v0  }
0x76: {  	[tilespmem:v12+s2+$0x0] =	vst.idx.msk $0xffff, v0  }
0x77: {  	[tilespmem:v13+s2+$0x0] =	vst.idx.msk $0xffff, v0  }
0x78: {  	[tilespmem:v14+s2+$0x0] =	vst.idx.msk $0xffff, v0  }
0x79: {  	[tilespmem:v18+s2+$0x0] =	vst.idx.msk $0xffff, v0  }
0x7a: {  	[tilespmem:v19+s2+$0x0] =	vst.idx.msk $0xffff, v0  }
0x7b: {  	[tilespmem:v20+s2+$0x0] =	vst.idx.msk $0xffff, v0  }
0x7c: {  	[hbm4b:s31+s2] =	stream.linear.scatter [tilespmem:s11], [sflag:$0x6], $0x8000, $0x38;
	[tilespmem:$0x18000] =	vst v63  }
0x7d: {  	_ =	swait.ge [sflag:s10], $0x8000  }
0x7e: {  	[sflag:s10] =	ssyncset.done $0x0  }
0x7f: {  	[sflag:s10] =	ssyncadd.s32 $0xFFFF8000  }
0x80: {  	[tilespmem:s14], [sflag:$0x2] =	stream.linear.gather [hbm4b:s30+s2], $0x8000, $0x38;
	[tilespmem:$0x18000] =	vst v63  }
0x81: {  	_ =	swait.ge [sflag:s6], $0x8000  }
0x82: {  	[sflag:s6] =	ssyncset.done $0x0  }
0x83: {  	[sflag:s6] =	ssyncadd.s32 $0xFFFF8000  }
0x84: {  	[tilespmem:v1+s2+$0x0] =	vst.idx.msk $0xffff, v0  }
0x85: {  	[tilespmem:v2+s2+$0x0] =	vst.idx.msk $0xffff, v0  }
0x86: {  	[tilespmem:v3+s2+$0x0] =	vst.idx.msk $0xffff, v0  }
0x87: {  	[tilespmem:v4+s2+$0x0] =	vst.idx.msk $0xffff, v0  }
0x88: {  	[tilespmem:v5+s2+$0x0] =	vst.idx.msk $0xffff, v0  }
0x89: {  	[tilespmem:v6+s2+$0x0] =	vst.idx.msk $0xffff, v0  }
0x8a: {  	[tilespmem:v7+s2+$0x0] =	vst.idx.msk $0xffff, v0  }
0x8b: {  	[tilespmem:v8+s2+$0x0] =	vst.idx.msk $0xffff, v0  }
0x8c: {  	[hbm4b:s29+s2] =	stream.linear.scatter [tilespmem:s2], [sflag:$0x4], $0x8000, $0x38;
	[tilespmem:$0x18000] =	vst v63  }
0x8d: {  	_ =	swait.ge [sflag:s8], $0x8000  }
0x8e: {  	[sflag:s8] =	ssyncset.done $0x0  }
0x8f: {  	[sflag:s8] =	ssyncadd.s32 $0xFFFF8000  }
0x90: {  	[tilespmem:s11], [sflag:$0x3] =	stream.linear.gather [hbm4b:s28+s2], $0x8000, $0x38;
	[tilespmem:$0x18000] =	vst v63  }
0x91: {  	_ =	swait.ge [sflag:s20], $0x8000  }
0x92: {  	[sflag:s20] =	ssyncset.done $0x0  }
0x93: {  	[sflag:s20] =	ssyncadd.s32 $0xFFFF8000  }
0x94: {  	[tilespmem:v11+s2+$0x0] =	vst.idx.msk $0xffff, v0  }
0x95: {  	[tilespmem:v15+s2+$0x0] =	vst.idx.msk $0xffff, v0  }
0x96: {  	[tilespmem:v16+s2+$0x0] =	vst.idx.msk $0xffff, v0  }
0x97: {  	[tilespmem:v17+s2+$0x0] =	vst.idx.msk $0xffff, v0  }
0x98: {  	[tilespmem:v21+s2+$0x0] =	vst.idx.msk $0xffff, v0  }
0x99: {  	[tilespmem:v22+s2+$0x0] =	vst.idx.msk $0xffff, v0  }
0x9a: {  	[tilespmem:v23+s2+$0x0] =	vst.idx.msk $0xffff, v0  }
0x9b: {  	[tilespmem:v24+s2+$0x0] =	vst.idx.msk $0xffff, v0  }
0x9c: {  	[hbm4b:s26+s2] =	stream.linear.scatter [tilespmem:s14], [sflag:$0x5], $0x8000, $0x38;
	[tilespmem:$0x18000] =	vst v63  }
0x9d: {  	_ =	swait.ge [sflag:s5], $0x8000  }
0x9e: {  	[sflag:s5] =	ssyncset.done $0x0  }
0x9f: {  	[sflag:s5] =	ssyncadd.s32 $0xFFFF8000  }
0xa0: {  	[tilespmem:s2], [sflag:$0x1] =	stream.linear.gather [hbm4b:s25+s2], $0x8000, $0x38;
	[tilespmem:$0x18000] =	vst v63  }
0xa1: {  	_ =	swait.ge [sflag:s17], $0x8000  }
0xa2: {  	[sflag:s17] =	ssyncset.done $0x0  }
0xa3: {  	[sflag:s17] =	ssyncadd.s32 $0xFFFF8000  }
0xa4: {  	[tilespmem:v9+s2+$0x0] =	vst.idx.msk $0xffff, v0  }
0xa5: {  	[tilespmem:v10+s2+$0x0] =	vst.idx.msk $0xffff, v0  }
0xa6: {  	[tilespmem:v12+s2+$0x0] =	vst.idx.msk $0xffff, v0  }
0xa7: {  	[tilespmem:v13+s2+$0x0] =	vst.idx.msk $0xffff, v0  }
0xa8: {  	[tilespmem:v14+s2+$0x0] =	vst.idx.msk $0xffff, v0  }
0xa9: {  	[tilespmem:v18+s2+$0x0] =	vst.idx.msk $0xffff, v0  }
0xaa: {  	[tilespmem:v19+s2+$0x0] =	vst.idx.msk $0xffff, v0  }
0xab: {  	[tilespmem:v20+s2+$0x0] =	vst.idx.msk $0xffff, v0  }
0xac: {  	[hbm4b:s23+s2] =	stream.linear.scatter [tilespmem:s11], [sflag:$0x6], $0x8000, $0x38;
	[tilespmem:$0x18000] =	vst v63  }
0xad: {  	_ =	swait.ge [sflag:s10], $0x8000  }
0xae: {  	[sflag:s10] =	ssyncset.done $0x0  }
0xaf: {  	[sflag:s10] =	ssyncadd.s32 $0xFFFF8000  }
0xb0: {  	[tilespmem:s14], [sflag:$0x2] =	stream.linear.gather [hbm4b:s24+s2], $0x8000, $0x38;
	[tilespmem:$0x18000] =	vst v63  }
0xb1: {  	_ =	swait.ge [sflag:s6], $0x8000  }
0xb2: {  	[sflag:s6] =	ssyncset.done $0x0  }
0xb3: {  	[sflag:s6] =	ssyncadd.s32 $0xFFFF8000  }
0xb4: {  	[tilespmem:v1+s2+$0x0] =	vst.idx.msk $0xffff, v0  }
0xb5: {  	[tilespmem:v2+s2+$0x0] =	vst.idx.msk $0xffff, v0  }
0xb6: {  	[tilespmem:v3+s2+$0x0] =	vst.idx.msk $0xffff, v0  }
0xb7: {  	[tilespmem:v4+s2+$0x0] =	vst.idx.msk $0xffff, v0  }
0xb8: {  	[tilespmem:v5+s2+$0x0] =	vst.idx.msk $0xffff, v0  }
0xb9: {  	[tilespmem:v6+s2+$0x0] =	vst.idx.msk $0xffff, v0  }
0xba: {  	[tilespmem:v7+s2+$0x0] =	vst.idx.msk $0xffff, v0  }
0xbb: {  	[tilespmem:v8+s2+$0x0] =	vst.idx.msk $0xffff, v0  }
0xbc: {  	[hbm4b:s22+s2] =	stream.linear.scatter [tilespmem:s2], [sflag:$0x4], $0x8000, $0x38;
	[tilespmem:$0x18000] =	vst v63  }
0xbd: {  	_ =	swait.ge [sflag:s8], $0x8000  }
0xbe: {  	[sflag:s8] =	ssyncset.done $0x0  }
0xbf: {  	[sflag:s8] =	ssyncadd.s32 $0xFFFF8000  }
0xc0: {  	[tilespmem:s11], [sflag:$0x3] =	stream.linear.gather [hbm4b:s21+s2], $0x8000, $0x38;
	[tilespmem:$0x18000] =	vst v63  }
0xc1: {  	_ =	swait.ge [sflag:s20], $0x8000  }
0xc2: {  	[sflag:s20] =	ssyncset.done $0x0  }
0xc3: {  	[sflag:s20] =	ssyncadd.s32 $0xFFFF8000  }
0xc4: {  	[tilespmem:v11+s2+$0x0] =	vst.idx.msk $0xffff, v0  }
0xc5: {  	[tilespmem:v15+s2+$0x0] =	vst.idx.msk $0xffff, v0  }
0xc6: {  	[tilespmem:v16+s2+$0x0] =	vst.idx.msk $0xffff, v0  }
0xc7: {  	[tilespmem:v17+s2+$0x0] =	vst.idx.msk $0xffff, v0  }
0xc8: {  	[tilespmem:v21+s2+$0x0] =	vst.idx.msk $0xffff, v0  }
0xc9: {  	[tilespmem:v22+s2+$0x0] =	vst.idx.msk $0xffff, v0  }
0xca: {  	[tilespmem:v23+s2+$0x0] =	vst.idx.msk $0xffff, v0  }
0xcb: {  	[tilespmem:v24+s2+$0x0] =	vst.idx.msk $0xffff, v0  }
0xcc: {  	[hbm4b:s18+s2] =	stream.linear.scatter [tilespmem:s14], [sflag:$0x5], $0x8000, $0x38;
	[tilespmem:$0x18000] =	vst v63  }
0xcd: {  	_ =	swait.ge [sflag:s5], $0x8000  }
0xce: {  	[sflag:s5] =	ssyncset.done $0x0  }
0xcf: {  	[sflag:s5] =	ssyncadd.s32 $0xFFFF8000  }
0xd0: {  	[tilespmem:s2], [sflag:$0x1] =	stream.linear.gather [hbm4b:s19+s2], $0x8000, $0x38;
	[tilespmem:$0x18000] =	vst v63  }
0xd1: {  	_ =	swait.ge [sflag:s17], $0x8000  }
0xd2: {  	[sflag:s17] =	ssyncset.done $0x0  }
0xd3: {  	[sflag:s17] =	ssyncadd.s32 $0xFFFF8000  }
0xd4: {  	[tilespmem:v9+s2+$0x0] =	vst.idx.msk $0xffff, v0  }
0xd5: {  	[tilespmem:v10+s2+$0x0] =	vst.idx.msk $0xffff, v0  }
0xd6: {  	[tilespmem:v12+s2+$0x0] =	vst.idx.msk $0xffff, v0  }
0xd7: {  	[tilespmem:v13+s2+$0x0] =	vst.idx.msk $0xffff, v0  }
0xd8: {  	[tilespmem:v14+s2+$0x0] =	vst.idx.msk $0xffff, v0  }
0xd9: {  	[tilespmem:v18+s2+$0x0] =	vst.idx.msk $0xffff, v0  }
0xda: {  	[tilespmem:v19+s2+$0x0] =	vst.idx.msk $0xffff, v0  }
0xdb: {  	[tilespmem:v20+s2+$0x0] =	vst.idx.msk $0xffff, v0  }
0xdc: {  	[hbm4b:s16+s2] =	stream.linear.scatter [tilespmem:s11], [sflag:$0x6], $0x8000, $0x38;
	[tilespmem:$0x18000] =	vst v63  }
0xdd: {  	_ =	swait.ge [sflag:s10], $0x8000  }
0xde: {  	[sflag:s10] =	ssyncset.done $0x0  }
0xdf: {  	[sflag:s10] =	ssyncadd.s32 $0xFFFF8000  }
0xe0: {  	[tilespmem:s14], [sflag:$0x2] =	stream.linear.gather [hbm4b:s15+s2], $0x8000, $0x38;
	[tilespmem:$0x18000] =	vst v63  }
0xe1: {  	_ =	swait.ge [sflag:s6], $0x8000  }
0xe2: {  	[sflag:s6] =	ssyncset.done $0x0  }
0xe3: {  	[sflag:s6] =	ssyncadd.s32 $0xFFFF8000  }
0xe4: {  	[tilespmem:v1+s2+$0x0] =	vst.idx.msk $0xffff, v0  }
0xe5: {  	[tilespmem:v2+s2+$0x0] =	vst.idx.msk $0xffff, v0  }
0xe6: {  	[tilespmem:v3+s2+$0x0] =	vst.idx.msk $0xffff, v0  }
0xe7: {  	[tilespmem:v4+s2+$0x0] =	vst.idx.msk $0xffff, v0  }
0xe8: {  	[tilespmem:v5+s2+$0x0] =	vst.idx.msk $0xffff, v0  }
0xe9: {  	[tilespmem:v6+s2+$0x0] =	vst.idx.msk $0xffff, v0  }
0xea: {  	[tilespmem:v7+s2+$0x0] =	vst.idx.msk $0xffff, v0  }
0xeb: {  	[tilespmem:v8+s2+$0x0] =	vst.idx.msk $0xffff, v0  }
0xec: {  	[hbm4b:s12+s2] =	stream.linear.scatter [tilespmem:s2], [sflag:$0x4], $0x8000, $0x38;
	[tilespmem:$0x18000] =	vst v63  }
0xed: {  	_ =	swait.ge [sflag:s8], $0x8000  }
0xee: {  	[sflag:s8] =	ssyncset.done $0x0  }
0xef: {  	[sflag:s8] =	ssyncadd.s32 $0xFFFF8000  }
0xf0: {  	[tilespmem:s11], [sflag:$0x3] =	stream.linear.gather [hbm4b:s13+s2], $0x8000, $0x38;
	[tilespmem:$0x18000] =	vst v63  }
0xf1: {  	_ =	swait.ge [sflag:s20], $0x8000  }
0xf2: {  	[sflag:s20] =	ssyncset.done $0x0  }
0xf3: {  	[sflag:s20] =	ssyncadd.s32 $0xFFFF8000  }
0xf4: {  	[tilespmem:v11+s2+$0x0] =	vst.idx.msk $0xffff, v0  }
0xf5: {  	[tilespmem:v15+s2+$0x0] =	vst.idx.msk $0xffff, v0  }
0xf6: {  	[tilespmem:v16+s2+$0x0] =	vst.idx.msk $0xffff, v0  }
0xf7: {  	[tilespmem:v17+s2+$0x0] =	vst.idx.msk $0xffff, v0  }
0xf8: {  	[tilespmem:v21+s2+$0x0] =	vst.idx.msk $0xffff, v0  }
0xf9: {  	[tilespmem:v22+s2+$0x0] =	vst.idx.msk $0xffff, v0  }
0xfa: {  	[tilespmem:v23+s2+$0x0] =	vst.idx.msk $0xffff, v0  }
0xfb: {  	[tilespmem:v24+s2+$0x0] =	vst.idx.msk $0xffff, v0  }
0xfc: {  	[hbm4b:s9+s2] =	stream.linear.scatter [tilespmem:s14], [sflag:$0x5], $0x8000, $0x38;
	[tilespmem:$0x18000] =	vst v63  }
0xfd: {  	_ =	swait.ge [sflag:s5], $0x8000  }
0xfe: {  	[sflag:s5] =	ssyncset.done $0x0  }
0xff: {  	[sflag:s5] =	ssyncadd.s32 $0xFFFF8000  }
0x100: {  	[tilespmem:s2], [sflag:$0x1] =	stream.linear.gather [hbm4b:s7+s2], $0x8000, $0x38;
	[tilespmem:$0x18000] =	vst v63  }
0x101: {  	_ =	swait.ge [sflag:s17], $0x8000  }
0x102: {  	[sflag:s17] =	ssyncset.done $0x0  }
0x103: {  	[sflag:s17] =	ssyncadd.s32 $0xFFFF8000  }
0x104: {  	[tilespmem:v9+s2+$0x0] =	vst.idx.msk $0xffff, v0  }
0x105: {  	[tilespmem:v10+s2+$0x0] =	vst.idx.msk $0xffff, v0  }
0x106: {  	[tilespmem:v12+s2+$0x0] =	vst.idx.msk $0xffff, v0  }
0x107: {  	[tilespmem:v13+s2+$0x0] =	vst.idx.msk $0xffff, v0  }
0x108: {  	[tilespmem:v14+s2+$0x0] =	vst.idx.msk $0xffff, v0  }
0x109: {  	[tilespmem:v18+s2+$0x0] =	vst.idx.msk $0xffff, v0  }
0x10a: {  	[tilespmem:v19+s2+$0x0] =	vst.idx.msk $0xffff, v0  }
0x10b: {  	[tilespmem:v20+s2+$0x0] =	vst.idx.msk $0xffff, v0  }
0x10c: {  	[hbm4b:s4+s2] =	stream.linear.scatter [tilespmem:s11], [sflag:$0x6], $0x8000, $0x38;
	[tilespmem:$0x18000] =	vst v63  }
0x10d: {  	_ =	swait.ge [sflag:s6], $0x8000  }
0x10e: {  	[sflag:s6] =	ssyncset.done $0x0  }
0x10f: {  	[sflag:s6] =	ssyncadd.s32 $0xFFFF8000  }
0x110: {  	[tilespmem:v1+s2+$0x0] =	vst.idx.msk $0xffff, v0  }
0x111: {  	[tilespmem:v2+s2+$0x0] =	vst.idx.msk $0xffff, v0  }
0x112: {  	[tilespmem:v3+s2+$0x0] =	vst.idx.msk $0xffff, v0  }
0x113: {  	[tilespmem:v4+s2+$0x0] =	vst.idx.msk $0xffff, v0  }
0x114: {  	[tilespmem:v5+s2+$0x0] =	vst.idx.msk $0xffff, v0  }
0x115: {  	[tilespmem:v6+s2+$0x0] =	vst.idx.msk $0xffff, v0  }
0x116: {  	[tilespmem:v7+s2+$0x0] =	vst.idx.msk $0xffff, v0  }
0x117: {  	[tilespmem:v8+s2+$0x0] =	vst.idx.msk $0xffff, v0  }
0x118: {  	[hbm4b:s3+s2] =	stream.linear.scatter [tilespmem:s2], [sflag:$0x4], $0x8000, $0x38;
	[tilespmem:$0x18000] =	vst v63  }
0x119: {  	_ =	swait.ge [sflag:s10], $0x8000  }
0x11a: {  	[sflag:s10] =	ssyncset.done $0x0  }
0x11b: {  	[sflag:s10] =	ssyncadd.s32 $0xFFFF8000  }
0x11c: {  	_ =	swait.ge [sflag:s8], $0x8000  }
0x11d: {  	s1 =	rddreg [dreg:$0xf]  }
0x11e: {  	p1 =	sne.s32 s1, $0x1  }
.Ltmp1:
0x11f: {  	_ = 	snop;
	(pc) =	sbr.rel @!p1 .LBB2_3-.Ltmp1, $4  }
0x120: {  	[sflag:s8] =	ssyncset.done $0x0  }
0x121: {  	[sflag:s8] =	ssyncadd.s32 $0xFFFF8000  }
0x122: {  	p0 =	por $0x1, $0x1;
	_ =	swait.ge [sflag:s5], $0x8000  }
0x123: {  	s0 =	sadd.s32 $0xFFFFFFFF, s1;
	s1 =	rddreg [dreg:$0x3];
	[sflag:s5] =	ssyncset.done $0x0  }
.LBB2_2:
0x124: {  	[sflag:s5] =	ssyncadd.s32 $0xFFFF8000;
	s8 =	simm.s32 $0x8000  }
0x125: {  	s11 =	smov.u32 s31;
	s31 =	smov.u32 s30;
	s30 =	smov.u32 s29  }
0x126: {  	s29 =	smov.u32 s28;
	s28 =	smov.u32 s26;
	s26 =	smov.u32 s25  }
0x127: {  	s25 =	smov.u32 s24;
	s24 =	smov.u32 s23;
	s23 =	smov.u32 s22  }
0x128: {  	s22 =	smov.u32 s21;
	s21 =	smov.u32 s19;
	s19 =	smov.u32 s18  }
0x129: {  	s18 =	smov.u32 s16;
	s16 =	smov.u32 s15;
	s15 =	smov.u32 s13  }
0x12a: {  	s13 =	smov.u32 s12;
	s12 =	smov.u32 s9;
	s9 =	smov.u32 s7  }
0x12b: {  	[tilespmem:s2], [sflag:$0x1] =	stream.linear.gather [hbm4b:s1+s2], $0x8000, $0x38;
	[tilespmem:$0x18000] =	vst v63  }
0x12c: {  	s7 =	smov.u32 s4;
	s4 =	smov.u32 s3;
	s3 =	rddreg [dreg:$0x4]  }
0x12d: {  	[tilespmem:s8], [sflag:$0x2] =	stream.linear.gather [hbm4b:s3+s2], $0x8000, $0x38;
	[tilespmem:$0x18000] =	vst v63  }
0x12e: {  	_ =	swait.ge [sflag:s6], $0x8000  }
0x12f: {  	[sflag:s6] =	ssyncset.done $0x0  }
0x130: {  	[sflag:s6] =	ssyncadd.s32 $0xFFFF8000  }
0x131: {  	[tilespmem:v1+s2+$0x0] =	vst.idx.msk $0xffff, v0  }
0x132: {  	[tilespmem:v2+s2+$0x0] =	vst.idx.msk $0xffff, v0  }
0x133: {  	[tilespmem:v3+s2+$0x0] =	vst.idx.msk $0xffff, v0  }
0x134: {  	[tilespmem:v4+s2+$0x0] =	vst.idx.msk $0xffff, v0  }
0x135: {  	[tilespmem:v5+s2+$0x0] =	vst.idx.msk $0xffff, v0  }
0x136: {  	[tilespmem:v6+s2+$0x0] =	vst.idx.msk $0xffff, v0  }
0x137: {  	[tilespmem:v7+s2+$0x0] =	vst.idx.msk $0xffff, v0  }
0x138: {  	s1 =	rddreg [dreg:$0x5];
	[tilespmem:v8+s2+$0x0] =	vst.idx.msk $0xffff, v0  }
0x139: {  	[hbm4b:s1+s2] =	stream.linear.scatter [tilespmem:s2], [sflag:$0x4], $0x8000, $0x38;
	[tilespmem:$0x18000] =	vst v63  }
0x13a: {  	s14 =	simm.s32 $0x10000;
	s3 =	rddreg [dreg:$0x6]  }
0x13b: {  	[tilespmem:s14], [sflag:$0x3] =	stream.linear.gather [hbm4b:s3+s2], $0x8000, $0x38;
	[tilespmem:$0x18000] =	vst v63  }
0x13c: {  	_ =	swait.ge [sflag:s20], $0x8000  }
0x13d: {  	[sflag:s20] =	ssyncset.done $0x0  }
0x13e: {  	[sflag:s20] =	ssyncadd.s32 $0xFFFF8000  }
0x13f: {  	[tilespmem:v11+s2+$0x0] =	vst.idx.msk $0xffff, v0  }
0x140: {  	[tilespmem:v15+s2+$0x0] =	vst.idx.msk $0xffff, v0  }
0x141: {  	[tilespmem:v16+s2+$0x0] =	vst.idx.msk $0xffff, v0  }
0x142: {  	[tilespmem:v17+s2+$0x0] =	vst.idx.msk $0xffff, v0  }
0x143: {  	[tilespmem:v21+s2+$0x0] =	vst.idx.msk $0xffff, v0  }
0x144: {  	[tilespmem:v22+s2+$0x0] =	vst.idx.msk $0xffff, v0  }
0x145: {  	[tilespmem:v23+s2+$0x0] =	vst.idx.msk $0xffff, v0  }
0x146: {  	s14 =	simm.s32 $0x8000;
	s1 =	rddreg [dreg:$0x7];
	[tilespmem:v24+s2+$0x0] =	vst.idx.msk $0xffff, v0  }
0x147: {  	[hbm4b:s1+s2] =	stream.linear.scatter [tilespmem:s14], [sflag:$0x5], $0x8000, $0x38;
	[tilespmem:$0x18000] =	vst v63  }
0x148: {  	_ =	swait.ge [sflag:s5], $0x8000  }
0x149: {  	[sflag:s5] =	ssyncset.done $0x0  }
0x14a: {  	s1 =	rddreg [dreg:$0x8];
	[sflag:s5] =	ssyncadd.s32 $0xFFFF8000  }
0x14b: {  	[tilespmem:s2], [sflag:$0x1] =	stream.linear.gather [hbm4b:s1+s2], $0x8000, $0x38;
	[tilespmem:$0x18000] =	vst v63  }
0x14c: {  	_ =	swait.ge [sflag:s17], $0x8000  }
0x14d: {  	[sflag:s17] =	ssyncset.done $0x0  }
0x14e: {  	[sflag:s17] =	ssyncadd.s32 $0xFFFF8000  }
0x14f: {  	s3 =	smov.u32 s4;
	[tilespmem:v9+s2+$0x0] =	vst.idx.msk $0xffff, v0  }
0x150: {  	s4 =	smov.u32 s7;
	s7 =	smov.u32 s9;
	s9 =	smov.u32 s12;
	[tilespmem:v10+s2+$0x0] =	vst.idx.msk $0xffff, v0  }
0x151: {  	s12 =	smov.u32 s13;
	s13 =	smov.u32 s15;
	s15 =	smov.u32 s16;
	[tilespmem:v12+s2+$0x0] =	vst.idx.msk $0xffff, v0  }
0x152: {  	s16 =	smov.u32 s18;
	s18 =	smov.u32 s19;
	s19 =	smov.u32 s21;
	[tilespmem:v13+s2+$0x0] =	vst.idx.msk $0xffff, v0  }
0x153: {  	s21 =	smov.u32 s22;
	s22 =	smov.u32 s23;
	s23 =	smov.u32 s24;
	[tilespmem:v14+s2+$0x0] =	vst.idx.msk $0xffff, v0  }
0x154: {  	s24 =	smov.u32 s25;
	s25 =	smov.u32 s26;
	s26 =	smov.u32 s28;
	[tilespmem:v18+s2+$0x0] =	vst.idx.msk $0xffff, v0  }
0x155: {  	s28 =	smov.u32 s29;
	s29 =	smov.u32 s30;
	s30 =	smov.u32 s31;
	[tilespmem:v19+s2+$0x0] =	vst.idx.msk $0xffff, v0  }
0x156: {  	s31 =	smov.u32 s11;
	s11 =	simm.s32 $0x10000;
	s1 =	rddreg [dreg:$0x9];
	[tilespmem:v20+s2+$0x0] =	vst.idx.msk $0xffff, v0  }
0x157: {  	[hbm4b:s1+s2] =	stream.linear.scatter [tilespmem:s11], [sflag:$0x6], $0x8000, $0x38;
	[tilespmem:$0x18000] =	vst v63  }
0x158: {  	_ =	swait.ge [sflag:s10], $0x8000  }
0x159: {  	[sflag:s10] =	ssyncset.done $0x0  }
0x15a: {  	s1 =	rddreg [dreg:$0xa];
	[sflag:s10] =	ssyncadd.s32 $0xFFFF8000  }
0x15b: {  	[tilespmem:s14], [sflag:$0x2] =	stream.linear.gather [hbm4b:s1+s2], $0x8000, $0x38;
	[tilespmem:$0x18000] =	vst v63  }
0x15c: {  	_ =	swait.ge [sflag:s6], $0x8000  }
0x15d: {  	[sflag:s6] =	ssyncset.done $0x0  }
0x15e: {  	[sflag:s6] =	ssyncadd.s32 $0xFFFF8000  }
0x15f: {  	[tilespmem:v1+s2+$0x0] =	vst.idx.msk $0xffff, v0  }
0x160: {  	[tilespmem:v2+s2+$0x0] =	vst.idx.msk $0xffff, v0  }
0x161: {  	[tilespmem:v3+s2+$0x0] =	vst.idx.msk $0xffff, v0  }
0x162: {  	[tilespmem:v4+s2+$0x0] =	vst.idx.msk $0xffff, v0  }
0x163: {  	[tilespmem:v5+s2+$0x0] =	vst.idx.msk $0xffff, v0  }
0x164: {  	[tilespmem:v6+s2+$0x0] =	vst.idx.msk $0xffff, v0  }
0x165: {  	[tilespmem:v7+s2+$0x0] =	vst.idx.msk $0xffff, v0  }
0x166: {  	s8 =	simm.s32 $0x6;
	s1 =	rddreg [dreg:$0xb];
	[tilespmem:v8+s2+$0x0] =	vst.idx.msk $0xffff, v0  }
0x167: {  	[hbm4b:s1+s2] =	stream.linear.scatter [tilespmem:s2], [sflag:$0x4], $0x8000, $0x38;
	[tilespmem:$0x18000] =	vst v63  }
0x168: {  	_ =	swait.ge [sflag:s8], $0x8000  }
0x169: {  	[sflag:s8] =	ssyncset.done $0x0  }
0x16a: {  	s1 =	rddreg [dreg:$0xc];
	[sflag:s8] =	ssyncadd.s32 $0xFFFF8000  }
0x16b: {  	[tilespmem:s11], [sflag:$0x3] =	stream.linear.gather [hbm4b:s1+s2], $0x8000, $0x38;
	[tilespmem:$0x18000] =	vst v63  }
0x16c: {  	_ =	swait.ge [sflag:s20], $0x8000  }
0x16d: {  	[sflag:s20] =	ssyncset.done $0x0  }
0x16e: {  	[sflag:s20] =	ssyncadd.s32 $0xFFFF8000  }
0x16f: {  	[tilespmem:v11+s2+$0x0] =	vst.idx.msk $0xffff, v0  }
0x170: {  	[tilespmem:v15+s2+$0x0] =	vst.idx.msk $0xffff, v0  }
0x171: {  	[tilespmem:v16+s2+$0x0] =	vst.idx.msk $0xffff, v0  }
0x172: {  	[tilespmem:v17+s2+$0x0] =	vst.idx.msk $0xffff, v0  }
0x173: {  	[tilespmem:v21+s2+$0x0] =	vst.idx.msk $0xffff, v0  }
0x174: {  	[tilespmem:v22+s2+$0x0] =	vst.idx.msk $0xffff, v0  }
0x175: {  	[tilespmem:v23+s2+$0x0] =	vst.idx.msk $0xffff, v0  }
0x176: {  	s1 =	rddreg [dreg:$0xd];
	[tilespmem:v24+s2+$0x0] =	vst.idx.msk $0xffff, v0  }
0x177: {  	[hbm4b:s1+s2] =	stream.linear.scatter [tilespmem:s14], [sflag:$0x5], $0x8000, $0x38;
	[tilespmem:$0x18000] =	vst v63  }
0x178: {  	_ =	swait.ge [sflag:s5], $0x8000  }
0x179: {  	[sflag:s5] =	ssyncset.done $0x0  }
0x17a: {  	s1 =	rddreg [dreg:$0xe];
	[sflag:s5] =	ssyncadd.s32 $0xFFFF8000  }
0x17b: {  	[tilespmem:s2], [sflag:$0x1] =	stream.linear.gather [hbm4b:s1+s2], $0x8000, $0x38;
	[tilespmem:$0x18000] =	vst v63  }
0x17c: {  	_ =	swait.ge [sflag:s17], $0x8000  }
0x17d: {  	[sflag:s17] =	ssyncset.done $0x0  }
0x17e: {  	[sflag:s17] =	ssyncadd.s32 $0xFFFF8000  }
0x17f: {  	[tilespmem:v9+s2+$0x0] =	vst.idx.msk $0xffff, v0  }
0x180: {  	[tilespmem:v10+s2+$0x0] =	vst.idx.msk $0xffff, v0  }
0x181: {  	[tilespmem:v12+s2+$0x0] =	vst.idx.msk $0xffff, v0  }
0x182: {  	[tilespmem:v13+s2+$0x0] =	vst.idx.msk $0xffff, v0  }
0x183: {  	[tilespmem:v14+s2+$0x0] =	vst.idx.msk $0xffff, v0  }
0x184: {  	[tilespmem:v18+s2+$0x0] =	vst.idx.msk $0xffff, v0  }
0x185: {  	[tilespmem:v19+s2+$0x0] =	vst.idx.msk $0xffff, v0  }
0x186: {  	[tilespmem:v20+s2+$0x0] =	vst.idx.msk $0xffff, v0  }
0x187: {  	[hbm4b:s31+s2] =	stream.linear.scatter [tilespmem:s11], [sflag:$0x6], $0x8000, $0x38;
	[tilespmem:$0x18000] =	vst v63  }
0x188: {  	_ =	swait.ge [sflag:s10], $0x8000  }
0x189: {  	[sflag:s10] =	ssyncset.done $0x0  }
0x18a: {  	[sflag:s10] =	ssyncadd.s32 $0xFFFF8000  }
0x18b: {  	[tilespmem:s14], [sflag:$0x2] =	stream.linear.gather [hbm4b:s30+s2], $0x8000, $0x38;
	[tilespmem:$0x18000] =	vst v63  }
0x18c: {  	_ =	swait.ge [sflag:s6], $0x8000  }
0x18d: {  	[sflag:s6] =	ssyncset.done $0x0  }
0x18e: {  	[sflag:s6] =	ssyncadd.s32 $0xFFFF8000  }
0x18f: {  	[tilespmem:v1+s2+$0x0] =	vst.idx.msk $0xffff, v0  }
0x190: {  	[tilespmem:v2+s2+$0x0] =	vst.idx.msk $0xffff, v0  }
0x191: {  	[tilespmem:v3+s2+$0x0] =	vst.idx.msk $0xffff, v0  }
0x192: {  	[tilespmem:v4+s2+$0x0] =	vst.idx.msk $0xffff, v0  }
0x193: {  	[tilespmem:v5+s2+$0x0] =	vst.idx.msk $0xffff, v0  }
0x194: {  	[tilespmem:v6+s2+$0x0] =	vst.idx.msk $0xffff, v0  }
0x195: {  	[tilespmem:v7+s2+$0x0] =	vst.idx.msk $0xffff, v0  }
0x196: {  	[tilespmem:v8+s2+$0x0] =	vst.idx.msk $0xffff, v0  }
0x197: {  	[hbm4b:s29+s2] =	stream.linear.scatter [tilespmem:s2], [sflag:$0x4], $0x8000, $0x38;
	[tilespmem:$0x18000] =	vst v63  }
0x198: {  	_ =	swait.ge [sflag:s8], $0x8000  }
0x199: {  	[sflag:s8] =	ssyncset.done $0x0  }
0x19a: {  	[sflag:s8] =	ssyncadd.s32 $0xFFFF8000  }
0x19b: {  	[tilespmem:s11], [sflag:$0x3] =	stream.linear.gather [hbm4b:s28+s2], $0x8000, $0x38;
	[tilespmem:$0x18000] =	vst v63  }
0x19c: {  	_ =	swait.ge [sflag:s20], $0x8000  }
0x19d: {  	[sflag:s20] =	ssyncset.done $0x0  }
0x19e: {  	[sflag:s20] =	ssyncadd.s32 $0xFFFF8000  }
0x19f: {  	[tilespmem:v11+s2+$0x0] =	vst.idx.msk $0xffff, v0  }
0x1a0: {  	[tilespmem:v15+s2+$0x0] =	vst.idx.msk $0xffff, v0  }
0x1a1: {  	[tilespmem:v16+s2+$0x0] =	vst.idx.msk $0xffff, v0  }
0x1a2: {  	[tilespmem:v17+s2+$0x0] =	vst.idx.msk $0xffff, v0  }
0x1a3: {  	[tilespmem:v21+s2+$0x0] =	vst.idx.msk $0xffff, v0  }
0x1a4: {  	[tilespmem:v22+s2+$0x0] =	vst.idx.msk $0xffff, v0  }
0x1a5: {  	[tilespmem:v23+s2+$0x0] =	vst.idx.msk $0xffff, v0  }
0x1a6: {  	[tilespmem:v24+s2+$0x0] =	vst.idx.msk $0xffff, v0  }
0x1a7: {  	[hbm4b:s26+s2] =	stream.linear.scatter [tilespmem:s14], [sflag:$0x5], $0x8000, $0x38;
	[tilespmem:$0x18000] =	vst v63  }
0x1a8: {  	_ =	swait.ge [sflag:s5], $0x8000  }
0x1a9: {  	[sflag:s5] =	ssyncset.done $0x0  }
0x1aa: {  	[sflag:s5] =	ssyncadd.s32 $0xFFFF8000  }
0x1ab: {  	[tilespmem:s2], [sflag:$0x1] =	stream.linear.gather [hbm4b:s25+s2], $0x8000, $0x38;
	[tilespmem:$0x18000] =	vst v63  }
0x1ac: {  	_ =	swait.ge [sflag:s17], $0x8000  }
0x1ad: {  	[sflag:s17] =	ssyncset.done $0x0  }
0x1ae: {  	[sflag:s17] =	ssyncadd.s32 $0xFFFF8000  }
0x1af: {  	[tilespmem:v9+s2+$0x0] =	vst.idx.msk $0xffff, v0  }
0x1b0: {  	[tilespmem:v10+s2+$0x0] =	vst.idx.msk $0xffff, v0  }
0x1b1: {  	[tilespmem:v12+s2+$0x0] =	vst.idx.msk $0xffff, v0  }
0x1b2: {  	[tilespmem:v13+s2+$0x0] =	vst.idx.msk $0xffff, v0  }
0x1b3: {  	[tilespmem:v14+s2+$0x0] =	vst.idx.msk $0xffff, v0  }
0x1b4: {  	[tilespmem:v18+s2+$0x0] =	vst.idx.msk $0xffff, v0  }
0x1b5: {  	[tilespmem:v19+s2+$0x0] =	vst.idx.msk $0xffff, v0  }
0x1b6: {  	[tilespmem:v20+s2+$0x0] =	vst.idx.msk $0xffff, v0  }
0x1b7: {  	[hbm4b:s23+s2] =	stream.linear.scatter [tilespmem:s11], [sflag:$0x6], $0x8000, $0x38;
	[tilespmem:$0x18000] =	vst v63  }
0x1b8: {  	_ =	swait.ge [sflag:s10], $0x8000  }
0x1b9: {  	[sflag:s10] =	ssyncset.done $0x0  }
0x1ba: {  	[sflag:s10] =	ssyncadd.s32 $0xFFFF8000  }
0x1bb: {  	[tilespmem:s14], [sflag:$0x2] =	stream.linear.gather [hbm4b:s24+s2], $0x8000, $0x38;
	[tilespmem:$0x18000] =	vst v63  }
0x1bc: {  	_ =	swait.ge [sflag:s6], $0x8000  }
0x1bd: {  	[sflag:s6] =	ssyncset.done $0x0  }
0x1be: {  	[sflag:s6] =	ssyncadd.s32 $0xFFFF8000  }
0x1bf: {  	[tilespmem:v1+s2+$0x0] =	vst.idx.msk $0xffff, v0  }
0x1c0: {  	[tilespmem:v2+s2+$0x0] =	vst.idx.msk $0xffff, v0  }
0x1c1: {  	[tilespmem:v3+s2+$0x0] =	vst.idx.msk $0xffff, v0  }
0x1c2: {  	[tilespmem:v4+s2+$0x0] =	vst.idx.msk $0xffff, v0  }
0x1c3: {  	[tilespmem:v5+s2+$0x0] =	vst.idx.msk $0xffff, v0  }
0x1c4: {  	[tilespmem:v6+s2+$0x0] =	vst.idx.msk $0xffff, v0  }
0x1c5: {  	[tilespmem:v7+s2+$0x0] =	vst.idx.msk $0xffff, v0  }
0x1c6: {  	[tilespmem:v8+s2+$0x0] =	vst.idx.msk $0xffff, v0  }
0x1c7: {  	[hbm4b:s22+s2] =	stream.linear.scatter [tilespmem:s2], [sflag:$0x4], $0x8000, $0x38;
	[tilespmem:$0x18000] =	vst v63  }
0x1c8: {  	_ =	swait.ge [sflag:s8], $0x8000  }
0x1c9: {  	[sflag:s8] =	ssyncset.done $0x0  }
0x1ca: {  	[sflag:s8] =	ssyncadd.s32 $0xFFFF8000  }
0x1cb: {  	[tilespmem:s11], [sflag:$0x3] =	stream.linear.gather [hbm4b:s21+s2], $0x8000, $0x38;
	[tilespmem:$0x18000] =	vst v63  }
0x1cc: {  	_ =	swait.ge [sflag:s20], $0x8000  }
0x1cd: {  	[sflag:s20] =	ssyncset.done $0x0  }
0x1ce: {  	[sflag:s20] =	ssyncadd.s32 $0xFFFF8000  }
0x1cf: {  	[tilespmem:v11+s2+$0x0] =	vst.idx.msk $0xffff, v0  }
0x1d0: {  	[tilespmem:v15+s2+$0x0] =	vst.idx.msk $0xffff, v0  }
0x1d1: {  	[tilespmem:v16+s2+$0x0] =	vst.idx.msk $0xffff, v0  }
0x1d2: {  	[tilespmem:v17+s2+$0x0] =	vst.idx.msk $0xffff, v0  }
0x1d3: {  	[tilespmem:v21+s2+$0x0] =	vst.idx.msk $0xffff, v0  }
0x1d4: {  	[tilespmem:v22+s2+$0x0] =	vst.idx.msk $0xffff, v0  }
0x1d5: {  	[tilespmem:v23+s2+$0x0] =	vst.idx.msk $0xffff, v0  }
0x1d6: {  	[tilespmem:v24+s2+$0x0] =	vst.idx.msk $0xffff, v0  }
0x1d7: {  	[hbm4b:s18+s2] =	stream.linear.scatter [tilespmem:s14], [sflag:$0x5], $0x8000, $0x38;
	[tilespmem:$0x18000] =	vst v63  }
0x1d8: {  	_ =	swait.ge [sflag:s5], $0x8000  }
0x1d9: {  	[sflag:s5] =	ssyncset.done $0x0  }
0x1da: {  	[sflag:s5] =	ssyncadd.s32 $0xFFFF8000  }
0x1db: {  	[tilespmem:s2], [sflag:$0x1] =	stream.linear.gather [hbm4b:s19+s2], $0x8000, $0x38;
	[tilespmem:$0x18000] =	vst v63  }
0x1dc: {  	_ =	swait.ge [sflag:s17], $0x8000  }
0x1dd: {  	[sflag:s17] =	ssyncset.done $0x0  }
0x1de: {  	[sflag:s17] =	ssyncadd.s32 $0xFFFF8000  }
0x1df: {  	[tilespmem:v9+s2+$0x0] =	vst.idx.msk $0xffff, v0  }
0x1e0: {  	[tilespmem:v10+s2+$0x0] =	vst.idx.msk $0xffff, v0  }
0x1e1: {  	[tilespmem:v12+s2+$0x0] =	vst.idx.msk $0xffff, v0  }
0x1e2: {  	[tilespmem:v13+s2+$0x0] =	vst.idx.msk $0xffff, v0  }
0x1e3: {  	[tilespmem:v14+s2+$0x0] =	vst.idx.msk $0xffff, v0  }
0x1e4: {  	[tilespmem:v18+s2+$0x0] =	vst.idx.msk $0xffff, v0  }
0x1e5: {  	[tilespmem:v19+s2+$0x0] =	vst.idx.msk $0xffff, v0  }
0x1e6: {  	[tilespmem:v20+s2+$0x0] =	vst.idx.msk $0xffff, v0  }
0x1e7: {  	[hbm4b:s16+s2] =	stream.linear.scatter [tilespmem:s11], [sflag:$0x6], $0x8000, $0x38;
	[tilespmem:$0x18000] =	vst v63  }
0x1e8: {  	_ =	swait.ge [sflag:s10], $0x8000  }
0x1e9: {  	[sflag:s10] =	ssyncset.done $0x0  }
0x1ea: {  	[sflag:s10] =	ssyncadd.s32 $0xFFFF8000  }
0x1eb: {  	[tilespmem:s14], [sflag:$0x2] =	stream.linear.gather [hbm4b:s15+s2], $0x8000, $0x38;
	[tilespmem:$0x18000] =	vst v63  }
0x1ec: {  	_ =	swait.ge [sflag:s6], $0x8000  }
0x1ed: {  	[sflag:s6] =	ssyncset.done $0x0  }
0x1ee: {  	[sflag:s6] =	ssyncadd.s32 $0xFFFF8000  }
0x1ef: {  	[tilespmem:v1+s2+$0x0] =	vst.idx.msk $0xffff, v0  }
0x1f0: {  	[tilespmem:v2+s2+$0x0] =	vst.idx.msk $0xffff, v0  }
0x1f1: {  	[tilespmem:v3+s2+$0x0] =	vst.idx.msk $0xffff, v0  }
0x1f2: {  	[tilespmem:v4+s2+$0x0] =	vst.idx.msk $0xffff, v0  }
0x1f3: {  	[tilespmem:v5+s2+$0x0] =	vst.idx.msk $0xffff, v0  }
0x1f4: {  	[tilespmem:v6+s2+$0x0] =	vst.idx.msk $0xffff, v0  }
0x1f5: {  	[tilespmem:v7+s2+$0x0] =	vst.idx.msk $0xffff, v0  }
0x1f6: {  	[tilespmem:v8+s2+$0x0] =	vst.idx.msk $0xffff, v0  }
0x1f7: {  	[hbm4b:s12+s2] =	stream.linear.scatter [tilespmem:s2], [sflag:$0x4], $0x8000, $0x38;
	[tilespmem:$0x18000] =	vst v63  }
0x1f8: {  	_ =	swait.ge [sflag:s8], $0x8000  }
0x1f9: {  	[sflag:s8] =	ssyncset.done $0x0  }
0x1fa: {  	[sflag:s8] =	ssyncadd.s32 $0xFFFF8000  }
0x1fb: {  	[tilespmem:s11], [sflag:$0x3] =	stream.linear.gather [hbm4b:s13+s2], $0x8000, $0x38;
	[tilespmem:$0x18000] =	vst v63  }
0x1fc: {  	_ =	swait.ge [sflag:s20], $0x8000  }
0x1fd: {  	[sflag:s20] =	ssyncset.done $0x0  }
0x1fe: {  	[sflag:s20] =	ssyncadd.s32 $0xFFFF8000  }
0x1ff: {  	[tilespmem:v11+s2+$0x0] =	vst.idx.msk $0xffff, v0  }
0x200: {  	[tilespmem:v15+s2+$0x0] =	vst.idx.msk $0xffff, v0  }
0x201: {  	[tilespmem:v16+s2+$0x0] =	vst.idx.msk $0xffff, v0  }
0x202: {  	[tilespmem:v17+s2+$0x0] =	vst.idx.msk $0xffff, v0  }
0x203: {  	[tilespmem:v21+s2+$0x0] =	vst.idx.msk $0xffff, v0  }
0x204: {  	[tilespmem:v22+s2+$0x0] =	vst.idx.msk $0xffff, v0  }
0x205: {  	[tilespmem:v23+s2+$0x0] =	vst.idx.msk $0xffff, v0  }
0x206: {  	[tilespmem:v24+s2+$0x0] =	vst.idx.msk $0xffff, v0  }
0x207: {  	[hbm4b:s9+s2] =	stream.linear.scatter [tilespmem:s14], [sflag:$0x5], $0x8000, $0x38;
	[tilespmem:$0x18000] =	vst v63  }
0x208: {  	_ =	swait.ge [sflag:s5], $0x8000  }
0x209: {  	[sflag:s5] =	ssyncset.done $0x0  }
0x20a: {  	[sflag:s5] =	ssyncadd.s32 $0xFFFF8000  }
0x20b: {  	[tilespmem:s2], [sflag:$0x1] =	stream.linear.gather [hbm4b:s7+s2], $0x8000, $0x38;
	[tilespmem:$0x18000] =	vst v63  }
0x20c: {  	_ =	swait.ge [sflag:s17], $0x8000  }
0x20d: {  	[sflag:s17] =	ssyncset.done $0x0  }
0x20e: {  	[sflag:s17] =	ssyncadd.s32 $0xFFFF8000  }
0x20f: {  	[tilespmem:v9+s2+$0x0] =	vst.idx.msk $0xffff, v0  }
0x210: {  	[tilespmem:v10+s2+$0x0] =	vst.idx.msk $0xffff, v0  }
0x211: {  	[tilespmem:v12+s2+$0x0] =	vst.idx.msk $0xffff, v0  }
0x212: {  	[tilespmem:v13+s2+$0x0] =	vst.idx.msk $0xffff, v0  }
0x213: {  	[tilespmem:v14+s2+$0x0] =	vst.idx.msk $0xffff, v0  }
0x214: {  	[tilespmem:v18+s2+$0x0] =	vst.idx.msk $0xffff, v0  }
0x215: {  	[tilespmem:v19+s2+$0x0] =	vst.idx.msk $0xffff, v0  }
0x216: {  	[tilespmem:v20+s2+$0x0] =	vst.idx.msk $0xffff, v0  }
0x217: {  	[hbm4b:s4+s2] =	stream.linear.scatter [tilespmem:s11], [sflag:$0x6], $0x8000, $0x38;
	[tilespmem:$0x18000] =	vst v63  }
0x218: {  	_ =	swait.ge [sflag:s6], $0x8000  }
0x219: {  	[sflag:s6] =	ssyncset.done $0x0  }
0x21a: {  	[sflag:s6] =	ssyncadd.s32 $0xFFFF8000  }
0x21b: {  	[tilespmem:v1+s2+$0x0] =	vst.idx.msk $0xffff, v0  }
0x21c: {  	[tilespmem:v2+s2+$0x0] =	vst.idx.msk $0xffff, v0  }
0x21d: {  	[tilespmem:v3+s2+$0x0] =	vst.idx.msk $0xffff, v0  }
0x21e: {  	[tilespmem:v4+s2+$0x0] =	vst.idx.msk $0xffff, v0  }
0x21f: {  	[tilespmem:v5+s2+$0x0] =	vst.idx.msk $0xffff, v0  }
0x220: {  	[tilespmem:v6+s2+$0x0] =	vst.idx.msk $0xffff, v0  }
0x221: {  	[tilespmem:v7+s2+$0x0] =	vst.idx.msk $0xffff, v0  }
0x222: {  	[tilespmem:v8+s2+$0x0] =	vst.idx.msk $0xffff, v0  }
0x223: {  	[hbm4b:s3+s2] =	stream.linear.scatter [tilespmem:s2], [sflag:$0x4], $0x8000, $0x38;
	[tilespmem:$0x18000] =	vst v63  }
0x224: {  	_ =	swait.ge [sflag:s10], $0x8000  }
0x225: {  	[sflag:s10] =	ssyncset.done $0x0  }
0x226: {  	p1 =	sne.s32 s0, $0x1;
	[sflag:s10] =	ssyncadd.s32 $0xFFFF8000  }
.Ltmp2:
0x227: {  	_ =	swait.ge [sflag:s8], $0x8000;
	(pc) =	sbr.rel @p1 .LBB2_2-.Ltmp2, $4  }
0x228: {  	[sflag:s8] =	ssyncset.done $0x0  }
0x229: {  	[sflag:s8] =	ssyncadd.s32 $0xFFFF8000  }
0x22a: {  	_ =	swait.ge [sflag:s5], $0x8000  }
0x22b: {  	s0 =	sadd.s32 $0xFFFFFFFF, s0;
	s1 =	rddreg [dreg:$0x3];
	[sflag:s5] =	ssyncset.done $0x0  }
.LBB2_3:
0x22c: {  	[sflag:s5] =	ssyncadd.s32 @p0 $0xFFFF8000  }
0x22d: {  	[tilespmem:s2], [sflag:$0x1] =	stream.linear.gather [hbm4b:s1+s2], $0x8000, $0x38;
	[tilespmem:$0x18000] =	vst v63  }
0x22e: {  	s0 =	rddreg [dreg:$0x4]  }
0x22f: {  	[tilespmem:s14], [sflag:$0x2] =	stream.linear.gather [hbm4b:s0+s2], $0x8000, $0x38;
	[tilespmem:$0x18000] =	vst v63  }
0x230: {  	_ =	swait.ge [sflag:s6], $0x8000  }
0x231: {  	[sflag:s6] =	ssyncset.done $0x0  }
0x232: {  	[sflag:s6] =	ssyncadd.s32 $0xFFFF8000  }
0x233: {  	[tilespmem:v1+s2+$0x0] =	vst.idx.msk $0xffff, v0  }
0x234: {  	[tilespmem:v2+s2+$0x0] =	vst.idx.msk $0xffff, v0  }
0x235: {  	[tilespmem:v3+s2+$0x0] =	vst.idx.msk $0xffff, v0  }
0x236: {  	[tilespmem:v4+s2+$0x0] =	vst.idx.msk $0xffff, v0  }
0x237: {  	[tilespmem:v5+s2+$0x0] =	vst.idx.msk $0xffff, v0  }
0x238: {  	[tilespmem:v6+s2+$0x0] =	vst.idx.msk $0xffff, v0  }
0x239: {  	[tilespmem:v7+s2+$0x0] =	vst.idx.msk $0xffff, v0  }
0x23a: {  	s0 =	rddreg [dreg:$0x5];
	[tilespmem:v8+s2+$0x0] =	vst.idx.msk $0xffff, v0  }
0x23b: {  	[hbm4b:s0+s2] =	stream.linear.scatter [tilespmem:s2], [sflag:$0x4], $0x8000, $0x38;
	[tilespmem:$0x18000] =	vst v63  }
0x23c: {  	s1 =	rddreg [dreg:$0x6]  }
0x23d: {  	[tilespmem:s11], [sflag:$0x3] =	stream.linear.gather [hbm4b:s1+s2], $0x8000, $0x38;
	[tilespmem:$0x18000] =	vst v63  }
0x23e: {  	_ =	swait.ge [sflag:s20], $0x8000  }
0x23f: {  	[sflag:s20] =	ssyncset.done $0x0  }
0x240: {  	[sflag:s20] =	ssyncadd.s32 $0xFFFF8000  }
0x241: {  	[tilespmem:v11+s2+$0x0] =	vst.idx.msk $0xffff, v0  }
0x242: {  	[tilespmem:v15+s2+$0x0] =	vst.idx.msk $0xffff, v0  }
0x243: {  	[tilespmem:v16+s2+$0x0] =	vst.idx.msk $0xffff, v0  }
0x244: {  	[tilespmem:v17+s2+$0x0] =	vst.idx.msk $0xffff, v0  }
0x245: {  	[tilespmem:v21+s2+$0x0] =	vst.idx.msk $0xffff, v0  }
0x246: {  	[tilespmem:v22+s2+$0x0] =	vst.idx.msk $0xffff, v0  }
0x247: {  	[tilespmem:v23+s2+$0x0] =	vst.idx.msk $0xffff, v0  }
0x248: {  	s1 =	rddreg [dreg:$0x7];
	[tilespmem:v24+s2+$0x0] =	vst.idx.msk $0xffff, v0  }
0x249: {  	[hbm4b:s1+s2] =	stream.linear.scatter [tilespmem:s14], [sflag:$0x5], $0x8000, $0x38;
	[tilespmem:$0x18000] =	vst v63  }
0x24a: {  	_ =	swait.ge [sflag:s5], $0x8000  }
0x24b: {  	[sflag:s5] =	ssyncset.done $0x0  }
0x24c: {  	s1 =	rddreg [dreg:$0x8];
	[sflag:s5] =	ssyncadd.s32 $0xFFFF8000  }
0x24d: {  	[tilespmem:s2], [sflag:$0x1] =	stream.linear.gather [hbm4b:s1+s2], $0x8000, $0x38;
	[tilespmem:$0x18000] =	vst v63  }
0x24e: {  	_ =	swait.ge [sflag:s17], $0x8000  }
0x24f: {  	[sflag:s17] =	ssyncset.done $0x0  }
0x250: {  	[sflag:s17] =	ssyncadd.s32 $0xFFFF8000  }
0x251: {  	[tilespmem:v9+s2+$0x0] =	vst.idx.msk $0xffff, v0  }
0x252: {  	[tilespmem:v10+s2+$0x0] =	vst.idx.msk $0xffff, v0  }
0x253: {  	[tilespmem:v12+s2+$0x0] =	vst.idx.msk $0xffff, v0  }
0x254: {  	[tilespmem:v13+s2+$0x0] =	vst.idx.msk $0xffff, v0  }
0x255: {  	[tilespmem:v14+s2+$0x0] =	vst.idx.msk $0xffff, v0  }
0x256: {  	[tilespmem:v18+s2+$0x0] =	vst.idx.msk $0xffff, v0  }
0x257: {  	[tilespmem:v19+s2+$0x0] =	vst.idx.msk $0xffff, v0  }
0x258: {  	s1 =	rddreg [dreg:$0x9];
	[tilespmem:v20+s2+$0x0] =	vst.idx.msk $0xffff, v0  }
0x259: {  	[hbm4b:s1+s2] =	stream.linear.scatter [tilespmem:s11], [sflag:$0x6], $0x8000, $0x38;
	[tilespmem:$0x18000] =	vst v63  }
0x25a: {  	_ =	swait.ge [sflag:s10], $0x8000  }
0x25b: {  	[sflag:s10] =	ssyncset.done $0x0  }
0x25c: {  	s1 =	rddreg [dreg:$0xa];
	[sflag:s10] =	ssyncadd.s32 $0xFFFF8000  }
0x25d: {  	[tilespmem:s14], [sflag:$0x2] =	stream.linear.gather [hbm4b:s1+s2], $0x8000, $0x38;
	[tilespmem:$0x18000] =	vst v63  }
0x25e: {  	_ =	swait.ge [sflag:s6], $0x8000  }
0x25f: {  	[sflag:s6] =	ssyncset.done $0x0  }
0x260: {  	[sflag:s6] =	ssyncadd.s32 $0xFFFF8000  }
0x261: {  	[tilespmem:v1+s2+$0x0] =	vst.idx.msk $0xffff, v0  }
0x262: {  	[tilespmem:v2+s2+$0x0] =	vst.idx.msk $0xffff, v0  }
0x263: {  	[tilespmem:v3+s2+$0x0] =	vst.idx.msk $0xffff, v0  }
0x264: {  	[tilespmem:v4+s2+$0x0] =	vst.idx.msk $0xffff, v0  }
0x265: {  	[tilespmem:v5+s2+$0x0] =	vst.idx.msk $0xffff, v0  }
0x266: {  	[tilespmem:v6+s2+$0x0] =	vst.idx.msk $0xffff, v0  }
0x267: {  	[tilespmem:v7+s2+$0x0] =	vst.idx.msk $0xffff, v0  }
0x268: {  	s1 =	rddreg [dreg:$0xb];
	[tilespmem:v8+s2+$0x0] =	vst.idx.msk $0xffff, v0  }
0x269: {  	[hbm4b:s1+s2] =	stream.linear.scatter [tilespmem:s2], [sflag:$0x4], $0x8000, $0x38;
	[tilespmem:$0x18000] =	vst v63  }
0x26a: {  	_ =	swait.ge [sflag:s8], $0x8000  }
0x26b: {  	[sflag:s8] =	ssyncset.done $0x0  }
0x26c: {  	s1 =	rddreg [dreg:$0xc];
	[sflag:s8] =	ssyncadd.s32 $0xFFFF8000  }
0x26d: {  	[tilespmem:s11], [sflag:$0x3] =	stream.linear.gather [hbm4b:s1+s2], $0x8000, $0x38;
	[tilespmem:$0x18000] =	vst v63  }
0x26e: {  	_ =	swait.ge [sflag:s20], $0x8000  }
0x26f: {  	[sflag:s20] =	ssyncset.done $0x0  }
0x270: {  	[sflag:s20] =	ssyncadd.s32 $0xFFFF8000  }
0x271: {  	[tilespmem:v11+s2+$0x0] =	vst.idx.msk $0xffff, v0  }
0x272: {  	[tilespmem:v15+s2+$0x0] =	vst.idx.msk $0xffff, v0  }
0x273: {  	[tilespmem:v16+s2+$0x0] =	vst.idx.msk $0xffff, v0  }
0x274: {  	[tilespmem:v17+s2+$0x0] =	vst.idx.msk $0xffff, v0  }
0x275: {  	[tilespmem:v21+s2+$0x0] =	vst.idx.msk $0xffff, v0  }
0x276: {  	[tilespmem:v22+s2+$0x0] =	vst.idx.msk $0xffff, v0  }
0x277: {  	[tilespmem:v23+s2+$0x0] =	vst.idx.msk $0xffff, v0  }
0x278: {  	s1 =	rddreg [dreg:$0xd];
	[tilespmem:v24+s2+$0x0] =	vst.idx.msk $0xffff, v0  }
0x279: {  	[hbm4b:s1+s2] =	stream.linear.scatter [tilespmem:s14], [sflag:$0x5], $0x8000, $0x38;
	[tilespmem:$0x18000] =	vst v63  }
0x27a: {  	_ =	swait.ge [sflag:s5], $0x8000  }
0x27b: {  	[sflag:s5] =	ssyncset.done $0x0  }
0x27c: {  	s1 =	rddreg [dreg:$0xe];
	[sflag:s5] =	ssyncadd.s32 $0xFFFF8000  }
0x27d: {  	[tilespmem:s2], [sflag:$0x1] =	stream.linear.gather [hbm4b:s1+s2], $0x8000, $0x38;
	[tilespmem:$0x18000] =	vst v63  }
0x27e: {  	_ =	swait.ge [sflag:s17], $0x8000  }
0x27f: {  	[sflag:s17] =	ssyncset.done $0x0  }
0x280: {  	[sflag:s17] =	ssyncadd.s32 $0xFFFF8000  }
0x281: {  	[tilespmem:v9+s2+$0x0] =	vst.idx.msk $0xffff, v0  }
0x282: {  	[tilespmem:v10+s2+$0x0] =	vst.idx.msk $0xffff, v0  }
0x283: {  	[tilespmem:v12+s2+$0x0] =	vst.idx.msk $0xffff, v0  }
0x284: {  	[tilespmem:v13+s2+$0x0] =	vst.idx.msk $0xffff, v0  }
0x285: {  	[tilespmem:v14+s2+$0x0] =	vst.idx.msk $0xffff, v0  }
0x286: {  	[tilespmem:v18+s2+$0x0] =	vst.idx.msk $0xffff, v0  }
0x287: {  	[tilespmem:v19+s2+$0x0] =	vst.idx.msk $0xffff, v0  }
0x288: {  	[tilespmem:v20+s2+$0x0] =	vst.idx.msk $0xffff, v0  }
0x289: {  	[hbm4b:s31+s2] =	stream.linear.scatter [tilespmem:s11], [sflag:$0x6], $0x8000, $0x38;
	[tilespmem:$0x18000] =	vst v63  }
0x28a: {  	_ =	swait.ge [sflag:s10], $0x8000  }
0x28b: {  	[sflag:s10] =	ssyncset.done $0x0  }
0x28c: {  	[sflag:s10] =	ssyncadd.s32 $0xFFFF8000  }
0x28d: {  	[tilespmem:s14], [sflag:$0x2] =	stream.linear.gather [hbm4b:s30+s2], $0x8000, $0x38;
	[tilespmem:$0x18000] =	vst v63  }
0x28e: {  	_ =	swait.ge [sflag:s6], $0x8000  }
0x28f: {  	[sflag:s6] =	ssyncset.done $0x0  }
0x290: {  	[sflag:s6] =	ssyncadd.s32 $0xFFFF8000  }
0x291: {  	[tilespmem:v1+s2+$0x0] =	vst.idx.msk $0xffff, v0  }
0x292: {  	[tilespmem:v2+s2+$0x0] =	vst.idx.msk $0xffff, v0  }
0x293: {  	[tilespmem:v3+s2+$0x0] =	vst.idx.msk $0xffff, v0  }
0x294: {  	[tilespmem:v4+s2+$0x0] =	vst.idx.msk $0xffff, v0  }
0x295: {  	[tilespmem:v5+s2+$0x0] =	vst.idx.msk $0xffff, v0  }
0x296: {  	[tilespmem:v6+s2+$0x0] =	vst.idx.msk $0xffff, v0  }
0x297: {  	[tilespmem:v7+s2+$0x0] =	vst.idx.msk $0xffff, v0  }
0x298: {  	[tilespmem:v8+s2+$0x0] =	vst.idx.msk $0xffff, v0  }
0x299: {  	[hbm4b:s29+s2] =	stream.linear.scatter [tilespmem:s2], [sflag:$0x4], $0x8000, $0x38;
	[tilespmem:$0x18000] =	vst v63  }
0x29a: {  	_ =	swait.ge [sflag:s8], $0x8000  }
0x29b: {  	[sflag:s8] =	ssyncset.done $0x0  }
0x29c: {  	[sflag:s8] =	ssyncadd.s32 $0xFFFF8000  }
0x29d: {  	[tilespmem:s11], [sflag:$0x3] =	stream.linear.gather [hbm4b:s28+s2], $0x8000, $0x38;
	[tilespmem:$0x18000] =	vst v63  }
0x29e: {  	_ =	swait.ge [sflag:s20], $0x8000  }
0x29f: {  	[sflag:s20] =	ssyncset.done $0x0  }
0x2a0: {  	[sflag:s20] =	ssyncadd.s32 $0xFFFF8000  }
0x2a1: {  	[tilespmem:v11+s2+$0x0] =	vst.idx.msk $0xffff, v0  }
0x2a2: {  	[tilespmem:v15+s2+$0x0] =	vst.idx.msk $0xffff, v0  }
0x2a3: {  	[tilespmem:v16+s2+$0x0] =	vst.idx.msk $0xffff, v0  }
0x2a4: {  	[tilespmem:v17+s2+$0x0] =	vst.idx.msk $0xffff, v0  }
0x2a5: {  	[tilespmem:v21+s2+$0x0] =	vst.idx.msk $0xffff, v0  }
0x2a6: {  	[tilespmem:v22+s2+$0x0] =	vst.idx.msk $0xffff, v0  }
0x2a7: {  	[tilespmem:v23+s2+$0x0] =	vst.idx.msk $0xffff, v0  }
0x2a8: {  	[tilespmem:v24+s2+$0x0] =	vst.idx.msk $0xffff, v0  }
0x2a9: {  	[hbm4b:s26+s2] =	stream.linear.scatter [tilespmem:s14], [sflag:$0x5], $0x8000, $0x38;
	[tilespmem:$0x18000] =	vst v63  }
0x2aa: {  	_ =	swait.ge [sflag:s5], $0x8000  }
0x2ab: {  	[sflag:s5] =	ssyncset.done $0x0  }
0x2ac: {  	[sflag:s5] =	ssyncadd.s32 $0xFFFF8000  }
0x2ad: {  	[tilespmem:s2], [sflag:$0x1] =	stream.linear.gather [hbm4b:s25+s2], $0x8000, $0x38;
	[tilespmem:$0x18000] =	vst v63  }
0x2ae: {  	_ =	swait.ge [sflag:s17], $0x8000  }
0x2af: {  	[sflag:s17] =	ssyncset.done $0x0  }
0x2b0: {  	[sflag:s17] =	ssyncadd.s32 $0xFFFF8000  }
0x2b1: {  	[tilespmem:v9+s2+$0x0] =	vst.idx.msk $0xffff, v0  }
0x2b2: {  	[tilespmem:v10+s2+$0x0] =	vst.idx.msk $0xffff, v0  }
0x2b3: {  	[tilespmem:v12+s2+$0x0] =	vst.idx.msk $0xffff, v0  }
0x2b4: {  	[tilespmem:v13+s2+$0x0] =	vst.idx.msk $0xffff, v0  }
0x2b5: {  	[tilespmem:v14+s2+$0x0] =	vst.idx.msk $0xffff, v0  }
0x2b6: {  	[tilespmem:v18+s2+$0x0] =	vst.idx.msk $0xffff, v0  }
0x2b7: {  	[tilespmem:v19+s2+$0x0] =	vst.idx.msk $0xffff, v0  }
0x2b8: {  	[tilespmem:v20+s2+$0x0] =	vst.idx.msk $0xffff, v0  }
0x2b9: {  	[hbm4b:s23+s2] =	stream.linear.scatter [tilespmem:s11], [sflag:$0x6], $0x8000, $0x38;
	[tilespmem:$0x18000] =	vst v63  }
0x2ba: {  	_ =	swait.ge [sflag:s10], $0x8000  }
0x2bb: {  	[sflag:s10] =	ssyncset.done $0x0  }
0x2bc: {  	[sflag:s10] =	ssyncadd.s32 $0xFFFF8000  }
0x2bd: {  	[tilespmem:s14], [sflag:$0x2] =	stream.linear.gather [hbm4b:s24+s2], $0x8000, $0x38;
	[tilespmem:$0x18000] =	vst v63  }
0x2be: {  	_ =	swait.ge [sflag:s6], $0x8000  }
0x2bf: {  	[sflag:s6] =	ssyncset.done $0x0  }
0x2c0: {  	[sflag:s6] =	ssyncadd.s32 $0xFFFF8000  }
0x2c1: {  	[tilespmem:v1+s2+$0x0] =	vst.idx.msk $0xffff, v0  }
0x2c2: {  	[tilespmem:v2+s2+$0x0] =	vst.idx.msk $0xffff, v0  }
0x2c3: {  	[tilespmem:v3+s2+$0x0] =	vst.idx.msk $0xffff, v0  }
0x2c4: {  	[tilespmem:v4+s2+$0x0] =	vst.idx.msk $0xffff, v0  }
0x2c5: {  	[tilespmem:v5+s2+$0x0] =	vst.idx.msk $0xffff, v0  }
0x2c6: {  	[tilespmem:v6+s2+$0x0] =	vst.idx.msk $0xffff, v0  }
0x2c7: {  	[tilespmem:v7+s2+$0x0] =	vst.idx.msk $0xffff, v0  }
0x2c8: {  	[tilespmem:v8+s2+$0x0] =	vst.idx.msk $0xffff, v0  }
0x2c9: {  	[hbm4b:s22+s2] =	stream.linear.scatter [tilespmem:s2], [sflag:$0x4], $0x8000, $0x38;
	[tilespmem:$0x18000] =	vst v63  }
0x2ca: {  	_ =	swait.ge [sflag:s8], $0x8000  }
0x2cb: {  	[sflag:s8] =	ssyncset.done $0x0  }
0x2cc: {  	[sflag:s8] =	ssyncadd.s32 $0xFFFF8000  }
0x2cd: {  	[tilespmem:s11], [sflag:$0x3] =	stream.linear.gather [hbm4b:s21+s2], $0x8000, $0x38;
	[tilespmem:$0x18000] =	vst v63  }
0x2ce: {  	_ =	swait.ge [sflag:s20], $0x8000  }
0x2cf: {  	[sflag:s20] =	ssyncset.done $0x0  }
0x2d0: {  	[sflag:s20] =	ssyncadd.s32 $0xFFFF8000  }
0x2d1: {  	[tilespmem:v11+s2+$0x0] =	vst.idx.msk $0xffff, v0  }
0x2d2: {  	[tilespmem:v15+s2+$0x0] =	vst.idx.msk $0xffff, v0  }
0x2d3: {  	[tilespmem:v16+s2+$0x0] =	vst.idx.msk $0xffff, v0  }
0x2d4: {  	[tilespmem:v17+s2+$0x0] =	vst.idx.msk $0xffff, v0  }
0x2d5: {  	[tilespmem:v21+s2+$0x0] =	vst.idx.msk $0xffff, v0  }
0x2d6: {  	[tilespmem:v22+s2+$0x0] =	vst.idx.msk $0xffff, v0  }
0x2d7: {  	[tilespmem:v23+s2+$0x0] =	vst.idx.msk $0xffff, v0  }
0x2d8: {  	[tilespmem:v24+s2+$0x0] =	vst.idx.msk $0xffff, v0  }
0x2d9: {  	[hbm4b:s18+s2] =	stream.linear.scatter [tilespmem:s14], [sflag:$0x5], $0x8000, $0x38;
	[tilespmem:$0x18000] =	vst v63  }
0x2da: {  	_ =	swait.ge [sflag:s5], $0x8000  }
0x2db: {  	[sflag:s5] =	ssyncset.done $0x0  }
0x2dc: {  	[sflag:s5] =	ssyncadd.s32 $0xFFFF8000  }
0x2dd: {  	[tilespmem:s2], [sflag:$0x1] =	stream.linear.gather [hbm4b:s19+s2], $0x8000, $0x38;
	[tilespmem:$0x18000] =	vst v63  }
0x2de: {  	_ =	swait.ge [sflag:s17], $0x8000  }
0x2df: {  	[sflag:s17] =	ssyncset.done $0x0  }
0x2e0: {  	[sflag:s17] =	ssyncadd.s32 $0xFFFF8000  }
0x2e1: {  	[tilespmem:v9+s2+$0x0] =	vst.idx.msk $0xffff, v0  }
0x2e2: {  	[tilespmem:v10+s2+$0x0] =	vst.idx.msk $0xffff, v0  }
0x2e3: {  	[tilespmem:v12+s2+$0x0] =	vst.idx.msk $0xffff, v0  }
0x2e4: {  	[tilespmem:v13+s2+$0x0] =	vst.idx.msk $0xffff, v0  }
0x2e5: {  	[tilespmem:v14+s2+$0x0] =	vst.idx.msk $0xffff, v0  }
0x2e6: {  	[tilespmem:v18+s2+$0x0] =	vst.idx.msk $0xffff, v0  }
0x2e7: {  	[tilespmem:v19+s2+$0x0] =	vst.idx.msk $0xffff, v0  }
0x2e8: {  	[tilespmem:v20+s2+$0x0] =	vst.idx.msk $0xffff, v0  }
0x2e9: {  	[hbm4b:s16+s2] =	stream.linear.scatter [tilespmem:s11], [sflag:$0x6], $0x8000, $0x38;
	[tilespmem:$0x18000] =	vst v63  }
0x2ea: {  	_ =	swait.ge [sflag:s10], $0x8000  }
0x2eb: {  	[sflag:s10] =	ssyncset.done $0x0  }
0x2ec: {  	[sflag:s10] =	ssyncadd.s32 $0xFFFF8000  }
0x2ed: {  	[tilespmem:s14], [sflag:$0x2] =	stream.linear.gather [hbm4b:s15+s2], $0x8000, $0x38;
	[tilespmem:$0x18000] =	vst v63  }
0x2ee: {  	_ =	swait.ge [sflag:s6], $0x8000  }
0x2ef: {  	[sflag:s6] =	ssyncset.done $0x0  }
0x2f0: {  	[sflag:s6] =	ssyncadd.s32 $0xFFFF8000  }
0x2f1: {  	[tilespmem:v1+s2+$0x0] =	vst.idx.msk $0xffff, v0  }
0x2f2: {  	[tilespmem:v2+s2+$0x0] =	vst.idx.msk $0xffff, v0  }
0x2f3: {  	[tilespmem:v3+s2+$0x0] =	vst.idx.msk $0xffff, v0  }
0x2f4: {  	[tilespmem:v4+s2+$0x0] =	vst.idx.msk $0xffff, v0  }
0x2f5: {  	[tilespmem:v5+s2+$0x0] =	vst.idx.msk $0xffff, v0  }
0x2f6: {  	[tilespmem:v6+s2+$0x0] =	vst.idx.msk $0xffff, v0  }
0x2f7: {  	[tilespmem:v7+s2+$0x0] =	vst.idx.msk $0xffff, v0  }
0x2f8: {  	[tilespmem:v8+s2+$0x0] =	vst.idx.msk $0xffff, v0  }
0x2f9: {  	[hbm4b:s12+s2] =	stream.linear.scatter [tilespmem:s2], [sflag:$0x4], $0x8000, $0x38;
	[tilespmem:$0x18000] =	vst v63  }
0x2fa: {  	_ =	swait.ge [sflag:s8], $0x8000  }
0x2fb: {  	[sflag:s8] =	ssyncset.done $0x0  }
0x2fc: {  	[sflag:s8] =	ssyncadd.s32 $0xFFFF8000  }
0x2fd: {  	[tilespmem:s11], [sflag:$0x3] =	stream.linear.gather [hbm4b:s13+s2], $0x8000, $0x38;
	[tilespmem:$0x18000] =	vst v63  }
0x2fe: {  	_ =	swait.ge [sflag:s20], $0x8000  }
0x2ff: {  	[sflag:s20] =	ssyncset.done $0x0  }
0x300: {  	[sflag:s20] =	ssyncadd.s32 $0xFFFF8000  }
0x301: {  	[tilespmem:v11+s2+$0x0] =	vst.idx.msk $0xffff, v0  }
0x302: {  	[tilespmem:v15+s2+$0x0] =	vst.idx.msk $0xffff, v0  }
0x303: {  	[tilespmem:v16+s2+$0x0] =	vst.idx.msk $0xffff, v0  }
0x304: {  	[tilespmem:v17+s2+$0x0] =	vst.idx.msk $0xffff, v0  }
0x305: {  	[tilespmem:v21+s2+$0x0] =	vst.idx.msk $0xffff, v0  }
0x306: {  	[tilespmem:v22+s2+$0x0] =	vst.idx.msk $0xffff, v0  }
0x307: {  	[tilespmem:v23+s2+$0x0] =	vst.idx.msk $0xffff, v0  }
0x308: {  	[tilespmem:v24+s2+$0x0] =	vst.idx.msk $0xffff, v0  }
0x309: {  	[hbm4b:s9+s2] =	stream.linear.scatter [tilespmem:s14], [sflag:$0x5], $0x8000, $0x38;
	[tilespmem:$0x18000] =	vst v63  }
0x30a: {  	_ =	swait.ge [sflag:s5], $0x8000  }
0x30b: {  	[sflag:s5] =	ssyncset.done $0x0  }
0x30c: {  	[sflag:s5] =	ssyncadd.s32 $0xFFFF8000  }
0x30d: {  	[tilespmem:s2], [sflag:$0x1] =	stream.linear.gather [hbm4b:s7+s2], $0x8000, $0x38;
	[tilespmem:$0x18000] =	vst v63  }
0x30e: {  	_ =	swait.ge [sflag:s17], $0x8000  }
0x30f: {  	[sflag:s17] =	ssyncset.done $0x0  }
0x310: {  	[sflag:s17] =	ssyncadd.s32 $0xFFFF8000  }
0x311: {  	[tilespmem:v9+s2+$0x0] =	vst.idx.msk $0xffff, v0  }
0x312: {  	[tilespmem:v10+s2+$0x0] =	vst.idx.msk $0xffff, v0  }
0x313: {  	[tilespmem:v12+s2+$0x0] =	vst.idx.msk $0xffff, v0  }
0x314: {  	[tilespmem:v13+s2+$0x0] =	vst.idx.msk $0xffff, v0  }
0x315: {  	[tilespmem:v14+s2+$0x0] =	vst.idx.msk $0xffff, v0  }
0x316: {  	[tilespmem:v18+s2+$0x0] =	vst.idx.msk $0xffff, v0  }
0x317: {  	[tilespmem:v19+s2+$0x0] =	vst.idx.msk $0xffff, v0  }
0x318: {  	[tilespmem:v20+s2+$0x0] =	vst.idx.msk $0xffff, v0  }
0x319: {  	[hbm4b:s4+s2] =	stream.linear.scatter [tilespmem:s11], [sflag:$0x6], $0x8000, $0x38;
	[tilespmem:$0x18000] =	vst v63  }
0x31a: {  	_ =	swait.ge [sflag:s6], $0x8000  }
0x31b: {  	[sflag:s6] =	ssyncset.done $0x0  }
0x31c: {  	[sflag:s6] =	ssyncadd.s32 $0xFFFF8000  }
0x31d: {  	[tilespmem:v1+s2+$0x0] =	vst.idx.msk $0xffff, v0  }
0x31e: {  	[tilespmem:v2+s2+$0x0] =	vst.idx.msk $0xffff, v0  }
0x31f: {  	[tilespmem:v3+s2+$0x0] =	vst.idx.msk $0xffff, v0  }
0x320: {  	[tilespmem:v4+s2+$0x0] =	vst.idx.msk $0xffff, v0  }
0x321: {  	[tilespmem:v5+s2+$0x0] =	vst.idx.msk $0xffff, v0  }
0x322: {  	[tilespmem:v6+s2+$0x0] =	vst.idx.msk $0xffff, v0  }
0x323: {  	[tilespmem:v7+s2+$0x0] =	vst.idx.msk $0xffff, v0  }
0x324: {  	[tilespmem:v8+s2+$0x0] =	vst.idx.msk $0xffff, v0  }
0x325: {  	[hbm4b:s3+s2] =	stream.linear.scatter [tilespmem:s2], [sflag:$0x4], $0x8000, $0x38;
	[tilespmem:$0x18000] =	vst v63  }
0x326: {  	_ =	swait.ge [sflag:s10], $0x8000  }
0x327: {  	[sflag:s10] =	ssyncset.done $0x0  }
0x328: {  	[sflag:s10] =	ssyncadd.s32 $0xFFFF8000  }
0x329: {  	_ =	swait.ge [sflag:s8], $0x8000  }
0x32a: {  	[sflag:s8] =	ssyncset.done $0x0  }
0x32b: {  	[sflag:s8] =	ssyncadd.s32 $0xFFFF8000  }
0x32c: {  	_ =	swait.ge [sflag:s5], $0x8000  }
0x32d: {  	[sflag:s5] =	ssyncset.done $0x0  }
0x32e: {  	[sflag:s5] =	ssyncadd.s32 $0xFFFF8000  }
0x32f: {  	_ =	sfence.sel $0x180000  }
0x330: {  	[bflag:$0x0] =	sbarrier.arrive $0xFFFF  }
0x331: {  	_ =	strace $0x90000047  }
0x332: {  	s31 =	stileid.u32;
	[bflag:$0x2] =	sbarrier.arrive $0xFFFF  }
0x333: {  	p0 =	sne.s32 s31, $0x0;
	s0 =	rddreg [dreg:$0x2]  }
0x334: {  	s0 =	sadd.s32 @!p0 $0x100000, s0  }
0x335: {  	[sflag:s0] =	ssyncadd.tile.s32 @!p0 $0x1;
	_ =	shalt  }
.Lfunc_end2:
_tile_overlayer_lowered:
.L_overlay_start_2:
0x336: {  	(tag) =	ssettag $0x2  }
0x337: {  	s0 =	rddreg [dreg:$0x0];
	s2 =	stileid.u32  }
0x338: {  	s1 =	rddreg [dreg:$0x1];
	p0 =	sne.s32 s2, $0x0  }
0x339: {  	s3 =	rddreg [dreg:$0x2];
	[bflag:$0x3] =	sbarrier.arrive $0xFFFF;
	s2 =	simm.s32 @!p0 $0x1C07  }
0x33a: {  	[timem:s3], [sflag:s2] =	dma.local @!p0 [hbm:s0], s1  }
0x33b: {  	s0 =	simm.s32 @!p0 $0x7  }
0x33c: {  	_ =	swait.ge @!p0 [sflag:s0], s1  }
0x33d: {  	s1 =	ssub.s32 @!p0 $0x0, s1;
	[sflag:s0] =	ssyncset.done @!p0 $0x0  }
0x33e: {  	[sflag:s0] =	ssyncadd.s32 @!p0 s1  }
0x33f: {  	[bflag:$0x3] =	sbarrier.arrive $0xFFFF  }
0x340: {  	_ =	shalt  }

</sc_bundles>
